<compile_context>
chip_gen: v7x
topology: tpu7x:2x2x1
jax: 0.10.2.dev20260603
libtpu: 0.0.44.dev20260713+nightly
codegen_flags: <defaults>
</compile_context>

<pallas_src>
import functools

import jax
import jax.numpy as jnp
import numpy as np
from jax import lax
from jax.experimental import pallas as pl
from jax.experimental.pallas import tpu as pltpu
from jax.experimental.pallas import tpu_sc as plsc

B = 16384
F = 26
V = 100000
K = 16
D = 13
H1 = 256
H2 = 128

NC = 2
NS = 16
NW = NC * NS
NIDX = (B * F) // NW
CH = 1024
NCHUNK = NIDX // CH


def _sc_gather_body(emb2d, fm1d, idx_hbm, emb_out, fm_out,
                    idx_v, rows0, rows1, fmv0, fmv1, sem0, sem1):
    wid = lax.axis_index("s") * NC + lax.axis_index("c")
    base = wid * NIDX
    pltpu.sync_copy(idx_hbm.at[wid], idx_v)

    rows = (rows0, rows1)
    fmv = (fmv0, fmv1)
    sems = (sem0, sem1)

    def issue(c, slot):
        idxs = idx_v.at[pl.ds(c * CH, CH)]
        cp_e = pltpu.async_copy(emb2d.at[idxs], rows[slot], sems[slot])
        cp_f = pltpu.async_copy(fm1d.at[idxs], fmv[slot], sems[slot])
        return cp_e, cp_f

    cur = issue(0, 0)
    for c in range(NCHUNK):
        slot = c % 2
        nxt = issue(c + 1, (c + 1) % 2) if c + 1 < NCHUNK else None
        cur[0].wait()
        cur[1].wait()
        pltpu.sync_copy(rows[slot], emb_out.at[pl.ds(base + c * CH, CH)])
        pltpu.sync_copy(fmv[slot], fm_out.at[pl.ds(base + c * CH, CH)])
        cur = nxt


def _sc_gather(emb2d, fm1d, idx):
    run = pl.kernel(
        _sc_gather_body,
        out_type=(
            jax.ShapeDtypeStruct((B * F, K), jnp.bfloat16),
            jax.ShapeDtypeStruct((B * F,), jnp.float32),
        ),
        mesh=plsc.VectorSubcoreMesh(
            core_axis_name="c", subcore_axis_name="s", num_cores=NC,
            num_subcores=NS),
        scratch_types=[
            pltpu.VMEM((NIDX,), jnp.int32),
            pltpu.VMEM((CH, K), jnp.bfloat16),
            pltpu.VMEM((CH, K), jnp.bfloat16),
            pltpu.VMEM((CH,), jnp.float32),
            pltpu.VMEM((CH,), jnp.float32),
            pltpu.SemaphoreType.DMA,
            pltpu.SemaphoreType.DMA,
        ],
        compiler_params=pltpu.CompilerParams(use_tc_tiling_on_sc=False),
    )
    return run(emb2d, fm1d, idx)


BS = 512
NB = B // BS

_S_NP = np.tile(np.eye(K, dtype=np.float32), (F, 1))


def _p1_body(emb_ref, xd_ref, fm1_ref, w1a_ref, w1b_ref, b1_ref,
             wd1_ref, bd1_ref, s_ref, h1_ref, stats_ref, base_ref):
    i = pl.program_id(0)
    emb = emb_ref[...].astype(jnp.float32)
    xd = xd_ref[...]
    h1 = (jnp.dot(emb, w1a_ref[...], preferred_element_type=jnp.float32)
          + jnp.dot(xd, w1b_ref[...], preferred_element_type=jnp.float32)
          + b1_ref[...])
    h1_ref[...] = h1
    stats = jnp.concatenate(
        [jnp.sum(h1, axis=0, keepdims=True),
         jnp.sum(h1 * h1, axis=0, keepdims=True)], axis=0)

    @pl.when(i == 0)
    def _():
        stats_ref[...] = stats

    @pl.when(i != 0)
    def _():
        stats_ref[...] = stats_ref[...] + stats

    s = jnp.dot(emb, s_ref[...], preferred_element_type=jnp.float32)
    q = jnp.dot(emb * emb, s_ref[...], preferred_element_type=jnp.float32)
    fm_y = 0.5 * jnp.sum(s * s - q, axis=1, keepdims=True)
    y1 = (jnp.sum(fm1_ref[...], axis=1, keepdims=True)
          + jnp.dot(xd, wd1_ref[...], preferred_element_type=jnp.float32)
          + bd1_ref[...])
    base_ref[...] = y1 + fm_y


def _p2_body(h1_ref, stats1_ref, g1_ref, be1_ref, w2_ref, b2_ref,
             h2_ref, stats_ref):
    i = pl.program_id(0)
    mu = stats1_ref[0:1, :] * (1.0 / B)
    var = stats1_ref[1:2, :] * (1.0 / B) - mu * mu
    h = (h1_ref[...] - mu) * lax.rsqrt(var + 1e-5) * g1_ref[...] + be1_ref[...]
    h = jnp.maximum(h, 0.0)
    h2 = jnp.dot(h, w2_ref[...], preferred_element_type=jnp.float32) + b2_ref[...]
    h2_ref[...] = h2
    stats = jnp.concatenate(
        [jnp.sum(h2, axis=0, keepdims=True),
         jnp.sum(h2 * h2, axis=0, keepdims=True)], axis=0)

    @pl.when(i == 0)
    def _():
        stats_ref[...] = stats

    @pl.when(i != 0)
    def _():
        stats_ref[...] = stats_ref[...] + stats


def _p3_body(h2_ref, stats2_ref, g2_ref, be2_ref, wout_ref, bout_ref,
             base_ref, out_ref):
    mu = stats2_ref[0:1, :] * (1.0 / B)
    var = stats2_ref[1:2, :] * (1.0 / B) - mu * mu
    h = (h2_ref[...] - mu) * lax.rsqrt(var + 1e-5) * g2_ref[...] + be2_ref[...]
    h = jnp.maximum(h, 0.0)
    dnn = jnp.dot(h, wout_ref[...], preferred_element_type=jnp.float32) + bout_ref[...]
    out_ref[...] = base_ref[...] + dnn


def _full(shape):
    return pl.BlockSpec(shape, lambda i: (0,) * len(shape))


def _rows(cols):
    return pl.BlockSpec((BS, cols), lambda i: (i, 0))


def kernel(X_cat, X_dense, fm1_tables, emb_tables, w_dense1, b_dense1,
           W1, b1, g1, be1, W2, b2, g2, be2, Wout, bout):
    f_off = jnp.asarray(np.arange(F, dtype=np.int32) * V)
    idx = (X_cat.astype(jnp.int32) + f_off[None, :]).reshape(NW, NIDX)
    emb2d = emb_tables.astype(jnp.bfloat16).reshape(F * V, K)
    fm1d = fm1_tables.reshape(F * V)

    emb_rows, fm1_vals = _sc_gather(emb2d, fm1d, idx)
    emb_flat = emb_rows.reshape(B, F * K)
    fm1_bf = fm1_vals.reshape(B, F)

    h1, stats1, base = pl.pallas_call(
        _p1_body,
        grid=(NB,),
        in_specs=[
            _rows(F * K), _rows(D), _rows(F),
            _full((F * K, H1)), _full((D, H1)), _full((1, H1)),
            _full((D, 1)), _full((1, 1)), _full((F * K, K)),
        ],
        out_specs=[
            _rows(H1),
            pl.BlockSpec((2, H1), lambda i: (0, 0)),
            _rows(1),
        ],
        out_shape=[
            jax.ShapeDtypeStruct((B, H1), jnp.float32),
            jax.ShapeDtypeStruct((2, H1), jnp.float32),
            jax.ShapeDtypeStruct((B, 1), jnp.float32),
        ],
    )(emb_flat, X_dense, fm1_bf, W1[:, :F * K].T, W1[:, F * K:].T,
      b1[None, :], w_dense1.T, b_dense1[None, :], jnp.asarray(_S_NP))

    h2, stats2 = pl.pallas_call(
        _p2_body,
        grid=(NB,),
        in_specs=[
            _rows(H1), _full((2, H1)), _full((1, H1)), _full((1, H1)),
            _full((H1, H2)), _full((1, H2)),
        ],
        out_specs=[
            _rows(H2),
            pl.BlockSpec((2, H2), lambda i: (0, 0)),
        ],
        out_shape=[
            jax.ShapeDtypeStruct((B, H2), jnp.float32),
            jax.ShapeDtypeStruct((2, H2), jnp.float32),
        ],
    )(h1, stats1, g1[None, :], be1[None, :], W2.T, b2[None, :])

    out = pl.pallas_call(
        _p3_body,
        grid=(NB,),
        in_specs=[
            _rows(H2), _full((2, H2)), _full((1, H2)), _full((1, H2)),
            _full((H2, 1)), _full((1, 1)), _rows(1),
        ],
        out_specs=_rows(1),
        out_shape=jax.ShapeDtypeStruct((B, 1), jnp.float32),
    )(h2, stats2, g2[None, :], be2[None, :], Wout.T, bout[None, :], base)

    return out

# --- scband reference (transcript-rebuilt; emitter-appended) ---
"""Pipeline reference for scband-deep-fm-4131758539319 (READ-ONLY COPY).

The authoritative reference and input builder live on the scoring server;
editing this copy changes nothing except your own understanding.
"""

import jax, jax.numpy as jnp
import numpy as np

B = 16384
F = 26
V = 100000
K = 16
D = 13
H1 = 256
H2 = 128
IN = F * K + D


def setup_inputs(seed: int = 0) -> dict:
    key = jax.random.key(seed)
    ks = jax.random.split(key, 16)
    X_cat = jax.random.randint(ks[0], (B, F), 0, V)
    X_dense = jax.random.normal(ks[1], (B, D), dtype=jnp.float32)
    fm1_tables = jax.random.normal(ks[2], (F, V, 1), dtype=jnp.float32) * 0.01
    emb_tables = jax.random.normal(ks[3], (F, V, K), dtype=jnp.float32) * 0.01
    w_dense1 = jax.random.normal(ks[4], (1, D), dtype=jnp.float32) * 0.1
    b_dense1 = jnp.zeros((1,), dtype=jnp.float32)
    W1 = jax.random.normal(ks[5], (H1, IN), dtype=jnp.float32) * 0.05
    b1 = jnp.zeros((H1,), dtype=jnp.float32)
    g1 = jnp.ones((H1,), dtype=jnp.float32)
    be1 = jnp.zeros((H1,), dtype=jnp.float32)
    W2 = jax.random.normal(ks[6], (H2, H1), dtype=jnp.float32) * 0.05
    b2 = jnp.zeros((H2,), dtype=jnp.float32)
    g2 = jnp.ones((H2,), dtype=jnp.float32)
    be2 = jnp.zeros((H2,), dtype=jnp.float32)
    Wout = jax.random.normal(ks[7], (1, H2), dtype=jnp.float32) * 0.05
    bout = jnp.zeros((1,), dtype=jnp.float32)
    return {"X_cat": X_cat, "X_dense": X_dense, "fm1_tables": fm1_tables,
            "emb_tables": emb_tables, "w_dense1": w_dense1, "b_dense1": b_dense1,
            "W1": W1, "b1": b1, "g1": g1, "be1": be1,
            "W2": W2, "b2": b2, "g2": g2, "be2": be2,
            "Wout": Wout, "bout": bout}


def _bn(x, g, b, eps=1e-5):
    mu = jnp.mean(x, axis=0, keepdims=True)
    var = jnp.var(x, axis=0, keepdims=True)
    return (x - mu) / jnp.sqrt(var + eps) * g + b


def reference(X_cat, X_dense, fm1_tables, emb_tables, w_dense1, b_dense1,
              W1, b1, g1, be1, W2, b2, g2, be2, Wout, bout):
    f_idx = jnp.arange(F)[None, :]
    # 1st order: per-field scalar embedding lookup -> [B, F, 1]
    x_cat_1st = fm1_tables[f_idx, X_cat]
    x_cat_1st = jnp.sum(x_cat_1st, axis=1)  # [B, 1]
    x_dense_1st = X_dense @ w_dense1.T + b_dense1  # [B, 1]
    y_1st = x_cat_1st + x_dense_1st
    # 2nd order: dense embeddings -> [B, F, K]
    emb = emb_tables[f_idx, X_cat]
    sum_of_square = jnp.sum(emb, axis=1) ** 2
    square_of_sum = jnp.sum(emb ** 2, axis=1)
    ix = sum_of_square - square_of_sum
    fm_y = 0.5 * jnp.sum(ix, axis=1, keepdims=True)
    # DNN
    flat = jnp.concatenate([emb.reshape(emb.shape[0], F * K), X_dense], axis=1)
    h = flat @ W1.T + b1
    h = jax.nn.relu(_bn(h, g1, be1))
    h = h @ W2.T + b2
    h = jax.nn.relu(_bn(h, g2, be2))
    dnn_y = h @ Wout.T + bout
    return y_1st + fm_y + dnn_y

if __name__ == "__main__":
    import jax
    _d = setup_inputs()
    print(jax.jit(kernel)(*tuple(_d.values())))

</pallas_src>

<mosaic_0001>
#map = affine_map<(d0, d1) -> (0, 0)>
#map1 = affine_map<(d0, d1) -> (0)>
module attributes {stable_mosaic.version = 14 : i64} {
  func.func @_sc_gather_body(%arg0: i32, %arg1: i32, %arg2: memref<2600000x16xbf16, #tpu.memory_space<hbm>>, %arg3: memref<2600000xf32, #tpu.memory_space<hbm>>, %arg4: memref<32x13312xi32, #tpu.memory_space<hbm>>, %arg5: memref<425984x16xbf16, #tpu.memory_space<hbm>>, %arg6: memref<425984xf32, #tpu.memory_space<hbm>>, %arg7: memref<13312xi32, #tpu.memory_space<vmem>>, %arg8: memref<1024x16xbf16, #tpu.memory_space<vmem>>, %arg9: memref<1024x16xbf16, #tpu.memory_space<vmem>>, %arg10: memref<1024xf32, #tpu.memory_space<vmem>>, %arg11: memref<1024xf32, #tpu.memory_space<vmem>>, %arg12: memref<!tpu.dma_semaphore, #tpu.memory_space<semaphore_mem>>, %arg13: memref<!tpu.dma_semaphore, #tpu.memory_space<semaphore_mem>>) attributes {dimension_semantics = [#tpu.dimension_semantics<core_parallel>, #tpu.dimension_semantics<subcore_parallel>], iteration_bounds = array<i64: 2, 16>, scalar_prefetch = 0 : i64, scratch_operands = 7 : i64, tpu.core_type = #tpu.core_type<sc_vector_subcore>, window_params = [{transform_indices = #map}, {transform_indices = #map1}, {transform_indices = #map}, {transform_indices = #map}, {transform_indices = #map1}]} {
    %mul3A = arith.constant 2 : i32
    %mul3A_0 = arith.muli %arg1, %mul3A : i32
    %add3A = arith.addi %mul3A_0, %arg0 : i32
    %mul3A_1 = arith.constant 13312 : i32
    %mul3A_2 = arith.muli %add3A, %mul3A_1 : i32
    "tpu.region"() ({
      %run_scoped3A = tpu.sem_alloc : memref<!tpu.dma_semaphore, #tpu.memory_space<semaphore_mem>>
      %dma_start3A_287 = arith.constant 0 : i32
      %dma_start3A_288 = tpu.memref_slice %arg4[%add3A, %dma_start3A_287] : memref<32x13312xi32, #tpu.memory_space<hbm>> -> memref<1x13312xi32, #tpu.memory_space<hbm>>
      %dma_start3A_289 = tpu.memref_squeeze %dma_start3A_288 : memref<1x13312xi32, #tpu.memory_space<hbm>> -> memref<13312xi32, #tpu.memory_space<hbm>>
      %dma_start3A_290 = arith.constant 0 : i32
      %dma_start3A_291 = tpu.memref_slice %arg4[%add3A, %dma_start3A_290] : memref<32x13312xi32, #tpu.memory_space<hbm>> -> memref<1x13312xi32, #tpu.memory_space<hbm>>
      %dma_start3A_292 = tpu.memref_squeeze %dma_start3A_291 : memref<1x13312xi32, #tpu.memory_space<hbm>> -> memref<13312xi32, #tpu.memory_space<hbm>>
      tpu.enqueue_dma source(%dma_start3A_292 : memref<13312xi32, #tpu.memory_space<hbm>>) target(%arg7 : memref<13312xi32, #tpu.memory_space<vmem>>) target_semaphore(%run_scoped3A : memref<!tpu.dma_semaphore, #tpu.memory_space<semaphore_mem>>)
      %dma_wait3A_293 = arith.constant 0 : i32
      %dma_wait3A_294 = tpu.memref_slice %arg4[%add3A, %dma_wait3A_293] : memref<32x13312xi32, #tpu.memory_space<hbm>> -> memref<1x13312xi32, #tpu.memory_space<hbm>>
      %dma_wait3A_295 = tpu.memref_squeeze %dma_wait3A_294 : memref<1x13312xi32, #tpu.memory_space<hbm>> -> memref<13312xi32, #tpu.memory_space<hbm>>
      %dma_wait3A_296 = arith.constant 0 : i32
      %dma_wait3A_297 = tpu.memref_slice %arg4[%add3A, %dma_wait3A_296] : memref<32x13312xi32, #tpu.memory_space<hbm>> -> memref<1x13312xi32, #tpu.memory_space<hbm>>
      %dma_wait3A_298 = tpu.memref_squeeze %dma_wait3A_297 : memref<1x13312xi32, #tpu.memory_space<hbm>> -> memref<13312xi32, #tpu.memory_space<hbm>>
      tpu.wait_dma2 semaphore(%run_scoped3A : memref<!tpu.dma_semaphore, #tpu.memory_space<semaphore_mem>>) src(%dma_wait3A_298 : memref<13312xi32, #tpu.memory_space<hbm>>) dst(%arg7 : memref<13312xi32, #tpu.memory_space<vmem>>)
      tpu.yield
    }) : () -> ()
    %dma_start3A = arith.constant 0 : i32
    %dma_start3A_3 = tpu.memref_slice %arg7[%dma_start3A] : memref<13312xi32, #tpu.memory_space<vmem>> -> memref<1024xi32, #tpu.memory_space<vmem>>
    %dma_start3A_4 = arith.constant 0 : i32
    %dma_start3A_5 = arith.constant 0 : i32
    %dma_start3A_6 = tpu.memref_slice %arg2[%dma_start3A_4, %dma_start3A_5] : memref<2600000x16xbf16, #tpu.memory_space<hbm>> -> memref<2600000x16xbf16, #tpu.memory_space<hbm>>
    tpu.enqueue_indirect_dma source(%dma_start3A_6 : memref<2600000x16xbf16, #tpu.memory_space<hbm>>) target(%arg8 : memref<1024x16xbf16, #tpu.memory_space<vmem>>) offsets(%dma_start3A_3 : memref<1024xi32, #tpu.memory_space<vmem>>) semaphore(%arg12 : memref<!tpu.dma_semaphore, #tpu.memory_space<semaphore_mem>>)
    %dma_start3A_7 = arith.constant 0 : i32
    %dma_start3A_8 = tpu.memref_slice %arg7[%dma_start3A_7] : memref<13312xi32, #tpu.memory_space<vmem>> -> memref<1024xi32, #tpu.memory_space<vmem>>
    %dma_start3A_9 = arith.constant 0 : i32
    %dma_start3A_10 = tpu.memref_slice %arg3[%dma_start3A_9] : memref<2600000xf32, #tpu.memory_space<hbm>> -> memref<2600000xf32, #tpu.memory_space<hbm>>
    tpu.enqueue_indirect_dma source(%dma_start3A_10 : memref<2600000xf32, #tpu.memory_space<hbm>>) target(%arg10 : memref<1024xf32, #tpu.memory_space<vmem>>) offsets(%dma_start3A_8 : memref<1024xi32, #tpu.memory_space<vmem>>) semaphore(%arg12 : memref<!tpu.dma_semaphore, #tpu.memory_space<semaphore_mem>>)
    %dma_start3A_11 = arith.constant 1024 : i32
    %dma_start3A_12 = tpu.memref_slice %arg7[%dma_start3A_11] : memref<13312xi32, #tpu.memory_space<vmem>> -> memref<1024xi32, #tpu.memory_space<vmem>>
    %dma_start3A_13 = arith.constant 0 : i32
    %dma_start3A_14 = arith.constant 0 : i32
    %dma_start3A_15 = tpu.memref_slice %arg2[%dma_start3A_13, %dma_start3A_14] : memref<2600000x16xbf16, #tpu.memory_space<hbm>> -> memref<2600000x16xbf16, #tpu.memory_space<hbm>>
    tpu.enqueue_indirect_dma source(%dma_start3A_15 : memref<2600000x16xbf16, #tpu.memory_space<hbm>>) target(%arg9 : memref<1024x16xbf16, #tpu.memory_space<vmem>>) offsets(%dma_start3A_12 : memref<1024xi32, #tpu.memory_space<vmem>>) semaphore(%arg13 : memref<!tpu.dma_semaphore, #tpu.memory_space<semaphore_mem>>)
    %dma_start3A_16 = arith.constant 1024 : i32
    %dma_start3A_17 = tpu.memref_slice %arg7[%dma_start3A_16] : memref<13312xi32, #tpu.memory_space<vmem>> -> memref<1024xi32, #tpu.memory_space<vmem>>
    %dma_start3A_18 = arith.constant 0 : i32
    %dma_start3A_19 = tpu.memref_slice %arg3[%dma_start3A_18] : memref<2600000xf32, #tpu.memory_space<hbm>> -> memref<2600000xf32, #tpu.memory_space<hbm>>
    tpu.enqueue_indirect_dma source(%dma_start3A_19 : memref<2600000xf32, #tpu.memory_space<hbm>>) target(%arg11 : memref<1024xf32, #tpu.memory_space<vmem>>) offsets(%dma_start3A_17 : memref<1024xi32, #tpu.memory_space<vmem>>) semaphore(%arg13 : memref<!tpu.dma_semaphore, #tpu.memory_space<semaphore_mem>>)
    %dma_wait3A = arith.constant 0 : i32
    %dma_wait3A_20 = tpu.memref_slice %arg7[%dma_wait3A] : memref<13312xi32, #tpu.memory_space<vmem>> -> memref<1024xi32, #tpu.memory_space<vmem>>
    %dma_wait3A_21 = arith.constant 0 : i32
    %dma_wait3A_22 = arith.constant 0 : i32
    %dma_wait3A_23 = tpu.memref_slice %arg2[%dma_wait3A_21, %dma_wait3A_22] : memref<2600000x16xbf16, #tpu.memory_space<hbm>> -> memref<2600000x16xbf16, #tpu.memory_space<hbm>>
    tpu.wait_indirect_dma semaphore(%arg12 : memref<!tpu.dma_semaphore, #tpu.memory_space<semaphore_mem>>) src(%dma_wait3A_23 : memref<2600000x16xbf16, #tpu.memory_space<hbm>>) dst(%arg8 : memref<1024x16xbf16, #tpu.memory_space<vmem>>)
    %dma_wait3A_24 = arith.constant 0 : i32
    %dma_wait3A_25 = tpu.memref_slice %arg7[%dma_wait3A_24] : memref<13312xi32, #tpu.memory_space<vmem>> -> memref<1024xi32, #tpu.memory_space<vmem>>
    %dma_wait3A_26 = arith.constant 0 : i32
    %dma_wait3A_27 = tpu.memref_slice %arg3[%dma_wait3A_26] : memref<2600000xf32, #tpu.memory_space<hbm>> -> memref<2600000xf32, #tpu.memory_space<hbm>>
    tpu.wait_indirect_dma semaphore(%arg12 : memref<!tpu.dma_semaphore, #tpu.memory_space<semaphore_mem>>) src(%dma_wait3A_27 : memref<2600000xf32, #tpu.memory_space<hbm>>) dst(%arg10 : memref<1024xf32, #tpu.memory_space<vmem>>)
    %add3A_28 = arith.constant 0 : i32
    %add3A_29 = arith.addi %mul3A_2, %add3A_28 : i32
    "tpu.region"() ({
      %run_scoped3A = tpu.sem_alloc : memref<!tpu.dma_semaphore, #tpu.memory_space<semaphore_mem>>
      %dma_start3A_287 = arith.constant 0 : i32
      %dma_start3A_288 = tpu.memref_slice %arg5[%add3A_29, %dma_start3A_287] : memref<425984x16xbf16, #tpu.memory_space<hbm>> -> memref<1024x16xbf16, #tpu.memory_space<hbm>>
      %dma_start3A_289 = arith.constant 0 : i32
      %dma_start3A_290 = tpu.memref_slice %arg5[%add3A_29, %dma_start3A_289] : memref<425984x16xbf16, #tpu.memory_space<hbm>> -> memref<1024x16xbf16, #tpu.memory_space<hbm>>
      tpu.enqueue_dma source(%arg8 : memref<1024x16xbf16, #tpu.memory_space<vmem>>) target(%dma_start3A_290 : memref<1024x16xbf16, #tpu.memory_space<hbm>>) target_semaphore(%run_scoped3A : memref<!tpu.dma_semaphore, #tpu.memory_space<semaphore_mem>>)
      %dma_wait3A_291 = arith.constant 0 : i32
      %dma_wait3A_292 = tpu.memref_slice %arg5[%add3A_29, %dma_wait3A_291] : memref<425984x16xbf16, #tpu.memory_space<hbm>> -> memref<1024x16xbf16, #tpu.memory_space<hbm>>
      %dma_wait3A_293 = arith.constant 0 : i32
      %dma_wait3A_294 = tpu.memref_slice %arg5[%add3A_29, %dma_wait3A_293] : memref<425984x16xbf16, #tpu.memory_space<hbm>> -> memref<1024x16xbf16, #tpu.memory_space<hbm>>
      tpu.wait_dma2 semaphore(%run_scoped3A : memref<!tpu.dma_semaphore, #tpu.memory_space<semaphore_mem>>) src(%arg8 : memref<1024x16xbf16, #tpu.memory_space<vmem>>) dst(%dma_wait3A_294 : memref<1024x16xbf16, #tpu.memory_space<hbm>>)
      tpu.yield
    }) : () -> ()
    %add3A_30 = arith.constant 0 : i32
    %add3A_31 = arith.addi %mul3A_2, %add3A_30 : i32
    "tpu.region"() ({
      %run_scoped3A = tpu.sem_alloc : memref<!tpu.dma_semaphore, #tpu.memory_space<semaphore_mem>>
      %dma_start3A_287 = tpu.memref_slice %arg6[%add3A_31] : memref<425984xf32, #tpu.memory_space<hbm>> -> memref<1024xf32, #tpu.memory_space<hbm>>
      %dma_start3A_288 = tpu.memref_slice %arg6[%add3A_31] : memref<425984xf32, #tpu.memory_space<hbm>> -> memref<1024xf32, #tpu.memory_space<hbm>>
      tpu.enqueue_dma source(%arg10 : memref<1024xf32, #tpu.memory_space<vmem>>) target(%dma_start3A_288 : memref<1024xf32, #tpu.memory_space<hbm>>) target_semaphore(%run_scoped3A : memref<!tpu.dma_semaphore, #tpu.memory_space<semaphore_mem>>)
      %dma_wait3A_289 = tpu.memref_slice %arg6[%add3A_31] : memref<425984xf32, #tpu.memory_space<hbm>> -> memref<1024xf32, #tpu.memory_space<hbm>>
      %dma_wait3A_290 = tpu.memref_slice %arg6[%add3A_31] : memref<425984xf32, #tpu.memory_space<hbm>> -> memref<1024xf32, #tpu.memory_space<hbm>>
      tpu.wait_dma2 semaphore(%run_scoped3A : memref<!tpu.dma_semaphore, #tpu.memory_space<semaphore_mem>>) src(%arg10 : memref<1024xf32, #tpu.memory_space<vmem>>) dst(%dma_wait3A_290 : memref<1024xf32, #tpu.memory_space<hbm>>)
      tpu.yield
    }) : () -> ()
    %dma_start3A_32 = arith.constant 2048 : i32
    %dma_start3A_33 = tpu.memref_slice %arg7[%dma_start3A_32] : memref<13312xi32, #tpu.memory_space<vmem>> -> memref<1024xi32, #tpu.memory_space<vmem>>
    %dma_start3A_34 = arith.constant 0 : i32
    %dma_start3A_35 = arith.constant 0 : i32
    %dma_start3A_36 = tpu.memref_slice %arg2[%dma_start3A_34, %dma_start3A_35] : memref<2600000x16xbf16, #tpu.memory_space<hbm>> -> memref<2600000x16xbf16, #tpu.memory_space<hbm>>
    tpu.enqueue_indirect_dma source(%dma_start3A_36 : memref<2600000x16xbf16, #tpu.memory_space<hbm>>) target(%arg8 : memref<1024x16xbf16, #tpu.memory_space<vmem>>) offsets(%dma_start3A_33 : memref<1024xi32, #tpu.memory_space<vmem>>) semaphore(%arg12 : memref<!tpu.dma_semaphore, #tpu.memory_space<semaphore_mem>>)
    %dma_start3A_37 = arith.constant 2048 : i32
    %dma_start3A_38 = tpu.memref_slice %arg7[%dma_start3A_37] : memref<13312xi32, #tpu.memory_space<vmem>> -> memref<1024xi32, #tpu.memory_space<vmem>>
    %dma_start3A_39 = arith.constant 0 : i32
    %dma_start3A_40 = tpu.memref_slice %arg3[%dma_start3A_39] : memref<2600000xf32, #tpu.memory_space<hbm>> -> memref<2600000xf32, #tpu.memory_space<hbm>>
    tpu.enqueue_indirect_dma source(%dma_start3A_40 : memref<2600000xf32, #tpu.memory_space<hbm>>) target(%arg10 : memref<1024xf32, #tpu.memory_space<vmem>>) offsets(%dma_start3A_38 : memref<1024xi32, #tpu.memory_space<vmem>>) semaphore(%arg12 : memref<!tpu.dma_semaphore, #tpu.memory_space<semaphore_mem>>)
    %dma_wait3A_41 = arith.constant 1024 : i32
    %dma_wait3A_42 = tpu.memref_slice %arg7[%dma_wait3A_41] : memref<13312xi32, #tpu.memory_space<vmem>> -> memref<1024xi32, #tpu.memory_space<vmem>>
    %dma_wait3A_43 = arith.constant 0 : i32
    %dma_wait3A_44 = arith.constant 0 : i32
    %dma_wait3A_45 = tpu.memref_slice %arg2[%dma_wait3A_43, %dma_wait3A_44] : memref<2600000x16xbf16, #tpu.memory_space<hbm>> -> memref<2600000x16xbf16, #tpu.memory_space<hbm>>
    tpu.wait_indirect_dma semaphore(%arg13 : memref<!tpu.dma_semaphore, #tpu.memory_space<semaphore_mem>>) src(%dma_wait3A_45 : memref<2600000x16xbf16, #tpu.memory_space<hbm>>) dst(%arg9 : memref<1024x16xbf16, #tpu.memory_space<vmem>>)
    %dma_wait3A_46 = arith.constant 1024 : i32
    %dma_wait3A_47 = tpu.memref_slice %arg7[%dma_wait3A_46] : memref<13312xi32, #tpu.memory_space<vmem>> -> memref<1024xi32, #tpu.memory_space<vmem>>
    %dma_wait3A_48 = arith.constant 0 : i32
    %dma_wait3A_49 = tpu.memref_slice %arg3[%dma_wait3A_48] : memref<2600000xf32, #tpu.memory_space<hbm>> -> memref<2600000xf32, #tpu.memory_space<hbm>>
    tpu.wait_indirect_dma semaphore(%arg13 : memref<!tpu.dma_semaphore, #tpu.memory_space<semaphore_mem>>) src(%dma_wait3A_49 : memref<2600000xf32, #tpu.memory_space<hbm>>) dst(%arg11 : memref<1024xf32, #tpu.memory_space<vmem>>)
    %add3A_50 = arith.constant 1024 : i32
    %add3A_51 = arith.addi %mul3A_2, %add3A_50 : i32
    "tpu.region"() ({
      %run_scoped3A = tpu.sem_alloc : memref<!tpu.dma_semaphore, #tpu.memory_space<semaphore_mem>>
      %dma_start3A_287 = arith.constant 0 : i32
      %dma_start3A_288 = tpu.memref_slice %arg5[%add3A_51, %dma_start3A_287] : memref<425984x16xbf16, #tpu.memory_space<hbm>> -> memref<1024x16xbf16, #tpu.memory_space<hbm>>
      %dma_start3A_289 = arith.constant 0 : i32
      %dma_start3A_290 = tpu.memref_slice %arg5[%add3A_51, %dma_start3A_289] : memref<425984x16xbf16, #tpu.memory_space<hbm>> -> memref<1024x16xbf16, #tpu.memory_space<hbm>>
      tpu.enqueue_dma source(%arg9 : memref<1024x16xbf16, #tpu.memory_space<vmem>>) target(%dma_start3A_290 : memref<1024x16xbf16, #tpu.memory_space<hbm>>) target_semaphore(%run_scoped3A : memref<!tpu.dma_semaphore, #tpu.memory_space<semaphore_mem>>)
      %dma_wait3A_291 = arith.constant 0 : i32
      %dma_wait3A_292 = tpu.memref_slice %arg5[%add3A_51, %dma_wait3A_291] : memref<425984x16xbf16, #tpu.memory_space<hbm>> -> memref<1024x16xbf16, #tpu.memory_space<hbm>>
      %dma_wait3A_293 = arith.constant 0 : i32
      %dma_wait3A_294 = tpu.memref_slice %arg5[%add3A_51, %dma_wait3A_293] : memref<425984x16xbf16, #tpu.memory_space<hbm>> -> memref<1024x16xbf16, #tpu.memory_space<hbm>>
      tpu.wait_dma2 semaphore(%run_scoped3A : memref<!tpu.dma_semaphore, #tpu.memory_space<semaphore_mem>>) src(%arg9 : memref<1024x16xbf16, #tpu.memory_space<vmem>>) dst(%dma_wait3A_294 : memref<1024x16xbf16, #tpu.memory_space<hbm>>)
      tpu.yield
    }) : () -> ()
    %add3A_52 = arith.constant 1024 : i32
    %add3A_53 = arith.addi %mul3A_2, %add3A_52 : i32
    "tpu.region"() ({
      %run_scoped3A = tpu.sem_alloc : memref<!tpu.dma_semaphore, #tpu.memory_space<semaphore_mem>>
      %dma_start3A_287 = tpu.memref_slice %arg6[%add3A_53] : memref<425984xf32, #tpu.memory_space<hbm>> -> memref<1024xf32, #tpu.memory_space<hbm>>
      %dma_start3A_288 = tpu.memref_slice %arg6[%add3A_53] : memref<425984xf32, #tpu.memory_space<hbm>> -> memref<1024xf32, #tpu.memory_space<hbm>>
      tpu.enqueue_dma source(%arg11 : memref<1024xf32, #tpu.memory_space<vmem>>) target(%dma_start3A_288 : memref<1024xf32, #tpu.memory_space<hbm>>) target_semaphore(%run_scoped3A : memref<!tpu.dma_semaphore, #tpu.memory_space<semaphore_mem>>)
      %dma_wait3A_289 = tpu.memref_slice %arg6[%add3A_53] : memref<425984xf32, #tpu.memory_space<hbm>> -> memref<1024xf32, #tpu.memory_space<hbm>>
      %dma_wait3A_290 = tpu.memref_slice %arg6[%add3A_53] : memref<425984xf32, #tpu.memory_space<hbm>> -> memref<1024xf32, #tpu.memory_space<hbm>>
      tpu.wait_dma2 semaphore(%run_scoped3A : memref<!tpu.dma_semaphore, #tpu.memory_space<semaphore_mem>>) src(%arg11 : memref<1024xf32, #tpu.memory_space<vmem>>) dst(%dma_wait3A_290 : memref<1024xf32, #tpu.memory_space<hbm>>)
      tpu.yield
    }) : () -> ()
    %dma_start3A_54 = arith.constant 3072 : i32
    %dma_start3A_55 = tpu.memref_slice %arg7[%dma_start3A_54] : memref<13312xi32, #tpu.memory_space<vmem>> -> memref<1024xi32, #tpu.memory_space<vmem>>
    %dma_start3A_56 = arith.constant 0 : i32
    %dma_start3A_57 = arith.constant 0 : i32
    %dma_start3A_58 = tpu.memref_slice %arg2[%dma_start3A_56, %dma_start3A_57] : memref<2600000x16xbf16, #tpu.memory_space<hbm>> -> memref<2600000x16xbf16, #tpu.memory_space<hbm>>
    tpu.enqueue_indirect_dma source(%dma_start3A_58 : memref<2600000x16xbf16, #tpu.memory_space<hbm>>) target(%arg9 : memref<1024x16xbf16, #tpu.memory_space<vmem>>) offsets(%dma_start3A_55 : memref<1024xi32, #tpu.memory_space<vmem>>) semaphore(%arg13 : memref<!tpu.dma_semaphore, #tpu.memory_space<semaphore_mem>>)
    %dma_start3A_59 = arith.constant 3072 : i32
    %dma_start3A_60 = tpu.memref_slice %arg7[%dma_start3A_59] : memref<13312xi32, #tpu.memory_space<vmem>> -> memref<1024xi32, #tpu.memory_space<vmem>>
    %dma_start3A_61 = arith.constant 0 : i32
    %dma_start3A_62 = tpu.memref_slice %arg3[%dma_start3A_61] : memref<2600000xf32, #tpu.memory_space<hbm>> -> memref<2600000xf32, #tpu.memory_space<hbm>>
    tpu.enqueue_indirect_dma source(%dma_start3A_62 : memref<2600000xf32, #tpu.memory_space<hbm>>) target(%arg11 : memref<1024xf32, #tpu.memory_space<vmem>>) offsets(%dma_start3A_60 : memref<1024xi32, #tpu.memory_space<vmem>>) semaphore(%arg13 : memref<!tpu.dma_semaphore, #tpu.memory_space<semaphore_mem>>)
    %dma_wait3A_63 = arith.constant 2048 : i32
    %dma_wait3A_64 = tpu.memref_slice %arg7[%dma_wait3A_63] : memref<13312xi32, #tpu.memory_space<vmem>> -> memref<1024xi32, #tpu.memory_space<vmem>>
    %dma_wait3A_65 = arith.constant 0 : i32
    %dma_wait3A_66 = arith.constant 0 : i32
    %dma_wait3A_67 = tpu.memref_slice %arg2[%dma_wait3A_65, %dma_wait3A_66] : memref<2600000x16xbf16, #tpu.memory_space<hbm>> -> memref<2600000x16xbf16, #tpu.memory_space<hbm>>
    tpu.wait_indirect_dma semaphore(%arg12 : memref<!tpu.dma_semaphore, #tpu.memory_space<semaphore_mem>>) src(%dma_wait3A_67 : memref<2600000x16xbf16, #tpu.memory_space<hbm>>) dst(%arg8 : memref<1024x16xbf16, #tpu.memory_space<vmem>>)
    %dma_wait3A_68 = arith.constant 2048 : i32
    %dma_wait3A_69 = tpu.memref_slice %arg7[%dma_wait3A_68] : memref<13312xi32, #tpu.memory_space<vmem>> -> memref<1024xi32, #tpu.memory_space<vmem>>
    %dma_wait3A_70 = arith.constant 0 : i32
    %dma_wait3A_71 = tpu.memref_slice %arg3[%dma_wait3A_70] : memref<2600000xf32, #tpu.memory_space<hbm>> -> memref<2600000xf32, #tpu.memory_space<hbm>>
    tpu.wait_indirect_dma semaphore(%arg12 : memref<!tpu.dma_semaphore, #tpu.memory_space<semaphore_mem>>) src(%dma_wait3A_71 : memref<2600000xf32, #tpu.memory_space<hbm>>) dst(%arg10 : memref<1024xf32, #tpu.memory_space<vmem>>)
    %add3A_72 = arith.constant 2048 : i32
    %add3A_73 = arith.addi %mul3A_2, %add3A_72 : i32
    "tpu.region"() ({
      %run_scoped3A = tpu.sem_alloc : memref<!tpu.dma_semaphore, #tpu.memory_space<semaphore_mem>>
      %dma_start3A_287 = arith.constant 0 : i32
      %dma_start3A_288 = tpu.memref_slice %arg5[%add3A_73, %dma_start3A_287] : memref<425984x16xbf16, #tpu.memory_space<hbm>> -> memref<1024x16xbf16, #tpu.memory_space<hbm>>
      %dma_start3A_289 = arith.constant 0 : i32
      %dma_start3A_290 = tpu.memref_slice %arg5[%add3A_73, %dma_start3A_289] : memref<425984x16xbf16, #tpu.memory_space<hbm>> -> memref<1024x16xbf16, #tpu.memory_space<hbm>>
      tpu.enqueue_dma source(%arg8 : memref<1024x16xbf16, #tpu.memory_space<vmem>>) target(%dma_start3A_290 : memref<1024x16xbf16, #tpu.memory_space<hbm>>) target_semaphore(%run_scoped3A : memref<!tpu.dma_semaphore, #tpu.memory_space<semaphore_mem>>)
      %dma_wait3A_291 = arith.constant 0 : i32
      %dma_wait3A_292 = tpu.memref_slice %arg5[%add3A_73, %dma_wait3A_291] : memref<425984x16xbf16, #tpu.memory_space<hbm>> -> memref<1024x16xbf16, #tpu.memory_space<hbm>>
      %dma_wait3A_293 = arith.constant 0 : i32
      %dma_wait3A_294 = tpu.memref_slice %arg5[%add3A_73, %dma_wait3A_293] : memref<425984x16xbf16, #tpu.memory_space<hbm>> -> memref<1024x16xbf16, #tpu.memory_space<hbm>>
      tpu.wait_dma2 semaphore(%run_scoped3A : memref<!tpu.dma_semaphore, #tpu.memory_space<semaphore_mem>>) src(%arg8 : memref<1024x16xbf16, #tpu.memory_space<vmem>>) dst(%dma_wait3A_294 : memref<1024x16xbf16, #tpu.memory_space<hbm>>)
      tpu.yield
    }) : () -> ()
    %add3A_74 = arith.constant 2048 : i32
    %add3A_75 = arith.addi %mul3A_2, %add3A_74 : i32
    "tpu.region"() ({
      %run_scoped3A = tpu.sem_alloc : memref<!tpu.dma_semaphore, #tpu.memory_space<semaphore_mem>>
      %dma_start3A_287 = tpu.memref_slice %arg6[%add3A_75] : memref<425984xf32, #tpu.memory_space<hbm>> -> memref<1024xf32, #tpu.memory_space<hbm>>
      %dma_start3A_288 = tpu.memref_slice %arg6[%add3A_75] : memref<425984xf32, #tpu.memory_space<hbm>> -> memref<1024xf32, #tpu.memory_space<hbm>>
      tpu.enqueue_dma source(%arg10 : memref<1024xf32, #tpu.memory_space<vmem>>) target(%dma_start3A_288 : memref<1024xf32, #tpu.memory_space<hbm>>) target_semaphore(%run_scoped3A : memref<!tpu.dma_semaphore, #tpu.memory_space<semaphore_mem>>)
      %dma_wait3A_289 = tpu.memref_slice %arg6[%add3A_75] : memref<425984xf32, #tpu.memory_space<hbm>> -> memref<1024xf32, #tpu.memory_space<hbm>>
      %dma_wait3A_290 = tpu.memref_slice %arg6[%add3A_75] : memref<425984xf32, #tpu.memory_space<hbm>> -> memref<1024xf32, #tpu.memory_space<hbm>>
      tpu.wait_dma2 semaphore(%run_scoped3A : memref<!tpu.dma_semaphore, #tpu.memory_space<semaphore_mem>>) src(%arg10 : memref<1024xf32, #tpu.memory_space<vmem>>) dst(%dma_wait3A_290 : memref<1024xf32, #tpu.memory_space<hbm>>)
      tpu.yield
    }) : () -> ()
    %dma_start3A_76 = arith.constant 4096 : i32
    %dma_start3A_77 = tpu.memref_slice %arg7[%dma_start3A_76] : memref<13312xi32, #tpu.memory_space<vmem>> -> memref<1024xi32, #tpu.memory_space<vmem>>
    %dma_start3A_78 = arith.constant 0 : i32
    %dma_start3A_79 = arith.constant 0 : i32
    %dma_start3A_80 = tpu.memref_slice %arg2[%dma_start3A_78, %dma_start3A_79] : memref<2600000x16xbf16, #tpu.memory_space<hbm>> -> memref<2600000x16xbf16, #tpu.memory_space<hbm>>
    tpu.enqueue_indirect_dma source(%dma_start3A_80 : memref<2600000x16xbf16, #tpu.memory_space<hbm>>) target(%arg8 : memref<1024x16xbf16, #tpu.memory_space<vmem>>) offsets(%dma_start3A_77 : memref<1024xi32, #tpu.memory_space<vmem>>) semaphore(%arg12 : memref<!tpu.dma_semaphore, #tpu.memory_space<semaphore_mem>>)
    %dma_start3A_81 = arith.constant 4096 : i32
    %dma_start3A_82 = tpu.memref_slice %arg7[%dma_start3A_81] : memref<13312xi32, #tpu.memory_space<vmem>> -> memref<1024xi32, #tpu.memory_space<vmem>>
    %dma_start3A_83 = arith.constant 0 : i32
    %dma_start3A_84 = tpu.memref_slice %arg3[%dma_start3A_83] : memref<2600000xf32, #tpu.memory_space<hbm>> -> memref<2600000xf32, #tpu.memory_space<hbm>>
    tpu.enqueue_indirect_dma source(%dma_start3A_84 : memref<2600000xf32, #tpu.memory_space<hbm>>) target(%arg10 : memref<1024xf32, #tpu.memory_space<vmem>>) offsets(%dma_start3A_82 : memref<1024xi32, #tpu.memory_space<vmem>>) semaphore(%arg12 : memref<!tpu.dma_semaphore, #tpu.memory_space<semaphore_mem>>)
    %dma_wait3A_85 = arith.constant 3072 : i32
    %dma_wait3A_86 = tpu.memref_slice %arg7[%dma_wait3A_85] : memref<13312xi32, #tpu.memory_space<vmem>> -> memref<1024xi32, #tpu.memory_space<vmem>>
    %dma_wait3A_87 = arith.constant 0 : i32
    %dma_wait3A_88 = arith.constant 0 : i32
    %dma_wait3A_89 = tpu.memref_slice %arg2[%dma_wait3A_87, %dma_wait3A_88] : memref<2600000x16xbf16, #tpu.memory_space<hbm>> -> memref<2600000x16xbf16, #tpu.memory_space<hbm>>
    tpu.wait_indirect_dma semaphore(%arg13 : memref<!tpu.dma_semaphore, #tpu.memory_space<semaphore_mem>>) src(%dma_wait3A_89 : memref<2600000x16xbf16, #tpu.memory_space<hbm>>) dst(%arg9 : memref<1024x16xbf16, #tpu.memory_space<vmem>>)
    %dma_wait3A_90 = arith.constant 3072 : i32
    %dma_wait3A_91 = tpu.memref_slice %arg7[%dma_wait3A_90] : memref<13312xi32, #tpu.memory_space<vmem>> -> memref<1024xi32, #tpu.memory_space<vmem>>
    %dma_wait3A_92 = arith.constant 0 : i32
    %dma_wait3A_93 = tpu.memref_slice %arg3[%dma_wait3A_92] : memref<2600000xf32, #tpu.memory_space<hbm>> -> memref<2600000xf32, #tpu.memory_space<hbm>>
    tpu.wait_indirect_dma semaphore(%arg13 : memref<!tpu.dma_semaphore, #tpu.memory_space<semaphore_mem>>) src(%dma_wait3A_93 : memref<2600000xf32, #tpu.memory_space<hbm>>) dst(%arg11 : memref<1024xf32, #tpu.memory_space<vmem>>)
    %add3A_94 = arith.constant 3072 : i32
    %add3A_95 = arith.addi %mul3A_2, %add3A_94 : i32
    "tpu.region"() ({
      %run_scoped3A = tpu.sem_alloc : memref<!tpu.dma_semaphore, #tpu.memory_space<semaphore_mem>>
      %dma_start3A_287 = arith.constant 0 : i32
      %dma_start3A_288 = tpu.memref_slice %arg5[%add3A_95, %dma_start3A_287] : memref<425984x16xbf16, #tpu.memory_space<hbm>> -> memref<1024x16xbf16, #tpu.memory_space<hbm>>
      %dma_start3A_289 = arith.constant 0 : i32
      %dma_start3A_290 = tpu.memref_slice %arg5[%add3A_95, %dma_start3A_289] : memref<425984x16xbf16, #tpu.memory_space<hbm>> -> memref<1024x16xbf16, #tpu.memory_space<hbm>>
      tpu.enqueue_dma source(%arg9 : memref<1024x16xbf16, #tpu.memory_space<vmem>>) target(%dma_start3A_290 : memref<1024x16xbf16, #tpu.memory_space<hbm>>) target_semaphore(%run_scoped3A : memref<!tpu.dma_semaphore, #tpu.memory_space<semaphore_mem>>)
      %dma_wait3A_291 = arith.constant 0 : i32
      %dma_wait3A_292 = tpu.memref_slice %arg5[%add3A_95, %dma_wait3A_291] : memref<425984x16xbf16, #tpu.memory_space<hbm>> -> memref<1024x16xbf16, #tpu.memory_space<hbm>>
      %dma_wait3A_293 = arith.constant 0 : i32
      %dma_wait3A_294 = tpu.memref_slice %arg5[%add3A_95, %dma_wait3A_293] : memref<425984x16xbf16, #tpu.memory_space<hbm>> -> memref<1024x16xbf16, #tpu.memory_space<hbm>>
      tpu.wait_dma2 semaphore(%run_scoped3A : memref<!tpu.dma_semaphore, #tpu.memory_space<semaphore_mem>>) src(%arg9 : memref<1024x16xbf16, #tpu.memory_space<vmem>>) dst(%dma_wait3A_294 : memref<1024x16xbf16, #tpu.memory_space<hbm>>)
      tpu.yield
    }) : () -> ()
    %add3A_96 = arith.constant 3072 : i32
    %add3A_97 = arith.addi %mul3A_2, %add3A_96 : i32
    "tpu.region"() ({
      %run_scoped3A = tpu.sem_alloc : memref<!tpu.dma_semaphore, #tpu.memory_space<semaphore_mem>>
      %dma_start3A_287 = tpu.memref_slice %arg6[%add3A_97] : memref<425984xf32, #tpu.memory_space<hbm>> -> memref<1024xf32, #tpu.memory_space<hbm>>
      %dma_start3A_288 = tpu.memref_slice %arg6[%add3A_97] : memref<425984xf32, #tpu.memory_space<hbm>> -> memref<1024xf32, #tpu.memory_space<hbm>>
      tpu.enqueue_dma source(%arg11 : memref<1024xf32, #tpu.memory_space<vmem>>) target(%dma_start3A_288 : memref<1024xf32, #tpu.memory_space<hbm>>) target_semaphore(%run_scoped3A : memref<!tpu.dma_semaphore, #tpu.memory_space<semaphore_mem>>)
      %dma_wait3A_289 = tpu.memref_slice %arg6[%add3A_97] : memref<425984xf32, #tpu.memory_space<hbm>> -> memref<1024xf32, #tpu.memory_space<hbm>>
      %dma_wait3A_290 = tpu.memref_slice %arg6[%add3A_97] : memref<425984xf32, #tpu.memory_space<hbm>> -> memref<1024xf32, #tpu.memory_space<hbm>>
      tpu.wait_dma2 semaphore(%run_scoped3A : memref<!tpu.dma_semaphore, #tpu.memory_space<semaphore_mem>>) src(%arg11 : memref<1024xf32, #tpu.memory_space<vmem>>) dst(%dma_wait3A_290 : memref<1024xf32, #tpu.memory_space<hbm>>)
      tpu.yield
    }) : () -> ()
    %dma_start3A_98 = arith.constant 5120 : i32
    %dma_start3A_99 = tpu.memref_slice %arg7[%dma_start3A_98] : memref<13312xi32, #tpu.memory_space<vmem>> -> memref<1024xi32, #tpu.memory_space<vmem>>
    %dma_start3A_100 = arith.constant 0 : i32
    %dma_start3A_101 = arith.constant 0 : i32
    %dma_start3A_102 = tpu.memref_slice %arg2[%dma_start3A_100, %dma_start3A_101] : memref<2600000x16xbf16, #tpu.memory_space<hbm>> -> memref<2600000x16xbf16, #tpu.memory_space<hbm>>
    tpu.enqueue_indirect_dma source(%dma_start3A_102 : memref<2600000x16xbf16, #tpu.memory_space<hbm>>) target(%arg9 : memref<1024x16xbf16, #tpu.memory_space<vmem>>) offsets(%dma_start3A_99 : memref<1024xi32, #tpu.memory_space<vmem>>) semaphore(%arg13 : memref<!tpu.dma_semaphore, #tpu.memory_space<semaphore_mem>>)
    %dma_start3A_103 = arith.constant 5120 : i32
    %dma_start3A_104 = tpu.memref_slice %arg7[%dma_start3A_103] : memref<13312xi32, #tpu.memory_space<vmem>> -> memref<1024xi32, #tpu.memory_space<vmem>>
    %dma_start3A_105 = arith.constant 0 : i32
    %dma_start3A_106 = tpu.memref_slice %arg3[%dma_start3A_105] : memref<2600000xf32, #tpu.memory_space<hbm>> -> memref<2600000xf32, #tpu.memory_space<hbm>>
    tpu.enqueue_indirect_dma source(%dma_start3A_106 : memref<2600000xf32, #tpu.memory_space<hbm>>) target(%arg11 : memref<1024xf32, #tpu.memory_space<vmem>>) offsets(%dma_start3A_104 : memref<1024xi32, #tpu.memory_space<vmem>>) semaphore(%arg13 : memref<!tpu.dma_semaphore, #tpu.memory_space<semaphore_mem>>)
    %dma_wait3A_107 = arith.constant 4096 : i32
    %dma_wait3A_108 = tpu.memref_slice %arg7[%dma_wait3A_107] : memref<13312xi32, #tpu.memory_space<vmem>> -> memref<1024xi32, #tpu.memory_space<vmem>>
    %dma_wait3A_109 = arith.constant 0 : i32
    %dma_wait3A_110 = arith.constant 0 : i32
    %dma_wait3A_111 = tpu.memref_slice %arg2[%dma_wait3A_109, %dma_wait3A_110] : memref<2600000x16xbf16, #tpu.memory_space<hbm>> -> memref<2600000x16xbf16, #tpu.memory_space<hbm>>
    tpu.wait_indirect_dma semaphore(%arg12 : memref<!tpu.dma_semaphore, #tpu.memory_space<semaphore_mem>>) src(%dma_wait3A_111 : memref<2600000x16xbf16, #tpu.memory_space<hbm>>) dst(%arg8 : memref<1024x16xbf16, #tpu.memory_space<vmem>>)
    %dma_wait3A_112 = arith.constant 4096 : i32
    %dma_wait3A_113 = tpu.memref_slice %arg7[%dma_wait3A_112] : memref<13312xi32, #tpu.memory_space<vmem>> -> memref<1024xi32, #tpu.memory_space<vmem>>
    %dma_wait3A_114 = arith.constant 0 : i32
    %dma_wait3A_115 = tpu.memref_slice %arg3[%dma_wait3A_114] : memref<2600000xf32, #tpu.memory_space<hbm>> -> memref<2600000xf32, #tpu.memory_space<hbm>>
    tpu.wait_indirect_dma semaphore(%arg12 : memref<!tpu.dma_semaphore, #tpu.memory_space<semaphore_mem>>) src(%dma_wait3A_115 : memref<2600000xf32, #tpu.memory_space<hbm>>) dst(%arg10 : memref<1024xf32, #tpu.memory_space<vmem>>)
    %add3A_116 = arith.constant 4096 : i32
    %add3A_117 = arith.addi %mul3A_2, %add3A_116 : i32
    "tpu.region"() ({
      %run_scoped3A = tpu.sem_alloc : memref<!tpu.dma_semaphore, #tpu.memory_space<semaphore_mem>>
      %dma_start3A_287 = arith.constant 0 : i32
      %dma_start3A_288 = tpu.memref_slice %arg5[%add3A_117, %dma_start3A_287] : memref<425984x16xbf16, #tpu.memory_space<hbm>> -> memref<1024x16xbf16, #tpu.memory_space<hbm>>
      %dma_start3A_289 = arith.constant 0 : i32
      %dma_start3A_290 = tpu.memref_slice %arg5[%add3A_117, %dma_start3A_289] : memref<425984x16xbf16, #tpu.memory_space<hbm>> -> memref<1024x16xbf16, #tpu.memory_space<hbm>>
      tpu.enqueue_dma source(%arg8 : memref<1024x16xbf16, #tpu.memory_space<vmem>>) target(%dma_start3A_290 : memref<1024x16xbf16, #tpu.memory_space<hbm>>) target_semaphore(%run_scoped3A : memref<!tpu.dma_semaphore, #tpu.memory_space<semaphore_mem>>)
      %dma_wait3A_291 = arith.constant 0 : i32
      %dma_wait3A_292 = tpu.memref_slice %arg5[%add3A_117, %dma_wait3A_291] : memref<425984x16xbf16, #tpu.memory_space<hbm>> -> memref<1024x16xbf16, #tpu.memory_space<hbm>>
      %dma_wait3A_293 = arith.constant 0 : i32
      %dma_wait3A_294 = tpu.memref_slice %arg5[%add3A_117, %dma_wait3A_293] : memref<425984x16xbf16, #tpu.memory_space<hbm>> -> memref<1024x16xbf16, #tpu.memory_space<hbm>>
      tpu.wait_dma2 semaphore(%run_scoped3A : memref<!tpu.dma_semaphore, #tpu.memory_space<semaphore_mem>>) src(%arg8 : memref<1024x16xbf16, #tpu.memory_space<vmem>>) dst(%dma_wait3A_294 : memref<1024x16xbf16, #tpu.memory_space<hbm>>)
      tpu.yield
    }) : () -> ()
    %add3A_118 = arith.constant 4096 : i32
    %add3A_119 = arith.addi %mul3A_2, %add3A_118 : i32
    "tpu.region"() ({
      %run_scoped3A = tpu.sem_alloc : memref<!tpu.dma_semaphore, #tpu.memory_space<semaphore_mem>>
      %dma_start3A_287 = tpu.memref_slice %arg6[%add3A_119] : memref<425984xf32, #tpu.memory_space<hbm>> -> memref<1024xf32, #tpu.memory_space<hbm>>
      %dma_start3A_288 = tpu.memref_slice %arg6[%add3A_119] : memref<425984xf32, #tpu.memory_space<hbm>> -> memref<1024xf32, #tpu.memory_space<hbm>>
      tpu.enqueue_dma source(%arg10 : memref<1024xf32, #tpu.memory_space<vmem>>) target(%dma_start3A_288 : memref<1024xf32, #tpu.memory_space<hbm>>) target_semaphore(%run_scoped3A : memref<!tpu.dma_semaphore, #tpu.memory_space<semaphore_mem>>)
      %dma_wait3A_289 = tpu.memref_slice %arg6[%add3A_119] : memref<425984xf32, #tpu.memory_space<hbm>> -> memref<1024xf32, #tpu.memory_space<hbm>>
      %dma_wait3A_290 = tpu.memref_slice %arg6[%add3A_119] : memref<425984xf32, #tpu.memory_space<hbm>> -> memref<1024xf32, #tpu.memory_space<hbm>>
      tpu.wait_dma2 semaphore(%run_scoped3A : memref<!tpu.dma_semaphore, #tpu.memory_space<semaphore_mem>>) src(%arg10 : memref<1024xf32, #tpu.memory_space<vmem>>) dst(%dma_wait3A_290 : memref<1024xf32, #tpu.memory_space<hbm>>)
      tpu.yield
    }) : () -> ()
    %dma_start3A_120 = arith.constant 6144 : i32
    %dma_start3A_121 = tpu.memref_slice %arg7[%dma_start3A_120] : memref<13312xi32, #tpu.memory_space<vmem>> -> memref<1024xi32, #tpu.memory_space<vmem>>
    %dma_start3A_122 = arith.constant 0 : i32
    %dma_start3A_123 = arith.constant 0 : i32
    %dma_start3A_124 = tpu.memref_slice %arg2[%dma_start3A_122, %dma_start3A_123] : memref<2600000x16xbf16, #tpu.memory_space<hbm>> -> memref<2600000x16xbf16, #tpu.memory_space<hbm>>
    tpu.enqueue_indirect_dma source(%dma_start3A_124 : memref<2600000x16xbf16, #tpu.memory_space<hbm>>) target(%arg8 : memref<1024x16xbf16, #tpu.memory_space<vmem>>) offsets(%dma_start3A_121 : memref<1024xi32, #tpu.memory_space<vmem>>) semaphore(%arg12 : memref<!tpu.dma_semaphore, #tpu.memory_space<semaphore_mem>>)
    %dma_start3A_125 = arith.constant 6144 : i32
    %dma_start3A_126 = tpu.memref_slice %arg7[%dma_start3A_125] : memref<13312xi32, #tpu.memory_space<vmem>> -> memref<1024xi32, #tpu.memory_space<vmem>>
    %dma_start3A_127 = arith.constant 0 : i32
    %dma_start3A_128 = tpu.memref_slice %arg3[%dma_start3A_127] : memref<2600000xf32, #tpu.memory_space<hbm>> -> memref<2600000xf32, #tpu.memory_space<hbm>>
    tpu.enqueue_indirect_dma source(%dma_start3A_128 : memref<2600000xf32, #tpu.memory_space<hbm>>) target(%arg10 : memref<1024xf32, #tpu.memory_space<vmem>>) offsets(%dma_start3A_126 : memref<1024xi32, #tpu.memory_space<vmem>>) semaphore(%arg12 : memref<!tpu.dma_semaphore, #tpu.memory_space<semaphore_mem>>)
    %dma_wait3A_129 = arith.constant 5120 : i32
    %dma_wait3A_130 = tpu.memref_slice %arg7[%dma_wait3A_129] : memref<13312xi32, #tpu.memory_space<vmem>> -> memref<1024xi32, #tpu.memory_space<vmem>>
    %dma_wait3A_131 = arith.constant 0 : i32
    %dma_wait3A_132 = arith.constant 0 : i32
    %dma_wait3A_133 = tpu.memref_slice %arg2[%dma_wait3A_131, %dma_wait3A_132] : memref<2600000x16xbf16, #tpu.memory_space<hbm>> -> memref<2600000x16xbf16, #tpu.memory_space<hbm>>
    tpu.wait_indirect_dma semaphore(%arg13 : memref<!tpu.dma_semaphore, #tpu.memory_space<semaphore_mem>>) src(%dma_wait3A_133 : memref<2600000x16xbf16, #tpu.memory_space<hbm>>) dst(%arg9 : memref<1024x16xbf16, #tpu.memory_space<vmem>>)
    %dma_wait3A_134 = arith.constant 5120 : i32
    %dma_wait3A_135 = tpu.memref_slice %arg7[%dma_wait3A_134] : memref<13312xi32, #tpu.memory_space<vmem>> -> memref<1024xi32, #tpu.memory_space<vmem>>
    %dma_wait3A_136 = arith.constant 0 : i32
    %dma_wait3A_137 = tpu.memref_slice %arg3[%dma_wait3A_136] : memref<2600000xf32, #tpu.memory_space<hbm>> -> memref<2600000xf32, #tpu.memory_space<hbm>>
    tpu.wait_indirect_dma semaphore(%arg13 : memref<!tpu.dma_semaphore, #tpu.memory_space<semaphore_mem>>) src(%dma_wait3A_137 : memref<2600000xf32, #tpu.memory_space<hbm>>) dst(%arg11 : memref<1024xf32, #tpu.memory_space<vmem>>)
    %add3A_138 = arith.constant 5120 : i32
    %add3A_139 = arith.addi %mul3A_2, %add3A_138 : i32
    "tpu.region"() ({
      %run_scoped3A = tpu.sem_alloc : memref<!tpu.dma_semaphore, #tpu.memory_space<semaphore_mem>>
      %dma_start3A_287 = arith.constant 0 : i32
      %dma_start3A_288 = tpu.memref_slice %arg5[%add3A_139, %dma_start3A_287] : memref<425984x16xbf16, #tpu.memory_space<hbm>> -> memref<1024x16xbf16, #tpu.memory_space<hbm>>
      %dma_start3A_289 = arith.constant 0 : i32
      %dma_start3A_290 = tpu.memref_slice %arg5[%add3A_139, %dma_start3A_289] : memref<425984x16xbf16, #tpu.memory_space<hbm>> -> memref<1024x16xbf16, #tpu.memory_space<hbm>>
      tpu.enqueue_dma source(%arg9 : memref<1024x16xbf16, #tpu.memory_space<vmem>>) target(%dma_start3A_290 : memref<1024x16xbf16, #tpu.memory_space<hbm>>) target_semaphore(%run_scoped3A : memref<!tpu.dma_semaphore, #tpu.memory_space<semaphore_mem>>)
      %dma_wait3A_291 = arith.constant 0 : i32
      %dma_wait3A_292 = tpu.memref_slice %arg5[%add3A_139, %dma_wait3A_291] : memref<425984x16xbf16, #tpu.memory_space<hbm>> -> memref<1024x16xbf16, #tpu.memory_space<hbm>>
      %dma_wait3A_293 = arith.constant 0 : i32
      %dma_wait3A_294 = tpu.memref_slice %arg5[%add3A_139, %dma_wait3A_293] : memref<425984x16xbf16, #tpu.memory_space<hbm>> -> memref<1024x16xbf16, #tpu.memory_space<hbm>>
      tpu.wait_dma2 semaphore(%run_scoped3A : memref<!tpu.dma_semaphore, #tpu.memory_space<semaphore_mem>>) src(%arg9 : memref<1024x16xbf16, #tpu.memory_space<vmem>>) dst(%dma_wait3A_294 : memref<1024x16xbf16, #tpu.memory_space<hbm>>)
      tpu.yield
    }) : () -> ()
    %add3A_140 = arith.constant 5120 : i32
    %add3A_141 = arith.addi %mul3A_2, %add3A_140 : i32
    "tpu.region"() ({
      %run_scoped3A = tpu.sem_alloc : memref<!tpu.dma_semaphore, #tpu.memory_space<semaphore_mem>>
      %dma_start3A_287 = tpu.memref_slice %arg6[%add3A_141] : memref<425984xf32, #tpu.memory_space<hbm>> -> memref<1024xf32, #tpu.memory_space<hbm>>
      %dma_start3A_288 = tpu.memref_slice %arg6[%add3A_141] : memref<425984xf32, #tpu.memory_space<hbm>> -> memref<1024xf32, #tpu.memory_space<hbm>>
      tpu.enqueue_dma source(%arg11 : memref<1024xf32, #tpu.memory_space<vmem>>) target(%dma_start3A_288 : memref<1024xf32, #tpu.memory_space<hbm>>) target_semaphore(%run_scoped3A : memref<!tpu.dma_semaphore, #tpu.memory_space<semaphore_mem>>)
      %dma_wait3A_289 = tpu.memref_slice %arg6[%add3A_141] : memref<425984xf32, #tpu.memory_space<hbm>> -> memref<1024xf32, #tpu.memory_space<hbm>>
      %dma_wait3A_290 = tpu.memref_slice %arg6[%add3A_141] : memref<425984xf32, #tpu.memory_space<hbm>> -> memref<1024xf32, #tpu.memory_space<hbm>>
      tpu.wait_dma2 semaphore(%run_scoped3A : memref<!tpu.dma_semaphore, #tpu.memory_space<semaphore_mem>>) src(%arg11 : memref<1024xf32, #tpu.memory_space<vmem>>) dst(%dma_wait3A_290 : memref<1024xf32, #tpu.memory_space<hbm>>)
      tpu.yield
    }) : () -> ()
    %dma_start3A_142 = arith.constant 7168 : i32
    %dma_start3A_143 = tpu.memref_slice %arg7[%dma_start3A_142] : memref<13312xi32, #tpu.memory_space<vmem>> -> memref<1024xi32, #tpu.memory_space<vmem>>
    %dma_start3A_144 = arith.constant 0 : i32
    %dma_start3A_145 = arith.constant 0 : i32
    %dma_start3A_146 = tpu.memref_slice %arg2[%dma_start3A_144, %dma_start3A_145] : memref<2600000x16xbf16, #tpu.memory_space<hbm>> -> memref<2600000x16xbf16, #tpu.memory_space<hbm>>
    tpu.enqueue_indirect_dma source(%dma_start3A_146 : memref<2600000x16xbf16, #tpu.memory_space<hbm>>) target(%arg9 : memref<1024x16xbf16, #tpu.memory_space<vmem>>) offsets(%dma_start3A_143 : memref<1024xi32, #tpu.memory_space<vmem>>) semaphore(%arg13 : memref<!tpu.dma_semaphore, #tpu.memory_space<semaphore_mem>>)
    %dma_start3A_147 = arith.constant 7168 : i32
    %dma_start3A_148 = tpu.memref_slice %arg7[%dma_start3A_147] : memref<13312xi32, #tpu.memory_space<vmem>> -> memref<1024xi32, #tpu.memory_space<vmem>>
    %dma_start3A_149 = arith.constant 0 : i32
    %dma_start3A_150 = tpu.memref_slice %arg3[%dma_start3A_149] : memref<2600000xf32, #tpu.memory_space<hbm>> -> memref<2600000xf32, #tpu.memory_space<hbm>>
    tpu.enqueue_indirect_dma source(%dma_start3A_150 : memref<2600000xf32, #tpu.memory_space<hbm>>) target(%arg11 : memref<1024xf32, #tpu.memory_space<vmem>>) offsets(%dma_start3A_148 : memref<1024xi32, #tpu.memory_space<vmem>>) semaphore(%arg13 : memref<!tpu.dma_semaphore, #tpu.memory_space<semaphore_mem>>)
    %dma_wait3A_151 = arith.constant 6144 : i32
    %dma_wait3A_152 = tpu.memref_slice %arg7[%dma_wait3A_151] : memref<13312xi32, #tpu.memory_space<vmem>> -> memref<1024xi32, #tpu.memory_space<vmem>>
    %dma_wait3A_153 = arith.constant 0 : i32
    %dma_wait3A_154 = arith.constant 0 : i32
    %dma_wait3A_155 = tpu.memref_slice %arg2[%dma_wait3A_153, %dma_wait3A_154] : memref<2600000x16xbf16, #tpu.memory_space<hbm>> -> memref<2600000x16xbf16, #tpu.memory_space<hbm>>
    tpu.wait_indirect_dma semaphore(%arg12 : memref<!tpu.dma_semaphore, #tpu.memory_space<semaphore_mem>>) src(%dma_wait3A_155 : memref<2600000x16xbf16, #tpu.memory_space<hbm>>) dst(%arg8 : memref<1024x16xbf16, #tpu.memory_space<vmem>>)
    %dma_wait3A_156 = arith.constant 6144 : i32
    %dma_wait3A_157 = tpu.memref_slice %arg7[%dma_wait3A_156] : memref<13312xi32, #tpu.memory_space<vmem>> -> memref<1024xi32, #tpu.memory_space<vmem>>
    %dma_wait3A_158 = arith.constant 0 : i32
    %dma_wait3A_159 = tpu.memref_slice %arg3[%dma_wait3A_158] : memref<2600000xf32, #tpu.memory_space<hbm>> -> memref<2600000xf32, #tpu.memory_space<hbm>>
    tpu.wait_indirect_dma semaphore(%arg12 : memref<!tpu.dma_semaphore, #tpu.memory_space<semaphore_mem>>) src(%dma_wait3A_159 : memref<2600000xf32, #tpu.memory_space<hbm>>) dst(%arg10 : memref<1024xf32, #tpu.memory_space<vmem>>)
    %add3A_160 = arith.constant 6144 : i32
    %add3A_161 = arith.addi %mul3A_2, %add3A_160 : i32
    "tpu.region"() ({
      %run_scoped3A = tpu.sem_alloc : memref<!tpu.dma_semaphore, #tpu.memory_space<semaphore_mem>>
      %dma_start3A_287 = arith.constant 0 : i32
      %dma_start3A_288 = tpu.memref_slice %arg5[%add3A_161, %dma_start3A_287] : memref<425984x16xbf16, #tpu.memory_space<hbm>> -> memref<1024x16xbf16, #tpu.memory_space<hbm>>
      %dma_start3A_289 = arith.constant 0 : i32
      %dma_start3A_290 = tpu.memref_slice %arg5[%add3A_161, %dma_start3A_289] : memref<425984x16xbf16, #tpu.memory_space<hbm>> -> memref<1024x16xbf16, #tpu.memory_space<hbm>>
      tpu.enqueue_dma source(%arg8 : memref<1024x16xbf16, #tpu.memory_space<vmem>>) target(%dma_start3A_290 : memref<1024x16xbf16, #tpu.memory_space<hbm>>) target_semaphore(%run_scoped3A : memref<!tpu.dma_semaphore, #tpu.memory_space<semaphore_mem>>)
      %dma_wait3A_291 = arith.constant 0 : i32
      %dma_wait3A_292 = tpu.memref_slice %arg5[%add3A_161, %dma_wait3A_291] : memref<425984x16xbf16, #tpu.memory_space<hbm>> -> memref<1024x16xbf16, #tpu.memory_space<hbm>>
      %dma_wait3A_293 = arith.constant 0 : i32
      %dma_wait3A_294 = tpu.memref_slice %arg5[%add3A_161, %dma_wait3A_293] : memref<425984x16xbf16, #tpu.memory_space<hbm>> -> memref<1024x16xbf16, #tpu.memory_space<hbm>>
      tpu.wait_dma2 semaphore(%run_scoped3A : memref<!tpu.dma_semaphore, #tpu.memory_space<semaphore_mem>>) src(%arg8 : memref<1024x16xbf16, #tpu.memory_space<vmem>>) dst(%dma_wait3A_294 : memref<1024x16xbf16, #tpu.memory_space<hbm>>)
      tpu.yield
    }) : () -> ()
    %add3A_162 = arith.constant 6144 : i32
    %add3A_163 = arith.addi %mul3A_2, %add3A_162 : i32
    "tpu.region"() ({
      %run_scoped3A = tpu.sem_alloc : memref<!tpu.dma_semaphore, #tpu.memory_space<semaphore_mem>>
      %dma_start3A_287 = tpu.memref_slice %arg6[%add3A_163] : memref<425984xf32, #tpu.memory_space<hbm>> -> memref<1024xf32, #tpu.memory_space<hbm>>
      %dma_start3A_288 = tpu.memref_slice %arg6[%add3A_163] : memref<425984xf32, #tpu.memory_space<hbm>> -> memref<1024xf32, #tpu.memory_space<hbm>>
      tpu.enqueue_dma source(%arg10 : memref<1024xf32, #tpu.memory_space<vmem>>) target(%dma_start3A_288 : memref<1024xf32, #tpu.memory_space<hbm>>) target_semaphore(%run_scoped3A : memref<!tpu.dma_semaphore, #tpu.memory_space<semaphore_mem>>)
      %dma_wait3A_289 = tpu.memref_slice %arg6[%add3A_163] : memref<425984xf32, #tpu.memory_space<hbm>> -> memref<1024xf32, #tpu.memory_space<hbm>>
      %dma_wait3A_290 = tpu.memref_slice %arg6[%add3A_163] : memref<425984xf32, #tpu.memory_space<hbm>> -> memref<1024xf32, #tpu.memory_space<hbm>>
      tpu.wait_dma2 semaphore(%run_scoped3A : memref<!tpu.dma_semaphore, #tpu.memory_space<semaphore_mem>>) src(%arg10 : memref<1024xf32, #tpu.memory_space<vmem>>) dst(%dma_wait3A_290 : memref<1024xf32, #tpu.memory_space<hbm>>)
      tpu.yield
    }) : () -> ()
    %dma_start3A_164 = arith.constant 8192 : i32
    %dma_start3A_165 = tpu.memref_slice %arg7[%dma_start3A_164] : memref<13312xi32, #tpu.memory_space<vmem>> -> memref<1024xi32, #tpu.memory_space<vmem>>
    %dma_start3A_166 = arith.constant 0 : i32
    %dma_start3A_167 = arith.constant 0 : i32
    %dma_start3A_168 = tpu.memref_slice %arg2[%dma_start3A_166, %dma_start3A_167] : memref<2600000x16xbf16, #tpu.memory_space<hbm>> -> memref<2600000x16xbf16, #tpu.memory_space<hbm>>
    tpu.enqueue_indirect_dma source(%dma_start3A_168 : memref<2600000x16xbf16, #tpu.memory_space<hbm>>) target(%arg8 : memref<1024x16xbf16, #tpu.memory_space<vmem>>) offsets(%dma_start3A_165 : memref<1024xi32, #tpu.memory_space<vmem>>) semaphore(%arg12 : memref<!tpu.dma_semaphore, #tpu.memory_space<semaphore_mem>>)
    %dma_start3A_169 = arith.constant 8192 : i32
    %dma_start3A_170 = tpu.memref_slice %arg7[%dma_start3A_169] : memref<13312xi32, #tpu.memory_space<vmem>> -> memref<1024xi32, #tpu.memory_space<vmem>>
    %dma_start3A_171 = arith.constant 0 : i32
    %dma_start3A_172 = tpu.memref_slice %arg3[%dma_start3A_171] : memref<2600000xf32, #tpu.memory_space<hbm>> -> memref<2600000xf32, #tpu.memory_space<hbm>>
    tpu.enqueue_indirect_dma source(%dma_start3A_172 : memref<2600000xf32, #tpu.memory_space<hbm>>) target(%arg10 : memref<1024xf32, #tpu.memory_space<vmem>>) offsets(%dma_start3A_170 : memref<1024xi32, #tpu.memory_space<vmem>>) semaphore(%arg12 : memref<!tpu.dma_semaphore, #tpu.memory_space<semaphore_mem>>)
    %dma_wait3A_173 = arith.constant 7168 : i32
    %dma_wait3A_174 = tpu.memref_slice %arg7[%dma_wait3A_173] : memref<13312xi32, #tpu.memory_space<vmem>> -> memref<1024xi32, #tpu.memory_space<vmem>>
    %dma_wait3A_175 = arith.constant 0 : i32
    %dma_wait3A_176 = arith.constant 0 : i32
    %dma_wait3A_177 = tpu.memref_slice %arg2[%dma_wait3A_175, %dma_wait3A_176] : memref<2600000x16xbf16, #tpu.memory_space<hbm>> -> memref<2600000x16xbf16, #tpu.memory_space<hbm>>
    tpu.wait_indirect_dma semaphore(%arg13 : memref<!tpu.dma_semaphore, #tpu.memory_space<semaphore_mem>>) src(%dma_wait3A_177 : memref<2600000x16xbf16, #tpu.memory_space<hbm>>) dst(%arg9 : memref<1024x16xbf16, #tpu.memory_space<vmem>>)
    %dma_wait3A_178 = arith.constant 7168 : i32
    %dma_wait3A_179 = tpu.memref_slice %arg7[%dma_wait3A_178] : memref<13312xi32, #tpu.memory_space<vmem>> -> memref<1024xi32, #tpu.memory_space<vmem>>
    %dma_wait3A_180 = arith.constant 0 : i32
    %dma_wait3A_181 = tpu.memref_slice %arg3[%dma_wait3A_180] : memref<2600000xf32, #tpu.memory_space<hbm>> -> memref<2600000xf32, #tpu.memory_space<hbm>>
    tpu.wait_indirect_dma semaphore(%arg13 : memref<!tpu.dma_semaphore, #tpu.memory_space<semaphore_mem>>) src(%dma_wait3A_181 : memref<2600000xf32, #tpu.memory_space<hbm>>) dst(%arg11 : memref<1024xf32, #tpu.memory_space<vmem>>)
    %add3A_182 = arith.constant 7168 : i32
    %add3A_183 = arith.addi %mul3A_2, %add3A_182 : i32
    "tpu.region"() ({
      %run_scoped3A = tpu.sem_alloc : memref<!tpu.dma_semaphore, #tpu.memory_space<semaphore_mem>>
      %dma_start3A_287 = arith.constant 0 : i32
      %dma_start3A_288 = tpu.memref_slice %arg5[%add3A_183, %dma_start3A_287] : memref<425984x16xbf16, #tpu.memory_space<hbm>> -> memref<1024x16xbf16, #tpu.memory_space<hbm>>
      %dma_start3A_289 = arith.constant 0 : i32
      %dma_start3A_290 = tpu.memref_slice %arg5[%add3A_183, %dma_start3A_289] : memref<425984x16xbf16, #tpu.memory_space<hbm>> -> memref<1024x16xbf16, #tpu.memory_space<hbm>>
      tpu.enqueue_dma source(%arg9 : memref<1024x16xbf16, #tpu.memory_space<vmem>>) target(%dma_start3A_290 : memref<1024x16xbf16, #tpu.memory_space<hbm>>) target_semaphore(%run_scoped3A : memref<!tpu.dma_semaphore, #tpu.memory_space<semaphore_mem>>)
      %dma_wait3A_291 = arith.constant 0 : i32
      %dma_wait3A_292 = tpu.memref_slice %arg5[%add3A_183, %dma_wait3A_291] : memref<425984x16xbf16, #tpu.memory_space<hbm>> -> memref<1024x16xbf16, #tpu.memory_space<hbm>>
      %dma_wait3A_293 = arith.constant 0 : i32
      %dma_wait3A_294 = tpu.memref_slice %arg5[%add3A_183, %dma_wait3A_293] : memref<425984x16xbf16, #tpu.memory_space<hbm>> -> memref<1024x16xbf16, #tpu.memory_space<hbm>>
      tpu.wait_dma2 semaphore(%run_scoped3A : memref<!tpu.dma_semaphore, #tpu.memory_space<semaphore_mem>>) src(%arg9 : memref<1024x16xbf16, #tpu.memory_space<vmem>>) dst(%dma_wait3A_294 : memref<1024x16xbf16, #tpu.memory_space<hbm>>)
      tpu.yield
    }) : () -> ()
    %add3A_184 = arith.constant 7168 : i32
    %add3A_185 = arith.addi %mul3A_2, %add3A_184 : i32
    "tpu.region"() ({
      %run_scoped3A = tpu.sem_alloc : memref<!tpu.dma_semaphore, #tpu.memory_space<semaphore_mem>>
      %dma_start3A_287 = tpu.memref_slice %arg6[%add3A_185] : memref<425984xf32, #tpu.memory_space<hbm>> -> memref<1024xf32, #tpu.memory_space<hbm>>
      %dma_start3A_288 = tpu.memref_slice %arg6[%add3A_185] : memref<425984xf32, #tpu.memory_space<hbm>> -> memref<1024xf32, #tpu.memory_space<hbm>>
      tpu.enqueue_dma source(%arg11 : memref<1024xf32, #tpu.memory_space<vmem>>) target(%dma_start3A_288 : memref<1024xf32, #tpu.memory_space<hbm>>) target_semaphore(%run_scoped3A : memref<!tpu.dma_semaphore, #tpu.memory_space<semaphore_mem>>)
      %dma_wait3A_289 = tpu.memref_slice %arg6[%add3A_185] : memref<425984xf32, #tpu.memory_space<hbm>> -> memref<1024xf32, #tpu.memory_space<hbm>>
      %dma_wait3A_290 = tpu.memref_slice %arg6[%add3A_185] : memref<425984xf32, #tpu.memory_space<hbm>> -> memref<1024xf32, #tpu.memory_space<hbm>>
      tpu.wait_dma2 semaphore(%run_scoped3A : memref<!tpu.dma_semaphore, #tpu.memory_space<semaphore_mem>>) src(%arg11 : memref<1024xf32, #tpu.memory_space<vmem>>) dst(%dma_wait3A_290 : memref<1024xf32, #tpu.memory_space<hbm>>)
      tpu.yield
    }) : () -> ()
    %dma_start3A_186 = arith.constant 9216 : i32
    %dma_start3A_187 = tpu.memref_slice %arg7[%dma_start3A_186] : memref<13312xi32, #tpu.memory_space<vmem>> -> memref<1024xi32, #tpu.memory_space<vmem>>
    %dma_start3A_188 = arith.constant 0 : i32
    %dma_start3A_189 = arith.constant 0 : i32
    %dma_start3A_190 = tpu.memref_slice %arg2[%dma_start3A_188, %dma_start3A_189] : memref<2600000x16xbf16, #tpu.memory_space<hbm>> -> memref<2600000x16xbf16, #tpu.memory_space<hbm>>
    tpu.enqueue_indirect_dma source(%dma_start3A_190 : memref<2600000x16xbf16, #tpu.memory_space<hbm>>) target(%arg9 : memref<1024x16xbf16, #tpu.memory_space<vmem>>) offsets(%dma_start3A_187 : memref<1024xi32, #tpu.memory_space<vmem>>) semaphore(%arg13 : memref<!tpu.dma_semaphore, #tpu.memory_space<semaphore_mem>>)
    %dma_start3A_191 = arith.constant 9216 : i32
    %dma_start3A_192 = tpu.memref_slice %arg7[%dma_start3A_191] : memref<13312xi32, #tpu.memory_space<vmem>> -> memref<1024xi32, #tpu.memory_space<vmem>>
    %dma_start3A_193 = arith.constant 0 : i32
    %dma_start3A_194 = tpu.memref_slice %arg3[%dma_start3A_193] : memref<2600000xf32, #tpu.memory_space<hbm>> -> memref<2600000xf32, #tpu.memory_space<hbm>>
    tpu.enqueue_indirect_dma source(%dma_start3A_194 : memref<2600000xf32, #tpu.memory_space<hbm>>) target(%arg11 : memref<1024xf32, #tpu.memory_space<vmem>>) offsets(%dma_start3A_192 : memref<1024xi32, #tpu.memory_space<vmem>>) semaphore(%arg13 : memref<!tpu.dma_semaphore, #tpu.memory_space<semaphore_mem>>)
    %dma_wait3A_195 = arith.constant 8192 : i32
    %dma_wait3A_196 = tpu.memref_slice %arg7[%dma_wait3A_195] : memref<13312xi32, #tpu.memory_space<vmem>> -> memref<1024xi32, #tpu.memory_space<vmem>>
    %dma_wait3A_197 = arith.constant 0 : i32
    %dma_wait3A_198 = arith.constant 0 : i32
    %dma_wait3A_199 = tpu.memref_slice %arg2[%dma_wait3A_197, %dma_wait3A_198] : memref<2600000x16xbf16, #tpu.memory_space<hbm>> -> memref<2600000x16xbf16, #tpu.memory_space<hbm>>
    tpu.wait_indirect_dma semaphore(%arg12 : memref<!tpu.dma_semaphore, #tpu.memory_space<semaphore_mem>>) src(%dma_wait3A_199 : memref<2600000x16xbf16, #tpu.memory_space<hbm>>) dst(%arg8 : memref<1024x16xbf16, #tpu.memory_space<vmem>>)
    %dma_wait3A_200 = arith.constant 8192 : i32
    %dma_wait3A_201 = tpu.memref_slice %arg7[%dma_wait3A_200] : memref<13312xi32, #tpu.memory_space<vmem>> -> memref<1024xi32, #tpu.memory_space<vmem>>
    %dma_wait3A_202 = arith.constant 0 : i32
    %dma_wait3A_203 = tpu.memref_slice %arg3[%dma_wait3A_202] : memref<2600000xf32, #tpu.memory_space<hbm>> -> memref<2600000xf32, #tpu.memory_space<hbm>>
    tpu.wait_indirect_dma semaphore(%arg12 : memref<!tpu.dma_semaphore, #tpu.memory_space<semaphore_mem>>) src(%dma_wait3A_203 : memref<2600000xf32, #tpu.memory_space<hbm>>) dst(%arg10 : memref<1024xf32, #tpu.memory_space<vmem>>)
    %add3A_204 = arith.constant 8192 : i32
    %add3A_205 = arith.addi %mul3A_2, %add3A_204 : i32
    "tpu.region"() ({
      %run_scoped3A = tpu.sem_alloc : memref<!tpu.dma_semaphore, #tpu.memory_space<semaphore_mem>>
      %dma_start3A_287 = arith.constant 0 : i32
      %dma_start3A_288 = tpu.memref_slice %arg5[%add3A_205, %dma_start3A_287] : memref<425984x16xbf16, #tpu.memory_space<hbm>> -> memref<1024x16xbf16, #tpu.memory_space<hbm>>
      %dma_start3A_289 = arith.constant 0 : i32
      %dma_start3A_290 = tpu.memref_slice %arg5[%add3A_205, %dma_start3A_289] : memref<425984x16xbf16, #tpu.memory_space<hbm>> -> memref<1024x16xbf16, #tpu.memory_space<hbm>>
      tpu.enqueue_dma source(%arg8 : memref<1024x16xbf16, #tpu.memory_space<vmem>>) target(%dma_start3A_290 : memref<1024x16xbf16, #tpu.memory_space<hbm>>) target_semaphore(%run_scoped3A : memref<!tpu.dma_semaphore, #tpu.memory_space<semaphore_mem>>)
      %dma_wait3A_291 = arith.constant 0 : i32
      %dma_wait3A_292 = tpu.memref_slice %arg5[%add3A_205, %dma_wait3A_291] : memref<425984x16xbf16, #tpu.memory_space<hbm>> -> memref<1024x16xbf16, #tpu.memory_space<hbm>>
      %dma_wait3A_293 = arith.constant 0 : i32
      %dma_wait3A_294 = tpu.memref_slice %arg5[%add3A_205, %dma_wait3A_293] : memref<425984x16xbf16, #tpu.memory_space<hbm>> -> memref<1024x16xbf16, #tpu.memory_space<hbm>>
      tpu.wait_dma2 semaphore(%run_scoped3A : memref<!tpu.dma_semaphore, #tpu.memory_space<semaphore_mem>>) src(%arg8 : memref<1024x16xbf16, #tpu.memory_space<vmem>>) dst(%dma_wait3A_294 : memref<1024x16xbf16, #tpu.memory_space<hbm>>)
      tpu.yield
    }) : () -> ()
    %add3A_206 = arith.constant 8192 : i32
    %add3A_207 = arith.addi %mul3A_2, %add3A_206 : i32
    "tpu.region"() ({
      %run_scoped3A = tpu.sem_alloc : memref<!tpu.dma_semaphore, #tpu.memory_space<semaphore_mem>>
      %dma_start3A_287 = tpu.memref_slice %arg6[%add3A_207] : memref<425984xf32, #tpu.memory_space<hbm>> -> memref<1024xf32, #tpu.memory_space<hbm>>
      %dma_start3A_288 = tpu.memref_slice %arg6[%add3A_207] : memref<425984xf32, #tpu.memory_space<hbm>> -> memref<1024xf32, #tpu.memory_space<hbm>>
      tpu.enqueue_dma source(%arg10 : memref<1024xf32, #tpu.memory_space<vmem>>) target(%dma_start3A_288 : memref<1024xf32, #tpu.memory_space<hbm>>) target_semaphore(%run_scoped3A : memref<!tpu.dma_semaphore, #tpu.memory_space<semaphore_mem>>)
      %dma_wait3A_289 = tpu.memref_slice %arg6[%add3A_207] : memref<425984xf32, #tpu.memory_space<hbm>> -> memref<1024xf32, #tpu.memory_space<hbm>>
      %dma_wait3A_290 = tpu.memref_slice %arg6[%add3A_207] : memref<425984xf32, #tpu.memory_space<hbm>> -> memref<1024xf32, #tpu.memory_space<hbm>>
      tpu.wait_dma2 semaphore(%run_scoped3A : memref<!tpu.dma_semaphore, #tpu.memory_space<semaphore_mem>>) src(%arg10 : memref<1024xf32, #tpu.memory_space<vmem>>) dst(%dma_wait3A_290 : memref<1024xf32, #tpu.memory_space<hbm>>)
      tpu.yield
    }) : () -> ()
    %dma_start3A_208 = arith.constant 10240 : i32
    %dma_start3A_209 = tpu.memref_slice %arg7[%dma_start3A_208] : memref<13312xi32, #tpu.memory_space<vmem>> -> memref<1024xi32, #tpu.memory_space<vmem>>
    %dma_start3A_210 = arith.constant 0 : i32
    %dma_start3A_211 = arith.constant 0 : i32
    %dma_start3A_212 = tpu.memref_slice %arg2[%dma_start3A_210, %dma_start3A_211] : memref<2600000x16xbf16, #tpu.memory_space<hbm>> -> memref<2600000x16xbf16, #tpu.memory_space<hbm>>
    tpu.enqueue_indirect_dma source(%dma_start3A_212 : memref<2600000x16xbf16, #tpu.memory_space<hbm>>) target(%arg8 : memref<1024x16xbf16, #tpu.memory_space<vmem>>) offsets(%dma_start3A_209 : memref<1024xi32, #tpu.memory_space<vmem>>) semaphore(%arg12 : memref<!tpu.dma_semaphore, #tpu.memory_space<semaphore_mem>>)
    %dma_start3A_213 = arith.constant 10240 : i32
    %dma_start3A_214 = tpu.memref_slice %arg7[%dma_start3A_213] : memref<13312xi32, #tpu.memory_space<vmem>> -> memref<1024xi32, #tpu.memory_space<vmem>>
    %dma_start3A_215 = arith.constant 0 : i32
    %dma_start3A_216 = tpu.memref_slice %arg3[%dma_start3A_215] : memref<2600000xf32, #tpu.memory_space<hbm>> -> memref<2600000xf32, #tpu.memory_space<hbm>>
    tpu.enqueue_indirect_dma source(%dma_start3A_216 : memref<2600000xf32, #tpu.memory_space<hbm>>) target(%arg10 : memref<1024xf32, #tpu.memory_space<vmem>>) offsets(%dma_start3A_214 : memref<1024xi32, #tpu.memory_space<vmem>>) semaphore(%arg12 : memref<!tpu.dma_semaphore, #tpu.memory_space<semaphore_mem>>)
    %dma_wait3A_217 = arith.constant 9216 : i32
    %dma_wait3A_218 = tpu.memref_slice %arg7[%dma_wait3A_217] : memref<13312xi32, #tpu.memory_space<vmem>> -> memref<1024xi32, #tpu.memory_space<vmem>>
    %dma_wait3A_219 = arith.constant 0 : i32
    %dma_wait3A_220 = arith.constant 0 : i32
    %dma_wait3A_221 = tpu.memref_slice %arg2[%dma_wait3A_219, %dma_wait3A_220] : memref<2600000x16xbf16, #tpu.memory_space<hbm>> -> memref<2600000x16xbf16, #tpu.memory_space<hbm>>
    tpu.wait_indirect_dma semaphore(%arg13 : memref<!tpu.dma_semaphore, #tpu.memory_space<semaphore_mem>>) src(%dma_wait3A_221 : memref<2600000x16xbf16, #tpu.memory_space<hbm>>) dst(%arg9 : memref<1024x16xbf16, #tpu.memory_space<vmem>>)
    %dma_wait3A_222 = arith.constant 9216 : i32
    %dma_wait3A_223 = tpu.memref_slice %arg7[%dma_wait3A_222] : memref<13312xi32, #tpu.memory_space<vmem>> -> memref<1024xi32, #tpu.memory_space<vmem>>
    %dma_wait3A_224 = arith.constant 0 : i32
    %dma_wait3A_225 = tpu.memref_slice %arg3[%dma_wait3A_224] : memref<2600000xf32, #tpu.memory_space<hbm>> -> memref<2600000xf32, #tpu.memory_space<hbm>>
    tpu.wait_indirect_dma semaphore(%arg13 : memref<!tpu.dma_semaphore, #tpu.memory_space<semaphore_mem>>) src(%dma_wait3A_225 : memref<2600000xf32, #tpu.memory_space<hbm>>) dst(%arg11 : memref<1024xf32, #tpu.memory_space<vmem>>)
    %add3A_226 = arith.constant 9216 : i32
    %add3A_227 = arith.addi %mul3A_2, %add3A_226 : i32
    "tpu.region"() ({
      %run_scoped3A = tpu.sem_alloc : memref<!tpu.dma_semaphore, #tpu.memory_space<semaphore_mem>>
      %dma_start3A_287 = arith.constant 0 : i32
      %dma_start3A_288 = tpu.memref_slice %arg5[%add3A_227, %dma_start3A_287] : memref<425984x16xbf16, #tpu.memory_space<hbm>> -> memref<1024x16xbf16, #tpu.memory_space<hbm>>
      %dma_start3A_289 = arith.constant 0 : i32
      %dma_start3A_290 = tpu.memref_slice %arg5[%add3A_227, %dma_start3A_289] : memref<425984x16xbf16, #tpu.memory_space<hbm>> -> memref<1024x16xbf16, #tpu.memory_space<hbm>>
      tpu.enqueue_dma source(%arg9 : memref<1024x16xbf16, #tpu.memory_space<vmem>>) target(%dma_start3A_290 : memref<1024x16xbf16, #tpu.memory_space<hbm>>) target_semaphore(%run_scoped3A : memref<!tpu.dma_semaphore, #tpu.memory_space<semaphore_mem>>)
      %dma_wait3A_291 = arith.constant 0 : i32
      %dma_wait3A_292 = tpu.memref_slice %arg5[%add3A_227, %dma_wait3A_291] : memref<425984x16xbf16, #tpu.memory_space<hbm>> -> memref<1024x16xbf16, #tpu.memory_space<hbm>>
      %dma_wait3A_293 = arith.constant 0 : i32
      %dma_wait3A_294 = tpu.memref_slice %arg5[%add3A_227, %dma_wait3A_293] : memref<425984x16xbf16, #tpu.memory_space<hbm>> -> memref<1024x16xbf16, #tpu.memory_space<hbm>>
      tpu.wait_dma2 semaphore(%run_scoped3A : memref<!tpu.dma_semaphore, #tpu.memory_space<semaphore_mem>>) src(%arg9 : memref<1024x16xbf16, #tpu.memory_space<vmem>>) dst(%dma_wait3A_294 : memref<1024x16xbf16, #tpu.memory_space<hbm>>)
      tpu.yield
    }) : () -> ()
    %add3A_228 = arith.constant 9216 : i32
    %add3A_229 = arith.addi %mul3A_2, %add3A_228 : i32
    "tpu.region"() ({
      %run_scoped3A = tpu.sem_alloc : memref<!tpu.dma_semaphore, #tpu.memory_space<semaphore_mem>>
      %dma_start3A_287 = tpu.memref_slice %arg6[%add3A_229] : memref<425984xf32, #tpu.memory_space<hbm>> -> memref<1024xf32, #tpu.memory_space<hbm>>
      %dma_start3A_288 = tpu.memref_slice %arg6[%add3A_229] : memref<425984xf32, #tpu.memory_space<hbm>> -> memref<1024xf32, #tpu.memory_space<hbm>>
      tpu.enqueue_dma source(%arg11 : memref<1024xf32, #tpu.memory_space<vmem>>) target(%dma_start3A_288 : memref<1024xf32, #tpu.memory_space<hbm>>) target_semaphore(%run_scoped3A : memref<!tpu.dma_semaphore, #tpu.memory_space<semaphore_mem>>)
      %dma_wait3A_289 = tpu.memref_slice %arg6[%add3A_229] : memref<425984xf32, #tpu.memory_space<hbm>> -> memref<1024xf32, #tpu.memory_space<hbm>>
      %dma_wait3A_290 = tpu.memref_slice %arg6[%add3A_229] : memref<425984xf32, #tpu.memory_space<hbm>> -> memref<1024xf32, #tpu.memory_space<hbm>>
      tpu.wait_dma2 semaphore(%run_scoped3A : memref<!tpu.dma_semaphore, #tpu.memory_space<semaphore_mem>>) src(%arg11 : memref<1024xf32, #tpu.memory_space<vmem>>) dst(%dma_wait3A_290 : memref<1024xf32, #tpu.memory_space<hbm>>)
      tpu.yield
    }) : () -> ()
    %dma_start3A_230 = arith.constant 11264 : i32
    %dma_start3A_231 = tpu.memref_slice %arg7[%dma_start3A_230] : memref<13312xi32, #tpu.memory_space<vmem>> -> memref<1024xi32, #tpu.memory_space<vmem>>
    %dma_start3A_232 = arith.constant 0 : i32
    %dma_start3A_233 = arith.constant 0 : i32
    %dma_start3A_234 = tpu.memref_slice %arg2[%dma_start3A_232, %dma_start3A_233] : memref<2600000x16xbf16, #tpu.memory_space<hbm>> -> memref<2600000x16xbf16, #tpu.memory_space<hbm>>
    tpu.enqueue_indirect_dma source(%dma_start3A_234 : memref<2600000x16xbf16, #tpu.memory_space<hbm>>) target(%arg9 : memref<1024x16xbf16, #tpu.memory_space<vmem>>) offsets(%dma_start3A_231 : memref<1024xi32, #tpu.memory_space<vmem>>) semaphore(%arg13 : memref<!tpu.dma_semaphore, #tpu.memory_space<semaphore_mem>>)
    %dma_start3A_235 = arith.constant 11264 : i32
    %dma_start3A_236 = tpu.memref_slice %arg7[%dma_start3A_235] : memref<13312xi32, #tpu.memory_space<vmem>> -> memref<1024xi32, #tpu.memory_space<vmem>>
    %dma_start3A_237 = arith.constant 0 : i32
    %dma_start3A_238 = tpu.memref_slice %arg3[%dma_start3A_237] : memref<2600000xf32, #tpu.memory_space<hbm>> -> memref<2600000xf32, #tpu.memory_space<hbm>>
    tpu.enqueue_indirect_dma source(%dma_start3A_238 : memref<2600000xf32, #tpu.memory_space<hbm>>) target(%arg11 : memref<1024xf32, #tpu.memory_space<vmem>>) offsets(%dma_start3A_236 : memref<1024xi32, #tpu.memory_space<vmem>>) semaphore(%arg13 : memref<!tpu.dma_semaphore, #tpu.memory_space<semaphore_mem>>)
    %dma_wait3A_239 = arith.constant 10240 : i32
    %dma_wait3A_240 = tpu.memref_slice %arg7[%dma_wait3A_239] : memref<13312xi32, #tpu.memory_space<vmem>> -> memref<1024xi32, #tpu.memory_space<vmem>>
    %dma_wait3A_241 = arith.constant 0 : i32
    %dma_wait3A_242 = arith.constant 0 : i32
    %dma_wait3A_243 = tpu.memref_slice %arg2[%dma_wait3A_241, %dma_wait3A_242] : memref<2600000x16xbf16, #tpu.memory_space<hbm>> -> memref<2600000x16xbf16, #tpu.memory_space<hbm>>
    tpu.wait_indirect_dma semaphore(%arg12 : memref<!tpu.dma_semaphore, #tpu.memory_space<semaphore_mem>>) src(%dma_wait3A_243 : memref<2600000x16xbf16, #tpu.memory_space<hbm>>) dst(%arg8 : memref<1024x16xbf16, #tpu.memory_space<vmem>>)
    %dma_wait3A_244 = arith.constant 10240 : i32
    %dma_wait3A_245 = tpu.memref_slice %arg7[%dma_wait3A_244] : memref<13312xi32, #tpu.memory_space<vmem>> -> memref<1024xi32, #tpu.memory_space<vmem>>
    %dma_wait3A_246 = arith.constant 0 : i32
    %dma_wait3A_247 = tpu.memref_slice %arg3[%dma_wait3A_246] : memref<2600000xf32, #tpu.memory_space<hbm>> -> memref<2600000xf32, #tpu.memory_space<hbm>>
    tpu.wait_indirect_dma semaphore(%arg12 : memref<!tpu.dma_semaphore, #tpu.memory_space<semaphore_mem>>) src(%dma_wait3A_247 : memref<2600000xf32, #tpu.memory_space<hbm>>) dst(%arg10 : memref<1024xf32, #tpu.memory_space<vmem>>)
    %add3A_248 = arith.constant 10240 : i32
    %add3A_249 = arith.addi %mul3A_2, %add3A_248 : i32
    "tpu.region"() ({
      %run_scoped3A = tpu.sem_alloc : memref<!tpu.dma_semaphore, #tpu.memory_space<semaphore_mem>>
      %dma_start3A_287 = arith.constant 0 : i32
      %dma_start3A_288 = tpu.memref_slice %arg5[%add3A_249, %dma_start3A_287] : memref<425984x16xbf16, #tpu.memory_space<hbm>> -> memref<1024x16xbf16, #tpu.memory_space<hbm>>
      %dma_start3A_289 = arith.constant 0 : i32
      %dma_start3A_290 = tpu.memref_slice %arg5[%add3A_249, %dma_start3A_289] : memref<425984x16xbf16, #tpu.memory_space<hbm>> -> memref<1024x16xbf16, #tpu.memory_space<hbm>>
      tpu.enqueue_dma source(%arg8 : memref<1024x16xbf16, #tpu.memory_space<vmem>>) target(%dma_start3A_290 : memref<1024x16xbf16, #tpu.memory_space<hbm>>) target_semaphore(%run_scoped3A : memref<!tpu.dma_semaphore, #tpu.memory_space<semaphore_mem>>)
      %dma_wait3A_291 = arith.constant 0 : i32
      %dma_wait3A_292 = tpu.memref_slice %arg5[%add3A_249, %dma_wait3A_291] : memref<425984x16xbf16, #tpu.memory_space<hbm>> -> memref<1024x16xbf16, #tpu.memory_space<hbm>>
      %dma_wait3A_293 = arith.constant 0 : i32
      %dma_wait3A_294 = tpu.memref_slice %arg5[%add3A_249, %dma_wait3A_293] : memref<425984x16xbf16, #tpu.memory_space<hbm>> -> memref<1024x16xbf16, #tpu.memory_space<hbm>>
      tpu.wait_dma2 semaphore(%run_scoped3A : memref<!tpu.dma_semaphore, #tpu.memory_space<semaphore_mem>>) src(%arg8 : memref<1024x16xbf16, #tpu.memory_space<vmem>>) dst(%dma_wait3A_294 : memref<1024x16xbf16, #tpu.memory_space<hbm>>)
      tpu.yield
    }) : () -> ()
    %add3A_250 = arith.constant 10240 : i32
    %add3A_251 = arith.addi %mul3A_2, %add3A_250 : i32
    "tpu.region"() ({
      %run_scoped3A = tpu.sem_alloc : memref<!tpu.dma_semaphore, #tpu.memory_space<semaphore_mem>>
      %dma_start3A_287 = tpu.memref_slice %arg6[%add3A_251] : memref<425984xf32, #tpu.memory_space<hbm>> -> memref<1024xf32, #tpu.memory_space<hbm>>
      %dma_start3A_288 = tpu.memref_slice %arg6[%add3A_251] : memref<425984xf32, #tpu.memory_space<hbm>> -> memref<1024xf32, #tpu.memory_space<hbm>>
      tpu.enqueue_dma source(%arg10 : memref<1024xf32, #tpu.memory_space<vmem>>) target(%dma_start3A_288 : memref<1024xf32, #tpu.memory_space<hbm>>) target_semaphore(%run_scoped3A : memref<!tpu.dma_semaphore, #tpu.memory_space<semaphore_mem>>)
      %dma_wait3A_289 = tpu.memref_slice %arg6[%add3A_251] : memref<425984xf32, #tpu.memory_space<hbm>> -> memref<1024xf32, #tpu.memory_space<hbm>>
      %dma_wait3A_290 = tpu.memref_slice %arg6[%add3A_251] : memref<425984xf32, #tpu.memory_space<hbm>> -> memref<1024xf32, #tpu.memory_space<hbm>>
      tpu.wait_dma2 semaphore(%run_scoped3A : memref<!tpu.dma_semaphore, #tpu.memory_space<semaphore_mem>>) src(%arg10 : memref<1024xf32, #tpu.memory_space<vmem>>) dst(%dma_wait3A_290 : memref<1024xf32, #tpu.memory_space<hbm>>)
      tpu.yield
    }) : () -> ()
    %dma_start3A_252 = arith.constant 12288 : i32
    %dma_start3A_253 = tpu.memref_slice %arg7[%dma_start3A_252] : memref<13312xi32, #tpu.memory_space<vmem>> -> memref<1024xi32, #tpu.memory_space<vmem>>
    %dma_start3A_254 = arith.constant 0 : i32
    %dma_start3A_255 = arith.constant 0 : i32
    %dma_start3A_256 = tpu.memref_slice %arg2[%dma_start3A_254, %dma_start3A_255] : memref<2600000x16xbf16, #tpu.memory_space<hbm>> -> memref<2600000x16xbf16, #tpu.memory_space<hbm>>
    tpu.enqueue_indirect_dma source(%dma_start3A_256 : memref<2600000x16xbf16, #tpu.memory_space<hbm>>) target(%arg8 : memref<1024x16xbf16, #tpu.memory_space<vmem>>) offsets(%dma_start3A_253 : memref<1024xi32, #tpu.memory_space<vmem>>) semaphore(%arg12 : memref<!tpu.dma_semaphore, #tpu.memory_space<semaphore_mem>>)
    %dma_start3A_257 = arith.constant 12288 : i32
    %dma_start3A_258 = tpu.memref_slice %arg7[%dma_start3A_257] : memref<13312xi32, #tpu.memory_space<vmem>> -> memref<1024xi32, #tpu.memory_space<vmem>>
    %dma_start3A_259 = arith.constant 0 : i32
    %dma_start3A_260 = tpu.memref_slice %arg3[%dma_start3A_259] : memref<2600000xf32, #tpu.memory_space<hbm>> -> memref<2600000xf32, #tpu.memory_space<hbm>>
    tpu.enqueue_indirect_dma source(%dma_start3A_260 : memref<2600000xf32, #tpu.memory_space<hbm>>) target(%arg10 : memref<1024xf32, #tpu.memory_space<vmem>>) offsets(%dma_start3A_258 : memref<1024xi32, #tpu.memory_space<vmem>>) semaphore(%arg12 : memref<!tpu.dma_semaphore, #tpu.memory_space<semaphore_mem>>)
    %dma_wait3A_261 = arith.constant 11264 : i32
    %dma_wait3A_262 = tpu.memref_slice %arg7[%dma_wait3A_261] : memref<13312xi32, #tpu.memory_space<vmem>> -> memref<1024xi32, #tpu.memory_space<vmem>>
    %dma_wait3A_263 = arith.constant 0 : i32
    %dma_wait3A_264 = arith.constant 0 : i32
    %dma_wait3A_265 = tpu.memref_slice %arg2[%dma_wait3A_263, %dma_wait3A_264] : memref<2600000x16xbf16, #tpu.memory_space<hbm>> -> memref<2600000x16xbf16, #tpu.memory_space<hbm>>
    tpu.wait_indirect_dma semaphore(%arg13 : memref<!tpu.dma_semaphore, #tpu.memory_space<semaphore_mem>>) src(%dma_wait3A_265 : memref<2600000x16xbf16, #tpu.memory_space<hbm>>) dst(%arg9 : memref<1024x16xbf16, #tpu.memory_space<vmem>>)
    %dma_wait3A_266 = arith.constant 11264 : i32
    %dma_wait3A_267 = tpu.memref_slice %arg7[%dma_wait3A_266] : memref<13312xi32, #tpu.memory_space<vmem>> -> memref<1024xi32, #tpu.memory_space<vmem>>
    %dma_wait3A_268 = arith.constant 0 : i32
    %dma_wait3A_269 = tpu.memref_slice %arg3[%dma_wait3A_268] : memref<2600000xf32, #tpu.memory_space<hbm>> -> memref<2600000xf32, #tpu.memory_space<hbm>>
    tpu.wait_indirect_dma semaphore(%arg13 : memref<!tpu.dma_semaphore, #tpu.memory_space<semaphore_mem>>) src(%dma_wait3A_269 : memref<2600000xf32, #tpu.memory_space<hbm>>) dst(%arg11 : memref<1024xf32, #tpu.memory_space<vmem>>)
    %add3A_270 = arith.constant 11264 : i32
    %add3A_271 = arith.addi %mul3A_2, %add3A_270 : i32
    "tpu.region"() ({
      %run_scoped3A = tpu.sem_alloc : memref<!tpu.dma_semaphore, #tpu.memory_space<semaphore_mem>>
      %dma_start3A_287 = arith.constant 0 : i32
      %dma_start3A_288 = tpu.memref_slice %arg5[%add3A_271, %dma_start3A_287] : memref<425984x16xbf16, #tpu.memory_space<hbm>> -> memref<1024x16xbf16, #tpu.memory_space<hbm>>
      %dma_start3A_289 = arith.constant 0 : i32
      %dma_start3A_290 = tpu.memref_slice %arg5[%add3A_271, %dma_start3A_289] : memref<425984x16xbf16, #tpu.memory_space<hbm>> -> memref<1024x16xbf16, #tpu.memory_space<hbm>>
      tpu.enqueue_dma source(%arg9 : memref<1024x16xbf16, #tpu.memory_space<vmem>>) target(%dma_start3A_290 : memref<1024x16xbf16, #tpu.memory_space<hbm>>) target_semaphore(%run_scoped3A : memref<!tpu.dma_semaphore, #tpu.memory_space<semaphore_mem>>)
      %dma_wait3A_291 = arith.constant 0 : i32
      %dma_wait3A_292 = tpu.memref_slice %arg5[%add3A_271, %dma_wait3A_291] : memref<425984x16xbf16, #tpu.memory_space<hbm>> -> memref<1024x16xbf16, #tpu.memory_space<hbm>>
      %dma_wait3A_293 = arith.constant 0 : i32
      %dma_wait3A_294 = tpu.memref_slice %arg5[%add3A_271, %dma_wait3A_293] : memref<425984x16xbf16, #tpu.memory_space<hbm>> -> memref<1024x16xbf16, #tpu.memory_space<hbm>>
      tpu.wait_dma2 semaphore(%run_scoped3A : memref<!tpu.dma_semaphore, #tpu.memory_space<semaphore_mem>>) src(%arg9 : memref<1024x16xbf16, #tpu.memory_space<vmem>>) dst(%dma_wait3A_294 : memref<1024x16xbf16, #tpu.memory_space<hbm>>)
      tpu.yield
    }) : () -> ()
    %add3A_272 = arith.constant 11264 : i32
    %add3A_273 = arith.addi %mul3A_2, %add3A_272 : i32
    "tpu.region"() ({
      %run_scoped3A = tpu.sem_alloc : memref<!tpu.dma_semaphore, #tpu.memory_space<semaphore_mem>>
      %dma_start3A_287 = tpu.memref_slice %arg6[%add3A_273] : memref<425984xf32, #tpu.memory_space<hbm>> -> memref<1024xf32, #tpu.memory_space<hbm>>
      %dma_start3A_288 = tpu.memref_slice %arg6[%add3A_273] : memref<425984xf32, #tpu.memory_space<hbm>> -> memref<1024xf32, #tpu.memory_space<hbm>>
      tpu.enqueue_dma source(%arg11 : memref<1024xf32, #tpu.memory_space<vmem>>) target(%dma_start3A_288 : memref<1024xf32, #tpu.memory_space<hbm>>) target_semaphore(%run_scoped3A : memref<!tpu.dma_semaphore, #tpu.memory_space<semaphore_mem>>)
      %dma_wait3A_289 = tpu.memref_slice %arg6[%add3A_273] : memref<425984xf32, #tpu.memory_space<hbm>> -> memref<1024xf32, #tpu.memory_space<hbm>>
      %dma_wait3A_290 = tpu.memref_slice %arg6[%add3A_273] : memref<425984xf32, #tpu.memory_space<hbm>> -> memref<1024xf32, #tpu.memory_space<hbm>>
      tpu.wait_dma2 semaphore(%run_scoped3A : memref<!tpu.dma_semaphore, #tpu.memory_space<semaphore_mem>>) src(%arg11 : memref<1024xf32, #tpu.memory_space<vmem>>) dst(%dma_wait3A_290 : memref<1024xf32, #tpu.memory_space<hbm>>)
      tpu.yield
    }) : () -> ()
    %dma_wait3A_274 = arith.constant 12288 : i32
    %dma_wait3A_275 = tpu.memref_slice %arg7[%dma_wait3A_274] : memref<13312xi32, #tpu.memory_space<vmem>> -> memref<1024xi32, #tpu.memory_space<vmem>>
    %dma_wait3A_276 = arith.constant 0 : i32
    %dma_wait3A_277 = arith.constant 0 : i32
    %dma_wait3A_278 = tpu.memref_slice %arg2[%dma_wait3A_276, %dma_wait3A_277] : memref<2600000x16xbf16, #tpu.memory_space<hbm>> -> memref<2600000x16xbf16, #tpu.memory_space<hbm>>
    tpu.wait_indirect_dma semaphore(%arg12 : memref<!tpu.dma_semaphore, #tpu.memory_space<semaphore_mem>>) src(%dma_wait3A_278 : memref<2600000x16xbf16, #tpu.memory_space<hbm>>) dst(%arg8 : memref<1024x16xbf16, #tpu.memory_space<vmem>>)
    %dma_wait3A_279 = arith.constant 12288 : i32
    %dma_wait3A_280 = tpu.memref_slice %arg7[%dma_wait3A_279] : memref<13312xi32, #tpu.memory_space<vmem>> -> memref<1024xi32, #tpu.memory_space<vmem>>
    %dma_wait3A_281 = arith.constant 0 : i32
    %dma_wait3A_282 = tpu.memref_slice %arg3[%dma_wait3A_281] : memref<2600000xf32, #tpu.memory_space<hbm>> -> memref<2600000xf32, #tpu.memory_space<hbm>>
    tpu.wait_indirect_dma semaphore(%arg12 : memref<!tpu.dma_semaphore, #tpu.memory_space<semaphore_mem>>) src(%dma_wait3A_282 : memref<2600000xf32, #tpu.memory_space<hbm>>) dst(%arg10 : memref<1024xf32, #tpu.memory_space<vmem>>)
    %add3A_283 = arith.constant 12288 : i32
    %add3A_284 = arith.addi %mul3A_2, %add3A_283 : i32
    "tpu.region"() ({
      %run_scoped3A = tpu.sem_alloc : memref<!tpu.dma_semaphore, #tpu.memory_space<semaphore_mem>>
      %dma_start3A_287 = arith.constant 0 : i32
      %dma_start3A_288 = tpu.memref_slice %arg5[%add3A_284, %dma_start3A_287] : memref<425984x16xbf16, #tpu.memory_space<hbm>> -> memref<1024x16xbf16, #tpu.memory_space<hbm>>
      %dma_start3A_289 = arith.constant 0 : i32
      %dma_start3A_290 = tpu.memref_slice %arg5[%add3A_284, %dma_start3A_289] : memref<425984x16xbf16, #tpu.memory_space<hbm>> -> memref<1024x16xbf16, #tpu.memory_space<hbm>>
      tpu.enqueue_dma source(%arg8 : memref<1024x16xbf16, #tpu.memory_space<vmem>>) target(%dma_start3A_290 : memref<1024x16xbf16, #tpu.memory_space<hbm>>) target_semaphore(%run_scoped3A : memref<!tpu.dma_semaphore, #tpu.memory_space<semaphore_mem>>)
      %dma_wait3A_291 = arith.constant 0 : i32
      %dma_wait3A_292 = tpu.memref_slice %arg5[%add3A_284, %dma_wait3A_291] : memref<425984x16xbf16, #tpu.memory_space<hbm>> -> memref<1024x16xbf16, #tpu.memory_space<hbm>>
      %dma_wait3A_293 = arith.constant 0 : i32
      %dma_wait3A_294 = tpu.memref_slice %arg5[%add3A_284, %dma_wait3A_293] : memref<425984x16xbf16, #tpu.memory_space<hbm>> -> memref<1024x16xbf16, #tpu.memory_space<hbm>>
      tpu.wait_dma2 semaphore(%run_scoped3A : memref<!tpu.dma_semaphore, #tpu.memory_space<semaphore_mem>>) src(%arg8 : memref<1024x16xbf16, #tpu.memory_space<vmem>>) dst(%dma_wait3A_294 : memref<1024x16xbf16, #tpu.memory_space<hbm>>)
      tpu.yield
    }) : () -> ()
    %add3A_285 = arith.constant 12288 : i32
    %add3A_286 = arith.addi %mul3A_2, %add3A_285 : i32
    "tpu.region"() ({
      %run_scoped3A = tpu.sem_alloc : memref<!tpu.dma_semaphore, #tpu.memory_space<semaphore_mem>>
      %dma_start3A_287 = tpu.memref_slice %arg6[%add3A_286] : memref<425984xf32, #tpu.memory_space<hbm>> -> memref<1024xf32, #tpu.memory_space<hbm>>
      %dma_start3A_288 = tpu.memref_slice %arg6[%add3A_286] : memref<425984xf32, #tpu.memory_space<hbm>> -> memref<1024xf32, #tpu.memory_space<hbm>>
      tpu.enqueue_dma source(%arg10 : memref<1024xf32, #tpu.memory_space<vmem>>) target(%dma_start3A_288 : memref<1024xf32, #tpu.memory_space<hbm>>) target_semaphore(%run_scoped3A : memref<!tpu.dma_semaphore, #tpu.memory_space<semaphore_mem>>)
      %dma_wait3A_289 = tpu.memref_slice %arg6[%add3A_286] : memref<425984xf32, #tpu.memory_space<hbm>> -> memref<1024xf32, #tpu.memory_space<hbm>>
      %dma_wait3A_290 = tpu.memref_slice %arg6[%add3A_286] : memref<425984xf32, #tpu.memory_space<hbm>> -> memref<1024xf32, #tpu.memory_space<hbm>>
      tpu.wait_dma2 semaphore(%run_scoped3A : memref<!tpu.dma_semaphore, #tpu.memory_space<semaphore_mem>>) src(%arg10 : memref<1024xf32, #tpu.memory_space<vmem>>) dst(%dma_wait3A_290 : memref<1024xf32, #tpu.memory_space<hbm>>)
      tpu.yield
    }) : () -> ()
    return
  }
}

module attributes {stable_mosaic.version = 14 : i64} {
  func.func @_p1_body(%arg0: i32, %arg1: memref<512x416xbf16, #tpu.memory_space<vmem>>, %arg2: memref<512x13xf32, #tpu.memory_space<vmem>>, %arg3: memref<512x26xf32, #tpu.memory_space<vmem>>, %arg4: memref<416x256xf32, #tpu.memory_space<vmem>>, %arg5: memref<13x256xf32, #tpu.memory_space<vmem>>, %arg6: memref<1x256xf32, #tpu.memory_space<vmem>>, %arg7: memref<13x1xf32, #tpu.memory_space<vmem>>, %arg8: memref<1x1xf32, #tpu.memory_space<vmem>>, %arg9: memref<416x16xf32, #tpu.memory_space<vmem>>, %arg10: memref<512x256xf32, #tpu.memory_space<vmem>>, %arg11: memref<2x256xf32, #tpu.memory_space<vmem>>, %arg12: memref<512x1xf32, #tpu.memory_space<vmem>>) attributes {dimension_semantics = [#tpu.dimension_semantics<arbitrary>], iteration_bounds = array<i64: 32>, scalar_prefetch = 0 : i64, scratch_operands = 0 : i64, tpu.core_type = #tpu.core_type<tc>, window_params = [{transform_indices = @transform_0, window_bounds = array<i64: 512, 416>}, {transform_indices = @transform_1, window_bounds = array<i64: 512, 13>}, {transform_indices = @transform_2, window_bounds = array<i64: 512, 26>}, {pipeline_mode = #tpu.pipeline_mode<synchronous>, transform_indices = @transform_3, window_bounds = array<i64: 416, 256>}, {pipeline_mode = #tpu.pipeline_mode<synchronous>, transform_indices = @transform_4, window_bounds = array<i64: 13, 256>}, {pipeline_mode = #tpu.pipeline_mode<synchronous>, transform_indices = @transform_5, window_bounds = array<i64: 1, 256>}, {pipeline_mode = #tpu.pipeline_mode<synchronous>, transform_indices = @transform_6, window_bounds = array<i64: 13, 1>}, {pipeline_mode = #tpu.pipeline_mode<synchronous>, transform_indices = @transform_7, window_bounds = array<i64: 1, 1>}, {pipeline_mode = #tpu.pipeline_mode<synchronous>, transform_indices = @transform_8, window_bounds = array<i64: 416, 16>}, {transform_indices = @transform_9, window_bounds = array<i64: 512, 256>}, {pipeline_mode = #tpu.pipeline_mode<synchronous>, transform_indices = @transform_10, window_bounds = array<i64: 2, 256>}, {transform_indices = @transform_11, window_bounds = array<i64: 512, 1>}]} {
    %get3A = arith.constant 0 : index
    %get3A_0 = arith.constant 0 : index
    %get3A_1 = vector.load %arg1[%get3A, %get3A_0] : memref<512x416xbf16, #tpu.memory_space<vmem>>, vector<512x416xbf16>
    %convert_element_type3A = arith.extf %get3A_1 : vector<512x416xbf16> to vector<512x416xf32>
    %get3A_2 = arith.constant 0 : index
    %get3A_3 = arith.constant 0 : index
    %get3A_4 = vector.load %arg2[%get3A_2, %get3A_3] : memref<512x13xf32, #tpu.memory_space<vmem>>, vector<512x13xf32>
    %get3A_5 = arith.constant 0 : index
    %get3A_6 = arith.constant 0 : index
    %get3A_7 = vector.load %arg4[%get3A_5, %get3A_6] : memref<416x256xf32, #tpu.memory_space<vmem>>, vector<416x256xf32>
    %dot_general3A = arith.constant dense<0.000000e+00> : vector<512x256xf32>
    %dot_general3A_8 = tpu.matmul %convert_element_type3A, %get3A_7, %dot_general3A {dimension_numbers = #tpu.dot_dimension_numbers<[1], [0], [0], [1], [0, 0, 1, 1], [], []>, transpose_lhs_hint = false} : vector<512x416xf32>, vector<416x256xf32>, vector<512x256xf32> -> vector<512x256xf32>
    %get3A_9 = arith.constant 0 : index
    %get3A_10 = arith.constant 0 : index
    %get3A_11 = vector.load %arg5[%get3A_9, %get3A_10] : memref<13x256xf32, #tpu.memory_space<vmem>>, vector<13x256xf32>
    %dot_general3A_12 = arith.constant dense<0.000000e+00> : vector<512x256xf32>
    %dot_general3A_13 = tpu.matmul %get3A_4, %get3A_11, %dot_general3A_12 {dimension_numbers = #tpu.dot_dimension_numbers<[1], [0], [0], [1], [0, 0, 1, 1], [], []>, transpose_lhs_hint = false} : vector<512x13xf32>, vector<13x256xf32>, vector<512x256xf32> -> vector<512x256xf32>
    %add3A = arith.addf %dot_general3A_8, %dot_general3A_13 : vector<512x256xf32>
    %get3A_14 = arith.constant 0 : index
    %get3A_15 = arith.constant 0 : index
    %get3A_16 = vector.load %arg6[%get3A_14, %get3A_15] : memref<1x256xf32, #tpu.memory_space<vmem>>, vector<1x256xf32>
    %add3A_17 = vector.broadcast %get3A_16 : vector<1x256xf32> to vector<512x256xf32>
    %add3A_18 = arith.addf %add3A, %add3A_17 : vector<512x256xf32>
    %swap3A = arith.constant 0 : index
    %swap3A_19 = arith.constant 0 : index
    %swap3A_20 = vector.load %arg10[%swap3A, %swap3A_19] : memref<512x256xf32, #tpu.memory_space<vmem>>, vector<512x256xf32>
    tpu.vector_store %arg10[%swap3A, %swap3A_19], %add3A_18 {strides = array<i32>} : memref<512x256xf32, #tpu.memory_space<vmem>>, vector<512x256xf32>,
    %reduce_sum3A = arith.constant dense<0.000000e+00> : vector<256xf32>
    %reduce_sum3A_21 = vector.multi_reduction <add>, %add3A_18, %reduce_sum3A [0] : vector<512x256xf32> to vector<256xf32>
    %broadcast_in_dim3A = vector.shape_cast %reduce_sum3A_21 : vector<256xf32> to vector<1x256xf32>
    %mul3A = arith.mulf %add3A_18, %add3A_18 : vector<512x256xf32>
    %reduce_sum3A_22 = arith.constant dense<0.000000e+00> : vector<256xf32>
    %reduce_sum3A_23 = vector.multi_reduction <add>, %mul3A, %reduce_sum3A_22 [0] : vector<512x256xf32> to vector<256xf32>
    %broadcast_in_dim3A_24 = vector.shape_cast %reduce_sum3A_23 : vector<256xf32> to vector<1x256xf32>
    %concatenate3A = tpu.concatenate %broadcast_in_dim3A, %broadcast_in_dim3A_24 in 0 : vector<1x256xf32>, vector<1x256xf32> -> vector<2x256xf32>
    %eq3A = arith.constant 0 : i32
    %eq3A_25 = arith.cmpi eq, %arg0, %eq3A : i32
    %convert_element_type3A_26 = arith.extui %eq3A_25 : i1 to i32
    %cond3A = arith.constant 0 : i32
    %cond3A_27 = arith.cmpi ne, %convert_element_type3A_26, %cond3A : i32
    scf.if %cond3A_27 {
      %swap3A_71 = arith.constant 0 : index
      %swap3A_72 = arith.constant 0 : index
      %swap3A_73 = vector.load %arg11[%swap3A_71, %swap3A_72] : memref<2x256xf32, #tpu.memory_space<vmem>>, vector<2x256xf32>
      tpu.vector_store %arg11[%swap3A_71, %swap3A_72], %concatenate3A {strides = array<i32>} : memref<2x256xf32, #tpu.memory_space<vmem>>, vector<2x256xf32>,
    } else {
    }
    %ne3A = arith.constant 0 : i32
    %ne3A_28 = arith.cmpi ne, %arg0, %ne3A : i32
    %convert_element_type3A_29 = arith.extui %ne3A_28 : i1 to i32
    %cond3A_30 = arith.constant 0 : i32
    %cond3A_31 = arith.cmpi ne, %convert_element_type3A_29, %cond3A_30 : i32
    scf.if %cond3A_31 {
      %get3A_71 = arith.constant 0 : index
      %get3A_72 = arith.constant 0 : index
      %get3A_73 = vector.load %arg11[%get3A_71, %get3A_72] : memref<2x256xf32, #tpu.memory_space<vmem>>, vector<2x256xf32>
      %add3A_74 = arith.addf %get3A_73, %concatenate3A : vector<2x256xf32>
      %swap3A_75 = arith.constant 0 : index
      %swap3A_76 = arith.constant 0 : index
      %swap3A_77 = vector.load %arg11[%swap3A_75, %swap3A_76] : memref<2x256xf32, #tpu.memory_space<vmem>>, vector<2x256xf32>
      tpu.vector_store %arg11[%swap3A_75, %swap3A_76], %add3A_74 {strides = array<i32>} : memref<2x256xf32, #tpu.memory_space<vmem>>, vector<2x256xf32>,
    } else {
    }
    %get3A_32 = arith.constant 0 : index
    %get3A_33 = arith.constant 0 : index
    %get3A_34 = vector.load %arg9[%get3A_32, %get3A_33] : memref<416x16xf32, #tpu.memory_space<vmem>>, vector<416x16xf32>
    %dot_general3A_35 = arith.constant dense<0.000000e+00> : vector<512x16xf32>
    %dot_general3A_36 = tpu.matmul %convert_element_type3A, %get3A_34, %dot_general3A_35 {dimension_numbers = #tpu.dot_dimension_numbers<[1], [0], [0], [1], [0, 0, 1, 1], [], []>, transpose_lhs_hint = false} : vector<512x416xf32>, vector<416x16xf32>, vector<512x16xf32> -> vector<512x16xf32>
    %mul3A_37 = arith.mulf %convert_element_type3A, %convert_element_type3A : vector<512x416xf32>
    %get3A_38 = arith.constant 0 : index
    %get3A_39 = arith.constant 0 : index
    %get3A_40 = vector.load %arg9[%get3A_38, %get3A_39] : memref<416x16xf32, #tpu.memory_space<vmem>>, vector<416x16xf32>
    %dot_general3A_41 = arith.constant dense<0.000000e+00> : vector<512x16xf32>
    %dot_general3A_42 = tpu.matmul %mul3A_37, %get3A_40, %dot_general3A_41 {dimension_numbers = #tpu.dot_dimension_numbers<[1], [0], [0], [1], [0, 0, 1, 1], [], []>, transpose_lhs_hint = false} : vector<512x416xf32>, vector<416x16xf32>, vector<512x16xf32> -> vector<512x16xf32>
    %mul3A_43 = arith.mulf %dot_general3A_36, %dot_general3A_36 : vector<512x16xf32>
    %sub3A = arith.subf %mul3A_43, %dot_general3A_42 : vector<512x16xf32>
    %reduce_sum3A_44 = arith.constant dense<0.000000e+00> : vector<512xf32>
    %reduce_sum3A_45 = vector.multi_reduction <add>, %sub3A, %reduce_sum3A_44 [1] : vector<512x16xf32> to vector<512xf32>
    %broadcast_in_dim3A_46 = vector.shape_cast %reduce_sum3A_45 : vector<512xf32> to vector<512x1xf32>
    %mul3A_47 = arith.constant 5.000000e-01 : f32
    %mul3A_48 = vector.broadcast %mul3A_47 : f32 to vector<512x1xf32>
    %mul3A_49 = arith.mulf %mul3A_48, %broadcast_in_dim3A_46 : vector<512x1xf32>
    %get3A_50 = arith.constant 0 : index
    %get3A_51 = arith.constant 0 : index
    %get3A_52 = vector.load %arg3[%get3A_50, %get3A_51] : memref<512x26xf32, #tpu.memory_space<vmem>>, vector<512x26xf32>
    %reduce_sum3A_53 = arith.constant dense<0.000000e+00> : vector<512xf32>
    %reduce_sum3A_54 = vector.multi_reduction <add>, %get3A_52, %reduce_sum3A_53 [1] : vector<512x26xf32> to vector<512xf32>
    %broadcast_in_dim3A_55 = vector.shape_cast %reduce_sum3A_54 : vector<512xf32> to vector<512x1xf32>
    %get3A_56 = arith.constant 0 : index
    %get3A_57 = arith.constant 0 : index
    %get3A_58 = vector.load %arg7[%get3A_56, %get3A_57] : memref<13x1xf32, #tpu.memory_space<vmem>>, vector<13x1xf32>
    %dot_general3A_59 = arith.constant dense<0.000000e+00> : vector<512x1xf32>
    %dot_general3A_60 = tpu.matmul %get3A_4, %get3A_58, %dot_general3A_59 {dimension_numbers = #tpu.dot_dimension_numbers<[1], [0], [0], [1], [0, 0, 1, 1], [], []>, transpose_lhs_hint = false} : vector<512x13xf32>, vector<13x1xf32>, vector<512x1xf32> -> vector<512x1xf32>
    %add3A_61 = arith.addf %broadcast_in_dim3A_55, %dot_general3A_60 : vector<512x1xf32>
    %get3A_62 = arith.constant 0 : index
    %get3A_63 = arith.constant 0 : index
    %get3A_64 = vector.load %arg8[%get3A_62, %get3A_63] : memref<1x1xf32, #tpu.memory_space<vmem>>, vector<1x1xf32>
    %add3A_65 = vector.broadcast %get3A_64 : vector<1x1xf32> to vector<512x1xf32>
    %add3A_66 = arith.addf %add3A_61, %add3A_65 : vector<512x1xf32>
    %add3A_67 = arith.addf %add3A_66, %mul3A_49 : vector<512x1xf32>
    %swap3A_68 = arith.constant 0 : index
    %swap3A_69 = arith.constant 0 : index
    %swap3A_70 = vector.load %arg12[%swap3A_68, %swap3A_69] : memref<512x1xf32, #tpu.memory_space<vmem>>, vector<512x1xf32>
    tpu.vector_store %arg12[%swap3A_68, %swap3A_69], %add3A_67 {strides = array<i32>} : memref<512x1xf32, #tpu.memory_space<vmem>>, vector<512x1xf32>,
    return
  }
  func.func @transform_0(%arg0: i32) -> (i32, i32) {
    %c0_i32 = arith.constant 0 : i32
    %c0_i32_0 = arith.constant 0 : i32
    return %arg0, %c0_i32 : i32, i32
  }
  func.func @transform_1(%arg0: i32) -> (i32, i32) {
    %c0_i32 = arith.constant 0 : i32
    %c0_i32_0 = arith.constant 0 : i32
    return %arg0, %c0_i32 : i32, i32
  }
  func.func @transform_2(%arg0: i32) -> (i32, i32) {
    %c0_i32 = arith.constant 0 : i32
    %c0_i32_0 = arith.constant 0 : i32
    return %arg0, %c0_i32 : i32, i32
  }
  func.func @transform_3(%arg0: i32) -> (i32, i32) {
    %c0_i32 = arith.constant 0 : i32
    %c0_i32_0 = arith.constant 0 : i32
    %c0_i32_1 = arith.constant 0 : i32
    return %c0_i32, %c0_i32_0 : i32, i32
  }
  func.func @transform_4(%arg0: i32) -> (i32, i32) {
    %c0_i32 = arith.constant 0 : i32
    %c0_i32_0 = arith.constant 0 : i32
    %c0_i32_1 = arith.constant 0 : i32
    return %c0_i32, %c0_i32_0 : i32, i32
  }
  func.func @transform_5(%arg0: i32) -> (i32, i32) {
    %c0_i32 = arith.constant 0 : i32
    %c0_i32_0 = arith.constant 0 : i32
    %c0_i32_1 = arith.constant 0 : i32
    return %c0_i32, %c0_i32_0 : i32, i32
  }
  func.func @transform_6(%arg0: i32) -> (i32, i32) {
    %c0_i32 = arith.constant 0 : i32
    %c0_i32_0 = arith.constant 0 : i32
    %c0_i32_1 = arith.constant 0 : i32
    return %c0_i32, %c0_i32_0 : i32, i32
  }
  func.func @transform_7(%arg0: i32) -> (i32, i32) {
    %c0_i32 = arith.constant 0 : i32
    %c0_i32_0 = arith.constant 0 : i32
    %c0_i32_1 = arith.constant 0 : i32
    return %c0_i32, %c0_i32_0 : i32, i32
  }
  func.func @transform_8(%arg0: i32) -> (i32, i32) {
    %c0_i32 = arith.constant 0 : i32
    %c0_i32_0 = arith.constant 0 : i32
    %c0_i32_1 = arith.constant 0 : i32
    return %c0_i32, %c0_i32_0 : i32, i32
  }
  func.func @transform_9(%arg0: i32) -> (i32, i32) {
    %c0_i32 = arith.constant 0 : i32
    %c0_i32_0 = arith.constant 0 : i32
    return %arg0, %c0_i32 : i32, i32
  }
  func.func @transform_10(%arg0: i32) -> (i32, i32) {
    %c0_i32 = arith.constant 0 : i32
    %c0_i32_0 = arith.constant 0 : i32
    %c0_i32_1 = arith.constant 0 : i32
    return %c0_i32, %c0_i32_0 : i32, i32
  }
  func.func @transform_11(%arg0: i32) -> (i32, i32) {
    %c0_i32 = arith.constant 0 : i32
    %c0_i32_0 = arith.constant 0 : i32
    return %arg0, %c0_i32 : i32, i32
  }
}

module attributes {stable_mosaic.version = 14 : i64} {
  func.func @_p2_body(%arg0: i32, %arg1: memref<512x256xf32, #tpu.memory_space<vmem>>, %arg2: memref<2x256xf32, #tpu.memory_space<vmem>>, %arg3: memref<1x256xf32, #tpu.memory_space<vmem>>, %arg4: memref<1x256xf32, #tpu.memory_space<vmem>>, %arg5: memref<256x128xf32, #tpu.memory_space<vmem>>, %arg6: memref<1x128xf32, #tpu.memory_space<vmem>>, %arg7: memref<512x128xf32, #tpu.memory_space<vmem>>, %arg8: memref<2x128xf32, #tpu.memory_space<vmem>>) attributes {dimension_semantics = [#tpu.dimension_semantics<arbitrary>], iteration_bounds = array<i64: 32>, scalar_prefetch = 0 : i64, scratch_operands = 0 : i64, tpu.core_type = #tpu.core_type<tc>, window_params = [{transform_indices = @transform_0, window_bounds = array<i64: 512, 256>}, {pipeline_mode = #tpu.pipeline_mode<synchronous>, transform_indices = @transform_1, window_bounds = array<i64: 2, 256>}, {pipeline_mode = #tpu.pipeline_mode<synchronous>, transform_indices = @transform_2, window_bounds = array<i64: 1, 256>}, {pipeline_mode = #tpu.pipeline_mode<synchronous>, transform_indices = @transform_3, window_bounds = array<i64: 1, 256>}, {pipeline_mode = #tpu.pipeline_mode<synchronous>, transform_indices = @transform_4, window_bounds = array<i64: 256, 128>}, {pipeline_mode = #tpu.pipeline_mode<synchronous>, transform_indices = @transform_5, window_bounds = array<i64: 1, 128>}, {transform_indices = @transform_6, window_bounds = array<i64: 512, 128>}, {pipeline_mode = #tpu.pipeline_mode<synchronous>, transform_indices = @transform_7, window_bounds = array<i64: 2, 128>}]} {
    %get3A = arith.constant 0 : index
    %get3A_0 = arith.constant 0 : index
    %get3A_1 = vector.load %arg2[%get3A, %get3A_0] : memref<2x256xf32, #tpu.memory_space<vmem>>, vector<1x256xf32>
    %mul3A = arith.constant 6.10351563E-5 : f32
    %mul3A_2 = vector.broadcast %mul3A : f32 to vector<1x256xf32>
    %mul3A_3 = arith.mulf %get3A_1, %mul3A_2 : vector<1x256xf32>
    %get3A_4 = arith.constant 1 : index
    %get3A_5 = arith.constant 0 : index
    %get3A_6 = vector.load %arg2[%get3A_4, %get3A_5] : memref<2x256xf32, #tpu.memory_space<vmem>>, vector<1x256xf32>
    %mul3A_7 = arith.constant 6.10351563E-5 : f32
    %mul3A_8 = vector.broadcast %mul3A_7 : f32 to vector<1x256xf32>
    %mul3A_9 = arith.mulf %get3A_6, %mul3A_8 : vector<1x256xf32>
    %mul3A_10 = arith.mulf %mul3A_3, %mul3A_3 : vector<1x256xf32>
    %sub3A = arith.subf %mul3A_9, %mul3A_10 : vector<1x256xf32>
    %get3A_11 = arith.constant 0 : index
    %get3A_12 = arith.constant 0 : index
    %get3A_13 = vector.load %arg1[%get3A_11, %get3A_12] : memref<512x256xf32, #tpu.memory_space<vmem>>, vector<512x256xf32>
    %sub3A_14 = vector.broadcast %mul3A_3 : vector<1x256xf32> to vector<512x256xf32>
    %sub3A_15 = arith.subf %get3A_13, %sub3A_14 : vector<512x256xf32>
    %add3A = arith.constant 9.99999974E-6 : f32
    %add3A_16 = vector.broadcast %add3A : f32 to vector<1x256xf32>
    %add3A_17 = arith.addf %sub3A, %add3A_16 : vector<1x256xf32>
    %rsqrt3A = math.rsqrt %add3A_17 : vector<1x256xf32>
    %mul3A_18 = vector.broadcast %rsqrt3A : vector<1x256xf32> to vector<512x256xf32>
    %mul3A_19 = arith.mulf %sub3A_15, %mul3A_18 : vector<512x256xf32>
    %get3A_20 = arith.constant 0 : index
    %get3A_21 = arith.constant 0 : index
    %get3A_22 = vector.load %arg3[%get3A_20, %get3A_21] : memref<1x256xf32, #tpu.memory_space<vmem>>, vector<1x256xf32>
    %mul3A_23 = vector.broadcast %get3A_22 : vector<1x256xf32> to vector<512x256xf32>
    %mul3A_24 = arith.mulf %mul3A_19, %mul3A_23 : vector<512x256xf32>
    %get3A_25 = arith.constant 0 : index
    %get3A_26 = arith.constant 0 : index
    %get3A_27 = vector.load %arg4[%get3A_25, %get3A_26] : memref<1x256xf32, #tpu.memory_space<vmem>>, vector<1x256xf32>
    %add3A_28 = vector.broadcast %get3A_27 : vector<1x256xf32> to vector<512x256xf32>
    %add3A_29 = arith.addf %mul3A_24, %add3A_28 : vector<512x256xf32>
    %max3A = arith.constant 0.000000e+00 : f32
    %max3A_30 = vector.broadcast %max3A : f32 to vector<512x256xf32>
    %max3A_31 = arith.maximumf %add3A_29, %max3A_30 : vector<512x256xf32>
    %get3A_32 = arith.constant 0 : index
    %get3A_33 = arith.constant 0 : index
    %get3A_34 = vector.load %arg5[%get3A_32, %get3A_33] : memref<256x128xf32, #tpu.memory_space<vmem>>, vector<256x128xf32>
    %dot_general3A = arith.constant dense<0.000000e+00> : vector<512x128xf32>
    %dot_general3A_35 = tpu.matmul %max3A_31, %get3A_34, %dot_general3A {dimension_numbers = #tpu.dot_dimension_numbers<[1], [0], [0], [1], [0, 0, 1, 1], [], []>, transpose_lhs_hint = false} : vector<512x256xf32>, vector<256x128xf32>, vector<512x128xf32> -> vector<512x128xf32>
    %get3A_36 = arith.constant 0 : index
    %get3A_37 = arith.constant 0 : index
    %get3A_38 = vector.load %arg6[%get3A_36, %get3A_37] : memref<1x128xf32, #tpu.memory_space<vmem>>, vector<1x128xf32>
    %add3A_39 = vector.broadcast %get3A_38 : vector<1x128xf32> to vector<512x128xf32>
    %add3A_40 = arith.addf %dot_general3A_35, %add3A_39 : vector<512x128xf32>
    %swap3A = arith.constant 0 : index
    %swap3A_41 = arith.constant 0 : index
    %swap3A_42 = vector.load %arg7[%swap3A, %swap3A_41] : memref<512x128xf32, #tpu.memory_space<vmem>>, vector<512x128xf32>
    tpu.vector_store %arg7[%swap3A, %swap3A_41], %add3A_40 {strides = array<i32>} : memref<512x128xf32, #tpu.memory_space<vmem>>, vector<512x128xf32>,
    %reduce_sum3A = arith.constant dense<0.000000e+00> : vector<128xf32>
    %reduce_sum3A_43 = vector.multi_reduction <add>, %add3A_40, %reduce_sum3A [0] : vector<512x128xf32> to vector<128xf32>
    %broadcast_in_dim3A = vector.shape_cast %reduce_sum3A_43 : vector<128xf32> to vector<1x128xf32>
    %mul3A_44 = arith.mulf %add3A_40, %add3A_40 : vector<512x128xf32>
    %reduce_sum3A_45 = arith.constant dense<0.000000e+00> : vector<128xf32>
    %reduce_sum3A_46 = vector.multi_reduction <add>, %mul3A_44, %reduce_sum3A_45 [0] : vector<512x128xf32> to vector<128xf32>
    %broadcast_in_dim3A_47 = vector.shape_cast %reduce_sum3A_46 : vector<128xf32> to vector<1x128xf32>
    %concatenate3A = tpu.concatenate %broadcast_in_dim3A, %broadcast_in_dim3A_47 in 0 : vector<1x128xf32>, vector<1x128xf32> -> vector<2x128xf32>
    %eq3A = arith.constant 0 : i32
    %eq3A_48 = arith.cmpi eq, %arg0, %eq3A : i32
    %convert_element_type3A = arith.extui %eq3A_48 : i1 to i32
    %cond3A = arith.constant 0 : i32
    %cond3A_49 = arith.cmpi ne, %convert_element_type3A, %cond3A : i32
    scf.if %cond3A_49 {
      %swap3A_54 = arith.constant 0 : index
      %swap3A_55 = arith.constant 0 : index
      %swap3A_56 = vector.load %arg8[%swap3A_54, %swap3A_55] : memref<2x128xf32, #tpu.memory_space<vmem>>, vector<2x128xf32>
      tpu.vector_store %arg8[%swap3A_54, %swap3A_55], %concatenate3A {strides = array<i32>} : memref<2x128xf32, #tpu.memory_space<vmem>>, vector<2x128xf32>,
    } else {
    }
    %ne3A = arith.constant 0 : i32
    %ne3A_50 = arith.cmpi ne, %arg0, %ne3A : i32
    %convert_element_type3A_51 = arith.extui %ne3A_50 : i1 to i32
    %cond3A_52 = arith.constant 0 : i32
    %cond3A_53 = arith.cmpi ne, %convert_element_type3A_51, %cond3A_52 : i32
    scf.if %cond3A_53 {
      %get3A_54 = arith.constant 0 : index
      %get3A_55 = arith.constant 0 : index
      %get3A_56 = vector.load %arg8[%get3A_54, %get3A_55] : memref<2x128xf32, #tpu.memory_space<vmem>>, vector<2x128xf32>
      %add3A_57 = arith.addf %get3A_56, %concatenate3A : vector<2x128xf32>
      %swap3A_58 = arith.constant 0 : index
      %swap3A_59 = arith.constant 0 : index
      %swap3A_60 = vector.load %arg8[%swap3A_58, %swap3A_59] : memref<2x128xf32, #tpu.memory_space<vmem>>, vector<2x128xf32>
      tpu.vector_store %arg8[%swap3A_58, %swap3A_59], %add3A_57 {strides = array<i32>} : memref<2x128xf32, #tpu.memory_space<vmem>>, vector<2x128xf32>,
    } else {
    }
    return
  }
  func.func @transform_0(%arg0: i32) -> (i32, i32) {
    %c0_i32 = arith.constant 0 : i32
    %c0_i32_0 = arith.constant 0 : i32
    return %arg0, %c0_i32 : i32, i32
  }
  func.func @transform_1(%arg0: i32) -> (i32, i32) {
    %c0_i32 = arith.constant 0 : i32
    %c0_i32_0 = arith.constant 0 : i32
    %c0_i32_1 = arith.constant 0 : i32
    return %c0_i32, %c0_i32_0 : i32, i32
  }
  func.func @transform_2(%arg0: i32) -> (i32, i32) {
    %c0_i32 = arith.constant 0 : i32
    %c0_i32_0 = arith.constant 0 : i32
    %c0_i32_1 = arith.constant 0 : i32
    return %c0_i32, %c0_i32_0 : i32, i32
  }
  func.func @transform_3(%arg0: i32) -> (i32, i32) {
    %c0_i32 = arith.constant 0 : i32
    %c0_i32_0 = arith.constant 0 : i32
    %c0_i32_1 = arith.constant 0 : i32
    return %c0_i32, %c0_i32_0 : i32, i32
  }
  func.func @transform_4(%arg0: i32) -> (i32, i32) {
    %c0_i32 = arith.constant 0 : i32
    %c0_i32_0 = arith.constant 0 : i32
    %c0_i32_1 = arith.constant 0 : i32
    return %c0_i32, %c0_i32_0 : i32, i32
  }
  func.func @transform_5(%arg0: i32) -> (i32, i32) {
    %c0_i32 = arith.constant 0 : i32
    %c0_i32_0 = arith.constant 0 : i32
    %c0_i32_1 = arith.constant 0 : i32
    return %c0_i32, %c0_i32_0 : i32, i32
  }
  func.func @transform_6(%arg0: i32) -> (i32, i32) {
    %c0_i32 = arith.constant 0 : i32
    %c0_i32_0 = arith.constant 0 : i32
    return %arg0, %c0_i32 : i32, i32
  }
  func.func @transform_7(%arg0: i32) -> (i32, i32) {
    %c0_i32 = arith.constant 0 : i32
    %c0_i32_0 = arith.constant 0 : i32
    %c0_i32_1 = arith.constant 0 : i32
    return %c0_i32, %c0_i32_0 : i32, i32
  }
}

module attributes {stable_mosaic.version = 14 : i64} {
  func.func @_p3_body(%arg0: i32, %arg1: memref<512x128xf32, #tpu.memory_space<vmem>>, %arg2: memref<2x128xf32, #tpu.memory_space<vmem>>, %arg3: memref<1x128xf32, #tpu.memory_space<vmem>>, %arg4: memref<1x128xf32, #tpu.memory_space<vmem>>, %arg5: memref<128x1xf32, #tpu.memory_space<vmem>>, %arg6: memref<1x1xf32, #tpu.memory_space<vmem>>, %arg7: memref<512x1xf32, #tpu.memory_space<vmem>>, %arg8: memref<512x1xf32, #tpu.memory_space<vmem>>) attributes {dimension_semantics = [#tpu.dimension_semantics<arbitrary>], iteration_bounds = array<i64: 32>, scalar_prefetch = 0 : i64, scratch_operands = 0 : i64, tpu.core_type = #tpu.core_type<tc>, window_params = [{transform_indices = @transform_0, window_bounds = array<i64: 512, 128>}, {pipeline_mode = #tpu.pipeline_mode<synchronous>, transform_indices = @transform_1, window_bounds = array<i64: 2, 128>}, {pipeline_mode = #tpu.pipeline_mode<synchronous>, transform_indices = @transform_2, window_bounds = array<i64: 1, 128>}, {pipeline_mode = #tpu.pipeline_mode<synchronous>, transform_indices = @transform_3, window_bounds = array<i64: 1, 128>}, {pipeline_mode = #tpu.pipeline_mode<synchronous>, transform_indices = @transform_4, window_bounds = array<i64: 128, 1>}, {pipeline_mode = #tpu.pipeline_mode<synchronous>, transform_indices = @transform_5, window_bounds = array<i64: 1, 1>}, {transform_indices = @transform_6, window_bounds = array<i64: 512, 1>}, {transform_indices = @transform_7, window_bounds = array<i64: 512, 1>}]} {
    %get3A = arith.constant 0 : index
    %get3A_0 = arith.constant 0 : index
    %get3A_1 = vector.load %arg2[%get3A, %get3A_0] : memref<2x128xf32, #tpu.memory_space<vmem>>, vector<1x128xf32>
    %mul3A = arith.constant 6.10351563E-5 : f32
    %mul3A_2 = vector.broadcast %mul3A : f32 to vector<1x128xf32>
    %mul3A_3 = arith.mulf %get3A_1, %mul3A_2 : vector<1x128xf32>
    %get3A_4 = arith.constant 1 : index
    %get3A_5 = arith.constant 0 : index
    %get3A_6 = vector.load %arg2[%get3A_4, %get3A_5] : memref<2x128xf32, #tpu.memory_space<vmem>>, vector<1x128xf32>
    %mul3A_7 = arith.constant 6.10351563E-5 : f32
    %mul3A_8 = vector.broadcast %mul3A_7 : f32 to vector<1x128xf32>
    %mul3A_9 = arith.mulf %get3A_6, %mul3A_8 : vector<1x128xf32>
    %mul3A_10 = arith.mulf %mul3A_3, %mul3A_3 : vector<1x128xf32>
    %sub3A = arith.subf %mul3A_9, %mul3A_10 : vector<1x128xf32>
    %get3A_11 = arith.constant 0 : index
    %get3A_12 = arith.constant 0 : index
    %get3A_13 = vector.load %arg1[%get3A_11, %get3A_12] : memref<512x128xf32, #tpu.memory_space<vmem>>, vector<512x128xf32>
    %sub3A_14 = vector.broadcast %mul3A_3 : vector<1x128xf32> to vector<512x128xf32>
    %sub3A_15 = arith.subf %get3A_13, %sub3A_14 : vector<512x128xf32>
    %add3A = arith.constant 9.99999974E-6 : f32
    %add3A_16 = vector.broadcast %add3A : f32 to vector<1x128xf32>
    %add3A_17 = arith.addf %sub3A, %add3A_16 : vector<1x128xf32>
    %rsqrt3A = math.rsqrt %add3A_17 : vector<1x128xf32>
    %mul3A_18 = vector.broadcast %rsqrt3A : vector<1x128xf32> to vector<512x128xf32>
    %mul3A_19 = arith.mulf %sub3A_15, %mul3A_18 : vector<512x128xf32>
    %get3A_20 = arith.constant 0 : index
    %get3A_21 = arith.constant 0 : index
    %get3A_22 = vector.load %arg3[%get3A_20, %get3A_21] : memref<1x128xf32, #tpu.memory_space<vmem>>, vector<1x128xf32>
    %mul3A_23 = vector.broadcast %get3A_22 : vector<1x128xf32> to vector<512x128xf32>
    %mul3A_24 = arith.mulf %mul3A_19, %mul3A_23 : vector<512x128xf32>
    %get3A_25 = arith.constant 0 : index
    %get3A_26 = arith.constant 0 : index
    %get3A_27 = vector.load %arg4[%get3A_25, %get3A_26] : memref<1x128xf32, #tpu.memory_space<vmem>>, vector<1x128xf32>
    %add3A_28 = vector.broadcast %get3A_27 : vector<1x128xf32> to vector<512x128xf32>
    %add3A_29 = arith.addf %mul3A_24, %add3A_28 : vector<512x128xf32>
    %max3A = arith.constant 0.000000e+00 : f32
    %max3A_30 = vector.broadcast %max3A : f32 to vector<512x128xf32>
    %max3A_31 = arith.maximumf %add3A_29, %max3A_30 : vector<512x128xf32>
    %get3A_32 = arith.constant 0 : index
    %get3A_33 = arith.constant 0 : index
    %get3A_34 = vector.load %arg5[%get3A_32, %get3A_33] : memref<128x1xf32, #tpu.memory_space<vmem>>, vector<128x1xf32>
    %dot_general3A = arith.constant dense<0.000000e+00> : vector<512x1xf32>
    %dot_general3A_35 = tpu.matmul %max3A_31, %get3A_34, %dot_general3A {dimension_numbers = #tpu.dot_dimension_numbers<[1], [0], [0], [1], [0, 0, 1, 1], [], []>, transpose_lhs_hint = false} : vector<512x128xf32>, vector<128x1xf32>, vector<512x1xf32> -> vector<512x1xf32>
    %get3A_36 = arith.constant 0 : index
    %get3A_37 = arith.constant 0 : index
    %get3A_38 = vector.load %arg6[%get3A_36, %get3A_37] : memref<1x1xf32, #tpu.memory_space<vmem>>, vector<1x1xf32>
    %add3A_39 = vector.broadcast %get3A_38 : vector<1x1xf32> to vector<512x1xf32>
    %add3A_40 = arith.addf %dot_general3A_35, %add3A_39 : vector<512x1xf32>
    %get3A_41 = arith.constant 0 : index
    %get3A_42 = arith.constant 0 : index
    %get3A_43 = vector.load %arg7[%get3A_41, %get3A_42] : memref<512x1xf32, #tpu.memory_space<vmem>>, vector<512x1xf32>
    %add3A_44 = arith.addf %get3A_43, %add3A_40 : vector<512x1xf32>
    %swap3A = arith.constant 0 : index
    %swap3A_45 = arith.constant 0 : index
    %swap3A_46 = vector.load %arg8[%swap3A, %swap3A_45] : memref<512x1xf32, #tpu.memory_space<vmem>>, vector<512x1xf32>
    tpu.vector_store %arg8[%swap3A, %swap3A_45], %add3A_44 {strides = array<i32>} : memref<512x1xf32, #tpu.memory_space<vmem>>, vector<512x1xf32>,
    return
  }
  func.func @transform_0(%arg0: i32) -> (i32, i32) {
    %c0_i32 = arith.constant 0 : i32
    %c0_i32_0 = arith.constant 0 : i32
    return %arg0, %c0_i32 : i32, i32
  }
  func.func @transform_1(%arg0: i32) -> (i32, i32) {
    %c0_i32 = arith.constant 0 : i32
    %c0_i32_0 = arith.constant 0 : i32
    %c0_i32_1 = arith.constant 0 : i32
    return %c0_i32, %c0_i32_0 : i32, i32
  }
  func.func @transform_2(%arg0: i32) -> (i32, i32) {
    %c0_i32 = arith.constant 0 : i32
    %c0_i32_0 = arith.constant 0 : i32
    %c0_i32_1 = arith.constant 0 : i32
    return %c0_i32, %c0_i32_0 : i32, i32
  }
  func.func @transform_3(%arg0: i32) -> (i32, i32) {
    %c0_i32 = arith.constant 0 : i32
    %c0_i32_0 = arith.constant 0 : i32
    %c0_i32_1 = arith.constant 0 : i32
    return %c0_i32, %c0_i32_0 : i32, i32
  }
  func.func @transform_4(%arg0: i32) -> (i32, i32) {
    %c0_i32 = arith.constant 0 : i32
    %c0_i32_0 = arith.constant 0 : i32
    %c0_i32_1 = arith.constant 0 : i32
    return %c0_i32, %c0_i32_0 : i32, i32
  }
  func.func @transform_5(%arg0: i32) -> (i32, i32) {
    %c0_i32 = arith.constant 0 : i32
    %c0_i32_0 = arith.constant 0 : i32
    %c0_i32_1 = arith.constant 0 : i32
    return %c0_i32, %c0_i32_0 : i32, i32
  }
  func.func @transform_6(%arg0: i32) -> (i32, i32) {
    %c0_i32 = arith.constant 0 : i32
    %c0_i32_0 = arith.constant 0 : i32
    return %arg0, %c0_i32 : i32, i32
  }
  func.func @transform_7(%arg0: i32) -> (i32, i32) {
    %c0_i32 = arith.constant 0 : i32
    %c0_i32_0 = arith.constant 0 : i32
    return %arg0, %c0_i32 : i32, i32
  }
}

</mosaic_0001>

<sc_bundles>
// kernel: kernel.6.cloned.1.call-start
scs
__scs_entry_jumppad:
0x0: {  	(pc) =	sbr.rel $0x88, $3  }
0x1: {  	(tag) =	ssettag $0x0;
	lr =	simm.s32 $0x1  }
0x2: {  	[smem:$0x3F91] =	sst lr;
	_ =	strace $0xD0000000  }
0x3: {  	_ = 	snop  }
0x4: {  	_ = 	snop  }
0x5: {  	_ = 	snop  }
0x6: {  	_ = 	snop  }
0x7: {  	_ = 	snop  }
__scs_overlays_trampoline_lowered:
0x8: {  	[smem:$0x3FA0] =	sst s0  }
0x9: {  	[smem:$0x3FA1] =	sst s1  }
0xa: {  	[smem:$0x3FA2] =	sst s2  }
0xb: {  	[smem:$0x3FA3] =	sst s3  }
0xc: {  	[smem:$0x3FA4] =	sst s4  }
0xd: {  	[smem:$0x3FA5] =	sst s5  }
0xe: {  	[smem:$0x3FA6] =	sst s6  }
0xf: {  	[smem:$0x3FA7] =	sst s7  }
0x10: {  	[smem:$0x3FA8] =	sst s8  }
0x11: {  	[smem:$0x3FA9] =	sst s9;
	s0 =	simm.s32 @!p0 $0x0  }
0x12: {  	s1 =	sld [smem:$0x3F8F];
	s0 =	simm.s32 @p0 $0x1  }
0x13: {  	[smem:$0x3FAA] =	sst s0;
	s0 =	simm.s32 @!p1 $0x0  }
0x14: {  	s2 =	sld [smem:$0x3F8E];
	s0 =	simm.s32 @p1 $0x1  }
0x15: {  	[smem:$0x3FAB] =	sst s0;
	s0 =	simm.s32 @!p2 $0x0  }
0x16: {  	s3 =	sld [smem:$0x3FDB];
	s0 =	simm.s32 @p2 $0x1  }
0x17: {  	s4 =	simm.s32 $0x1BF5;
	[smem:$0x3FAD] =	sst s0  }
0x18: {  	s0 =	sld [smem:$0x3F90];
	_ =	swait.ge [sflag:s4], $0x0  }
0x19: {  	s7 =	sld [smem:$0x3F91]  }
0x1a: {  	s8 =	sadd.s32 $0xFFFFE003, lr  }
0x1b: {  	s9 =	sadd.s32 $0xFFFFFEF7, lr;
	s5 =	simm.s32 $0xFFFFFFFF;
	p2 =	slt.u32 s8, $0xFFFFF086  }
0x1c: {  	p1 =	slt.u32 s9, $0xF7A;
	s5 =	simm.s32 @!p2 $0x0  }
0x1d: {  	s5 =	simm.s32 @p1 $0x1;
	p0 =	seq.s32 s7, s2  }
0x1e: {  	s7 =	smul.u32 @!p0 $0xF7A, s2;
	p2 =	seq.s32 @!p0 s5, $0x0  }
0x1f: {  	s9 =	smul.u32 $0xF7A, s1;
	s8 =	simm.s32 @!p0 $0x1BF5;
	p2 =	por !p2, p0  }
0x20: {  	[sflag:s8] =	ssyncset.s32 @!p0 $0xFFFFF086;
	s6 =	sadd.s32 @!p0 s3, s7;
	s7 =	simm.s32 @!p0 $0x108  }
0x21: {  	s3 =	sadd.s32 s3, s9;
	s6 =	sadd.s32 @!p0 $0x88, s6;
	s7 =	simm.s32 @p2 $0x1082  }
0x22: {  	[simem:s7], [sflag:s8] =	dma.local @!p0 [hbm:s6], $0xF7A  }
0x23: {  	s9 =	sor.u32 $0xD0000000, s2;
	s6 =	simm.s32 $0x108;
	_ =	swait.ge @!p0 [sflag:s8], $0x0  }
0x24: {  	s3 =	sadd.s32 $0x88, s3;
	s6 =	simm.s32 @!p1 $0x1082;
	[sflag:s4] =	ssyncset.s32 $0xFFFFF086  }
0x25: {  	[simem:s6], [sflag:s4] =	dma.local [hbm:s3], $0xF7A  }
0x26: {  	[smem:$0x3F91] =	sst s1;
	(tag) =	ssettag s2;
	_ =	strace s9  }
0x27: {  	s1 =	sld [smem:$0x3FA1]  }
0x28: {  	s2 =	sld [smem:$0x3FA2]  }
0x29: {  	s4 =	sld [smem:$0x3FA4]  }
0x2a: {  	p0 =	seq.s32 s5, $0x0;
	s5 =	sld [smem:$0x3FA5]  }
0x2b: {  	s6 =	sld [smem:$0x3FA6]  }
0x2c: {  	s7 =	sld [smem:$0x3FA7]  }
0x2d: {  	s3 =	simm.s32 $0x108;
	s8 =	sld [smem:$0x3FA8]  }
0x2e: {  	s3 =	simm.s32 @!p0 $0x1082;
	s9 =	sld [smem:$0x3FA9]  }
0x2f: {  	lr =	sadd.s32 s0, s3;
	s0 =	sld [smem:$0x3FA0]  }
0x30: {  	s3 =	sld [smem:$0x3FA3]  }
0x31: {  	[smem:$0x3FAC] =	sst s10  }
0x32: {  	s10 =	sld [smem:$0x3FAA];
	_ =	sdelay $0x3  }
0x33: {  	p0 =	seq.s32 s10, $0x1;
	s10 =	sld [smem:$0x3FAC];
	_ =	sdelay $0x3  }
0x34: {  	[smem:$0x3FAC] =	sst s10  }
0x35: {  	s10 =	sld [smem:$0x3FAB];
	_ =	sdelay $0x3  }
0x36: {  	p1 =	seq.s32 s10, $0x1;
	s10 =	sld [smem:$0x3FAC];
	_ =	sdelay $0x3  }
0x37: {  	[smem:$0x3FAC] =	sst s10  }
0x38: {  	s10 =	sld [smem:$0x3FAD]  }
0x39: {  	_ = 	snop;
	(pc) =	sbr.ind lr, $3  }
0x3a: {  	_ = 	snop  }
0x3b: {  	_ = 	snop  }
0x3c: {  	p2 =	seq.s32 s10, $0x1;
	s10 =	sld [smem:$0x3FAC]  }
0x3d: {  	_ =	shalt  }
0x3e: {  	_ =	shalt  }
0x3f: {  	_ =	shalt  }
0x40: {  	_ =	shalt  }
0x41: {  	_ =	shalt  }
0x42: {  	_ =	shalt  }
0x43: {  	_ =	shalt  }
0x44: {  	_ =	shalt  }
0x45: {  	_ =	shalt  }
0x46: {  	_ =	shalt  }
0x47: {  	_ =	shalt  }
0x48: {  	_ =	shalt  }
0x49: {  	_ =	shalt  }
0x4a: {  	_ =	shalt  }
0x4b: {  	_ =	shalt  }
0x4c: {  	_ =	shalt  }
0x4d: {  	_ =	shalt  }
0x4e: {  	_ =	shalt  }
0x4f: {  	_ =	shalt  }
0x50: {  	_ =	shalt  }
0x51: {  	_ =	shalt  }
0x52: {  	_ =	shalt  }
0x53: {  	_ =	shalt  }
0x54: {  	_ =	shalt  }
0x55: {  	_ =	shalt  }
0x56: {  	_ =	shalt  }
0x57: {  	_ =	shalt  }
0x58: {  	_ =	shalt  }
0x59: {  	_ =	shalt  }
0x5a: {  	_ =	shalt  }
0x5b: {  	_ =	shalt  }
0x5c: {  	_ =	shalt  }
0x5d: {  	_ =	shalt  }
0x5e: {  	_ =	shalt  }
0x5f: {  	_ =	shalt  }
0x60: {  	_ =	shalt  }
0x61: {  	_ =	shalt  }
0x62: {  	_ =	shalt  }
0x63: {  	_ =	shalt  }
0x64: {  	_ =	shalt  }
0x65: {  	_ =	shalt  }
0x66: {  	_ =	shalt  }
0x67: {  	_ =	shalt  }
0x68: {  	_ =	shalt  }
0x69: {  	_ =	shalt  }
0x6a: {  	_ =	shalt  }
0x6b: {  	_ =	shalt  }
0x6c: {  	_ =	shalt  }
0x6d: {  	_ =	shalt  }
0x6e: {  	_ =	shalt  }
0x6f: {  	_ =	shalt  }
0x70: {  	_ =	shalt  }
0x71: {  	_ =	shalt  }
0x72: {  	_ =	shalt  }
0x73: {  	_ =	shalt  }
0x74: {  	_ =	shalt  }
0x75: {  	_ =	shalt  }
0x76: {  	_ =	shalt  }
0x77: {  	_ =	shalt  }
0x78: {  	_ =	shalt  }
0x79: {  	_ =	shalt  }
0x7a: {  	_ =	shalt  }
0x7b: {  	_ =	shalt  }
0x7c: {  	_ =	shalt  }
0x7d: {  	_ =	shalt  }
0x7e: {  	_ =	shalt  }
0x7f: {  	_ =	shalt  }
0x80: {  	_ =	shalt  }
0x81: {  	_ =	shalt  }
0x82: {  	_ =	shalt  }
0x83: {  	_ =	shalt  }
0x84: {  	_ =	shalt  }
0x85: {  	_ =	shalt  }
0x86: {  	_ =	shalt  }
0x87: {  	_ =	shalt  }
.Lfunc_end0:
.L_simem_size_0:
called_computation.1_lowered:
.L_overlay_start_0:
0x88: {  	s2 =	sld [smem:$0x3FD9]  }
0x89: {  	s3 =	sld [smem:$0x3FFE];
	_ =	sdelay $0x1  }
0x8a: {  	s1 =	srdreg.scid  }
0x8b: {  	s0 =	sand.u32 $0x1, s1  }
0x8c: {  	s16 =	sshll.u32 s0, $0xA;
	s2 =	sadd.s32 s3, s2  }
0x8d: {  	s2 =	sadd.s32 s2, s16  }
0x8e: {  	[smem:$0x3FB8] =	sst s2  }
0x8f: {  	_ = 	snop  }
0x90: {  	(tm) =	ssettm $0x1  }
0x91: {  	s17 =	sld [smem:$0x3FFB];
	_ =	sdelay $0x3  }
0x92: {  	_ =	strace s17  }
0x93: {  	s2 =	sld [smem:$0x3FFC];
	_ =	sdelay $0x3  }
0x94: {  	_ =	strace s2  }
0x95: {  	s2 =	sld [smem:$0x3FFD];
	_ =	sdelay $0x3  }
0x96: {  	_ =	strace s2  }
0x97: {  	_ =	strace $0x8FFFFFFF  }
0x98: {  	s18 =	sld [smem:$0x3FDB];
	_ =	sdelay $0x1  }
0x99: {  	s19 =	simm.s32 $_scs_section_size  }
0x9a: {  	s4 =	simm.s32 $_size__tile_overlayer_lowered;
	s5 =	simm.s32 $_tile_overlayer_lowered  }
0x9b: {  	s22 =	simm.s32 $0x1BFF;
	s21 =	sshll.u32 s5, $0x1;
	s2 =	sadd.s32 s19, s18  }
0x9c: {  	s6 =	simm.s32 $0x0;
	s20 =	sshll.u32 s4, $0x1;
	s4 =	sadd.s32 s21, s2  }
0x9d: {  	[timem:s6], [sflag:s22] =	dma.local [hbm:s4], s20  }
0x9e: {  	_ =	swait.ge [sflag:s22], s20  }
0x9f: {  	s3 =	ssub.s32 $0x0, s20;
	[sflag:s22] =	ssyncset.done $0x0  }
0xa0: {  	[sflag:s22] =	ssyncadd.s32 s3;
	_ =	sdelay $0x1  }
0xa1: {  	s23 =	simm.s32 $0x1B8B  }
0xa2: {  	_ =	swait.ge [sflag:s23], $0x1  }
0xa3: {  	[sflag:s23] =	ssyncset.done $0x0  }
0xa4: {  	s25 =	simm.s32 $0x1B8E;
	s24 =	sld [smem:$0x3FFE];
	[sflag:s23] =	ssyncadd.s32 $0xFFFFFFFF  }
0xa5: {  	s26 =	simm.s32 $execute0_lowered;
	[smem:$0x3FD2] =	sst s25  }
0xa6: {  	s4 =	sshll.u32 s26, $0x1;
	_ =	strace $0x80000049;
	[dreg:$0x1] =	wrdreg $0xFFFFFFFF  }
0xa7: {  	s28 =	simm.s32 $_size_execute0_lowered;
	s2 =	sadd.s32 s2, s4;
	[dreg:$0x0] =	wrdreg $0x0  }
0xa8: {  	s4 =	sshll.u32 s28, $0x1;
	[dreg:$0x2] =	wrdreg s2  }
0xa9: {  	[dreg:$0x3] =	wrdreg s4  }
0xaa: {  	[dreg:$0x4] =	wrdreg $0xC0  }
0xab: {  	_ =	task [dreg:s6], $0x5FFFF  }
0xac: {  	[dreg:$0x1] =	wrdreg $0xFFFFFFFF  }
0xad: {  	[dreg:$0x0] =	wrdreg $0x60  }
0xae: {  	[dreg:$0x2] =	wrdreg s24  }
0xaf: {  	[dreg:$0x3] =	wrdreg $0x9  }
0xb0: {  	_ =	task.clear_ibuf [dreg:s6], $0x4FFFF;
	_ =	strace $0x90000049  }
0xb1: {  	s29 =	simm.s32 $0x9;
	_ =	strace $0x8000004B  }
0xb2: {  	_ =	swait.ge [sflag:s29], $0x1  }
0xb3: {  	[sflag:s29] =	ssyncadd.s32 $0xFFFFFFFF  }
0xb4: {  	_ =	strace $0x9000004B  }
0xb5: {  	_ =	sfence  }
0xb6: {  	s30 =	sld [smem:$0x0];
	_ =	sdelay $0x2  }
0xb7: {  	s31 =	sshll.u32 s1, $0xD;
	s1 =	sshrl.u32 s1, $0x2  }
0xb8: {  	s3 =	sand.u32 $0x4000, s31;
	s1 =	sadd.s32 s1, s30  }
0xb9: {  	s0 =	sor.u32 s3, s0;
	s1 =	sshll.u32 s1, $0x11  }
0xba: {  	s0 =	sor.u32 s1, s0  }
0xbb: {  	s0 =	sadd.s32 $0x8F2B, s0  }
0xbc: {  	[sflag:s0] =	ssyncadd.remote.s32 $0x1  }
0xbd: {  	_ =	sfence.sel $0xFFFF  }
0xbe: {  	[dreg:$0x0] =	wrdreg $0xFFFFFFFF;
	(pc) =	sbr.abs _section_cstart, $3  }
0xbf: {  	[dreg:$0x1] =	wrdreg $0xFFFFFFFF  }
0xc0: {  	_ =	task.clear_ibuf [dreg:s6], $0x2FFFF;
	_ =	strace $0x9FFFFFFF  }
0xc1: {  	(tm) =	ssettm $0x7FFFFFFF  }
tec
execute0_lowered:
.L_overlay_start_1:
0x0: {  	(tag) =	ssettag $0x1  }
0x1: {  	s0 =	srdreg.scid  }
0x2: {  	s1 =	stileid.u32;
	s6 =	rddreg [dreg:$0x0];
	s2 =	simm.s32 $0x0  }
0x3: {  	s31 =	simm.s32 $0x800;
	s30 =	simm.s32 $0xC00;
	s29 =	simm.s32 $0x1000  }
0x4: {  	s28 =	simm.s32 $0x1400;
	p0 =	por $0x0, $0x0;
	s0 =	sand.u32 $0x1, s0  }
0x5: {  	s1 =	sshll.u32 s1, $0x1;
	[smem:$0x7FF] =	sst s2;
	s3 =	sadd.s32 $0x2C00, s6  }
0x6: {  	s4 =	sadd.s32 $0x1654400, s6;
	s1 =	sor.u32 s0, s1;
	s0 =	ssub.s32 $0x2, s0  }
0x7: {  	s5 =	sadd.s32 $0x27DA00, s6;
	s1 =	smul.u32 $0x3400, s1;
	s9 =	sshrl.u32 s0, $0x1  }
0x8: {  	_ =	strace $0x8000004A;
	s0 =	ssub.s32 s0, s9;
	s9 =	simm.s32 $0x3400  }
0x9: {  	s7 =	sshrl.u32 s1, $0x3;
	s12 =	sadd.s32 s5, s1;
	s13 =	sadd.s32 $0x400, s1  }
0xa: {  	s16 =	sadd.s32 $0x800, s1;
	s19 =	sadd.s32 $0xC00, s1;
	s22 =	sadd.s32 $0x1000, s1  }
0xb: {  	s25 =	sadd.s32 $0x1400, s1;
	[dreg:$0x3] =	wrdreg s12;
	s14 =	sadd.s32 s5, s13  }
0xc: {  	s11 =	sadd.s32 $0x1800, s1;
	s17 =	sadd.s32 s5, s16;
	[dreg:$0x5] =	wrdreg s14  }
0xd: {  	s0 =	smax.u32 s0, $0x1;
	s20 =	sadd.s32 s5, s19;
	[dreg:$0x7] =	wrdreg s17  }
0xe: {  	s8 =	sadd.s32 s7, s6;
	s23 =	sadd.s32 s5, s22;
	[dreg:$0x9] =	wrdreg s20  }
0xf: {  	s6 =	sadd.s32 $0x2E5A00, s6;
	s26 =	sadd.s32 s5, s25;
	[dreg:$0xb] =	wrdreg s23  }
0x10: {  	s12 =	sadd.s32 s5, s11;
	p1 =	sne.s32 s0, $0x1;
	[dreg:$0xd] =	wrdreg s26  }
0x11: {  	s8 =	sadd.s32 $0x16A3A00, s8;
	s7 =	sadd.s32 s6, s7;
	[dreg:$0xf] =	wrdreg s12  }
0x12: {  	s14 =	sadd.s32 $0x1C00, s1;
	s17 =	sadd.s32 $0x2000, s1;
	s20 =	sadd.s32 $0x2400, s1  }
0x13: {  	s23 =	sadd.s32 $0x2800, s1;
	[dreg:$0x2] =	wrdreg s8;
	s8 =	sshrl.u32 s13, $0x3  }
0x14: {  	[dreg:$0x4] =	wrdreg s7;
	s15 =	sadd.s32 s6, s8;
	s8 =	sshrl.u32 s16, $0x3  }
0x15: {  	s12 =	simm.s32 $0x1;
	[dreg:$0x6] =	wrdreg s15;
	s18 =	sadd.s32 s6, s8  }
0x16: {  	s8 =	sshrl.u32 s19, $0x3;
	s15 =	sadd.s32 s5, s14;
	[dreg:$0x8] =	wrdreg s18  }
0x17: {  	s21 =	sadd.s32 s6, s8;
	s8 =	sshrl.u32 s22, $0x3;
	[dreg:$0x11] =	wrdreg s15  }
0x18: {  	s18 =	sadd.s32 s5, s17;
	s22 =	sshrl.u32 s20, $0x3;
	s15 =	sadd.s32 s5, s23  }
0x19: {  	[dreg:$0xa] =	wrdreg s21;
	s24 =	sadd.s32 s6, s8;
	s8 =	sshrl.u32 s25, $0x3  }
0x1a: {  	[dreg:$0x13] =	wrdreg s18;
	s21 =	sadd.s32 s5, s20;
	s25 =	sadd.s32 $0x2C00, s1  }
0x1b: {  	s1 =	sadd.s32 $0x3000, s1;
	s18 =	simm.s32 $0x2;
	s20 =	simm.s32 $0x3000  }
0x1c: {  	[dreg:$0xc] =	wrdreg s24;
	s10 =	sadd.s32 s6, s8;
	s8 =	sshrl.u32 s11, $0x3  }
0x1d: {  	[dreg:$0x15] =	wrdreg s21;
	s24 =	sshrl.u32 s23, $0x3;
	s11 =	sadd.s32 s5, s25  }
0x1e: {  	s7 =	sshrl.u32 s25, $0x3;
	s26 =	sshrl.u32 s1, $0x3;
	s25 =	simm.s32 $0x1C00  }
0x1f: {  	s23 =	simm.s32 $0x2400;
	s21 =	simm.s32 $0x2C00;
	[dreg:$0xe] =	wrdreg s10  }
0x20: {  	s13 =	sadd.s32 s6, s8;
	s8 =	sshrl.u32 s14, $0x3;
	s14 =	sadd.s32 s6, s24  }
0x21: {  	s10 =	sadd.s32 s6, s7;
	s7 =	sadd.s32 s5, s1;
	s5 =	simm.s32 $0x3  }
0x22: {  	s1 =	sadd.s32 $0xFFFFFFFF, s0;
	s24 =	simm.s32 $0x2000;
	s0 =	rddreg [dreg:$0x2]  }
.Ltmp0:
0x23: {  	[dreg:$0x10] =	wrdreg s13;
	s16 =	sadd.s32 s6, s8;
	(pc) =	sbr.rel @!p1 .LBB2_3-.Ltmp0, $4  }
0x24: {  	s8 =	sshrl.u32 s17, $0x3;
	s17 =	simm.s32 $0x400;
	s13 =	simm.s32 $0x7800  }
0x25: {  	[dreg:$0x12] =	wrdreg s16;
	s19 =	sadd.s32 s6, s8;
	s8 =	simm.s32 $0x7400  }
0x26: {  	s16 =	simm.s32 $0x5400;
	[dreg:$0x14] =	wrdreg s19;
	s19 =	sadd.s32 s6, s22  }
0x27: {  	s6 =	sadd.s32 s6, s26;
	s26 =	simm.s32 $0x1800;
	s22 =	simm.s32 $0x2800  }
0x28: {  	[tilespmem:s2], [sflag:$0x3] =	stream.linear.gather [hbm4b:s0+s2], $0x3400, $0x38;
	[tilespmem:$0x7C00] =	vst v63  }
0x29: {  	_ =	swait.ge [sflag:s5], $0x3400  }
0x2a: {  	[sflag:s5] =	ssyncset.done $0x0  }
0x2b: {  	[sflag:s5] =	ssyncadd.s32 $0xFFFFCC00  }
0x2c: {  	[tilespmem:s9], [sflag:$0x1] =	stream.indirect.gather [hbm4b:s3+s17], $0x8, s2, s17, $0xb8;
	[tilespmem:$0x7C00] =	vst v63  }
0x2d: {  	_ = 	snop  }
0x2e: {  	[tilespmem:s8], [sflag:$0x1] =	stream.indirect.gather [hbm4b:s4+s17], $0x1, s2, s17, $0xb8;
	[tilespmem:$0x7C00] =	vst v63  }
0x2f: {  	_ = 	snop  }
0x30: {  	[tilespmem:s16], [sflag:$0x2] =	stream.indirect.gather [hbm4b:s3+s17], $0x8, s17, s17, $0xb8;
	[tilespmem:$0x7C00] =	vst v63  }
0x31: {  	_ = 	snop  }
0x32: {  	[tilespmem:s13], [sflag:$0x2] =	stream.indirect.gather [hbm4b:s4+s17], $0x1, s17, s17, $0xb8;
	[tilespmem:$0x7C00] =	vst v63  }
0x33: {  	_ =	swait.ge [sflag:s12], $0x2000  }
0x34: {  	[sflag:s12] =	ssyncset.done $0x0  }
0x35: {  	[sflag:s12] =	ssyncadd.s32 $0xFFFFE000  }
0x36: {  	_ =	swait.ge [sflag:s12], $0x400  }
0x37: {  	[sflag:s12] =	ssyncset.done $0x0  }
0x38: {  	s0 =	rddreg [dreg:$0x3];
	[sflag:s12] =	ssyncadd.s32 $0xFFFFFC00  }
0x39: {  	[hbm4b:s0+s2] =	stream.linear.scatter [tilespmem:s9], [sflag:$0x3], $0x2000, $0x38;
	[tilespmem:$0x7C00] =	vst v63  }
0x3a: {  	_ =	swait.ge [sflag:s5], $0x2000  }
0x3b: {  	[sflag:s5] =	ssyncset.done $0x0  }
0x3c: {  	s0 =	rddreg [dreg:$0x4];
	[sflag:s5] =	ssyncadd.s32 $0xFFFFE000  }
0x3d: {  	[hbm4b:s0+s2] =	stream.linear.scatter [tilespmem:s8], [sflag:$0x3], $0x400, $0x38;
	[tilespmem:$0x7C00] =	vst v63  }
0x3e: {  	_ =	swait.ge [sflag:s5], $0x400  }
0x3f: {  	[sflag:s5] =	ssyncset.done $0x0  }
0x40: {  	[sflag:s5] =	ssyncadd.s32 $0xFFFFFC00  }
0x41: {  	[tilespmem:s9], [sflag:$0x1] =	stream.indirect.gather [hbm4b:s3+s17], $0x8, s31, s17, $0xb8;
	[tilespmem:$0x7C00] =	vst v63  }
0x42: {  	_ = 	snop  }
0x43: {  	[tilespmem:s8], [sflag:$0x1] =	stream.indirect.gather [hbm4b:s4+s17], $0x1, s31, s17, $0xb8;
	[tilespmem:$0x7C00] =	vst v63  }
0x44: {  	_ =	swait.ge [sflag:s18], $0x2000  }
0x45: {  	[sflag:s18] =	ssyncset.done $0x0  }
0x46: {  	[sflag:s18] =	ssyncadd.s32 $0xFFFFE000  }
0x47: {  	_ =	swait.ge [sflag:s18], $0x400  }
0x48: {  	[sflag:s18] =	ssyncset.done $0x0  }
0x49: {  	s0 =	rddreg [dreg:$0x5];
	[sflag:s18] =	ssyncadd.s32 $0xFFFFFC00  }
0x4a: {  	[hbm4b:s0+s2] =	stream.linear.scatter [tilespmem:s16], [sflag:$0x3], $0x2000, $0x38;
	[tilespmem:$0x7C00] =	vst v63  }
0x4b: {  	_ =	swait.ge [sflag:s5], $0x2000  }
0x4c: {  	[sflag:s5] =	ssyncset.done $0x0  }
0x4d: {  	s0 =	rddreg [dreg:$0x6];
	[sflag:s5] =	ssyncadd.s32 $0xFFFFE000  }
0x4e: {  	[hbm4b:s0+s2] =	stream.linear.scatter [tilespmem:s13], [sflag:$0x3], $0x400, $0x38;
	[tilespmem:$0x7C00] =	vst v63  }
0x4f: {  	_ =	swait.ge [sflag:s5], $0x400  }
0x50: {  	[sflag:s5] =	ssyncset.done $0x0  }
0x51: {  	[sflag:s5] =	ssyncadd.s32 $0xFFFFFC00  }
0x52: {  	[tilespmem:s16], [sflag:$0x2] =	stream.indirect.gather [hbm4b:s3+s17], $0x8, s30, s17, $0xb8;
	[tilespmem:$0x7C00] =	vst v63  }
0x53: {  	_ = 	snop  }
0x54: {  	[tilespmem:s13], [sflag:$0x2] =	stream.indirect.gather [hbm4b:s4+s17], $0x1, s30, s17, $0xb8;
	[tilespmem:$0x7C00] =	vst v63  }
0x55: {  	_ =	swait.ge [sflag:s12], $0x2000  }
0x56: {  	[sflag:s12] =	ssyncset.done $0x0  }
0x57: {  	[sflag:s12] =	ssyncadd.s32 $0xFFFFE000  }
0x58: {  	_ =	swait.ge [sflag:s12], $0x400  }
0x59: {  	[sflag:s12] =	ssyncset.done $0x0  }
0x5a: {  	s0 =	rddreg [dreg:$0x7];
	[sflag:s12] =	ssyncadd.s32 $0xFFFFFC00  }
0x5b: {  	[hbm4b:s0+s2] =	stream.linear.scatter [tilespmem:s9], [sflag:$0x3], $0x2000, $0x38;
	[tilespmem:$0x7C00] =	vst v63  }
0x5c: {  	_ =	swait.ge [sflag:s5], $0x2000  }
0x5d: {  	[sflag:s5] =	ssyncset.done $0x0  }
0x5e: {  	s0 =	rddreg [dreg:$0x8];
	[sflag:s5] =	ssyncadd.s32 $0xFFFFE000  }
0x5f: {  	[hbm4b:s0+s2] =	stream.linear.scatter [tilespmem:s8], [sflag:$0x3], $0x400, $0x38;
	[tilespmem:$0x7C00] =	vst v63  }
0x60: {  	_ =	swait.ge [sflag:s5], $0x400  }
0x61: {  	[sflag:s5] =	ssyncset.done $0x0  }
0x62: {  	[sflag:s5] =	ssyncadd.s32 $0xFFFFFC00  }
0x63: {  	[tilespmem:s9], [sflag:$0x1] =	stream.indirect.gather [hbm4b:s3+s17], $0x8, s29, s17, $0xb8;
	[tilespmem:$0x7C00] =	vst v63  }
0x64: {  	_ = 	snop  }
0x65: {  	[tilespmem:s8], [sflag:$0x1] =	stream.indirect.gather [hbm4b:s4+s17], $0x1, s29, s17, $0xb8;
	[tilespmem:$0x7C00] =	vst v63  }
0x66: {  	_ =	swait.ge [sflag:s18], $0x2000  }
0x67: {  	[sflag:s18] =	ssyncset.done $0x0  }
0x68: {  	[sflag:s18] =	ssyncadd.s32 $0xFFFFE000  }
0x69: {  	_ =	swait.ge [sflag:s18], $0x400  }
0x6a: {  	[sflag:s18] =	ssyncset.done $0x0  }
0x6b: {  	s0 =	rddreg [dreg:$0x9];
	[sflag:s18] =	ssyncadd.s32 $0xFFFFFC00  }
0x6c: {  	[hbm4b:s0+s2] =	stream.linear.scatter [tilespmem:s16], [sflag:$0x3], $0x2000, $0x38;
	[tilespmem:$0x7C00] =	vst v63  }
0x6d: {  	_ =	swait.ge [sflag:s5], $0x2000  }
0x6e: {  	[sflag:s5] =	ssyncset.done $0x0  }
0x6f: {  	s0 =	rddreg [dreg:$0xa];
	[sflag:s5] =	ssyncadd.s32 $0xFFFFE000  }
0x70: {  	[hbm4b:s0+s2] =	stream.linear.scatter [tilespmem:s13], [sflag:$0x3], $0x400, $0x38;
	[tilespmem:$0x7C00] =	vst v63  }
0x71: {  	_ =	swait.ge [sflag:s5], $0x400  }
0x72: {  	[sflag:s5] =	ssyncset.done $0x0  }
0x73: {  	[sflag:s5] =	ssyncadd.s32 $0xFFFFFC00  }
0x74: {  	[tilespmem:s16], [sflag:$0x2] =	stream.indirect.gather [hbm4b:s3+s17], $0x8, s28, s17, $0xb8;
	[tilespmem:$0x7C00] =	vst v63  }
0x75: {  	_ = 	snop  }
0x76: {  	[tilespmem:s13], [sflag:$0x2] =	stream.indirect.gather [hbm4b:s4+s17], $0x1, s28, s17, $0xb8;
	[tilespmem:$0x7C00] =	vst v63  }
0x77: {  	_ =	swait.ge [sflag:s12], $0x2000  }
0x78: {  	[sflag:s12] =	ssyncset.done $0x0  }
0x79: {  	[sflag:s12] =	ssyncadd.s32 $0xFFFFE000  }
0x7a: {  	_ =	swait.ge [sflag:s12], $0x400  }
0x7b: {  	[sflag:s12] =	ssyncset.done $0x0  }
0x7c: {  	s0 =	rddreg [dreg:$0xb];
	[sflag:s12] =	ssyncadd.s32 $0xFFFFFC00  }
0x7d: {  	[hbm4b:s0+s2] =	stream.linear.scatter [tilespmem:s9], [sflag:$0x3], $0x2000, $0x38;
	[tilespmem:$0x7C00] =	vst v63  }
0x7e: {  	_ =	swait.ge [sflag:s5], $0x2000  }
0x7f: {  	[sflag:s5] =	ssyncset.done $0x0  }
0x80: {  	s0 =	rddreg [dreg:$0xc];
	[sflag:s5] =	ssyncadd.s32 $0xFFFFE000  }
0x81: {  	[hbm4b:s0+s2] =	stream.linear.scatter [tilespmem:s8], [sflag:$0x3], $0x400, $0x38;
	[tilespmem:$0x7C00] =	vst v63  }
0x82: {  	_ =	swait.ge [sflag:s5], $0x400  }
0x83: {  	[sflag:s5] =	ssyncset.done $0x0  }
0x84: {  	[sflag:s5] =	ssyncadd.s32 $0xFFFFFC00  }
0x85: {  	[tilespmem:s9], [sflag:$0x1] =	stream.indirect.gather [hbm4b:s3+s17], $0x8, s26, s17, $0xb8;
	[tilespmem:$0x7C00] =	vst v63  }
0x86: {  	_ = 	snop  }
0x87: {  	[tilespmem:s8], [sflag:$0x1] =	stream.indirect.gather [hbm4b:s4+s17], $0x1, s26, s17, $0xb8;
	[tilespmem:$0x7C00] =	vst v63  }
0x88: {  	_ =	swait.ge [sflag:s18], $0x2000  }
0x89: {  	[sflag:s18] =	ssyncset.done $0x0  }
0x8a: {  	[sflag:s18] =	ssyncadd.s32 $0xFFFFE000  }
0x8b: {  	_ =	swait.ge [sflag:s18], $0x400  }
0x8c: {  	[sflag:s18] =	ssyncset.done $0x0  }
0x8d: {  	s0 =	rddreg [dreg:$0xd];
	[sflag:s18] =	ssyncadd.s32 $0xFFFFFC00  }
0x8e: {  	[hbm4b:s0+s2] =	stream.linear.scatter [tilespmem:s16], [sflag:$0x3], $0x2000, $0x38;
	[tilespmem:$0x7C00] =	vst v63  }
0x8f: {  	_ =	swait.ge [sflag:s5], $0x2000  }
0x90: {  	[sflag:s5] =	ssyncset.done $0x0  }
0x91: {  	s0 =	rddreg [dreg:$0xe];
	[sflag:s5] =	ssyncadd.s32 $0xFFFFE000  }
0x92: {  	[hbm4b:s0+s2] =	stream.linear.scatter [tilespmem:s13], [sflag:$0x3], $0x400, $0x38;
	[tilespmem:$0x7C00] =	vst v63  }
0x93: {  	_ =	swait.ge [sflag:s5], $0x400  }
0x94: {  	[sflag:s5] =	ssyncset.done $0x0  }
0x95: {  	[sflag:s5] =	ssyncadd.s32 $0xFFFFFC00  }
0x96: {  	[tilespmem:s16], [sflag:$0x2] =	stream.indirect.gather [hbm4b:s3+s17], $0x8, s25, s17, $0xb8;
	[tilespmem:$0x7C00] =	vst v63  }
0x97: {  	_ = 	snop  }
0x98: {  	[tilespmem:s13], [sflag:$0x2] =	stream.indirect.gather [hbm4b:s4+s17], $0x1, s25, s17, $0xb8;
	[tilespmem:$0x7C00] =	vst v63  }
0x99: {  	_ =	swait.ge [sflag:s12], $0x2000  }
0x9a: {  	[sflag:s12] =	ssyncset.done $0x0  }
0x9b: {  	[sflag:s12] =	ssyncadd.s32 $0xFFFFE000  }
0x9c: {  	_ =	swait.ge [sflag:s12], $0x400  }
0x9d: {  	[sflag:s12] =	ssyncset.done $0x0  }
0x9e: {  	s0 =	rddreg [dreg:$0xf];
	[sflag:s12] =	ssyncadd.s32 $0xFFFFFC00  }
0x9f: {  	[hbm4b:s0+s2] =	stream.linear.scatter [tilespmem:s9], [sflag:$0x3], $0x2000, $0x38;
	[tilespmem:$0x7C00] =	vst v63  }
0xa0: {  	_ =	swait.ge [sflag:s5], $0x2000  }
0xa1: {  	[sflag:s5] =	ssyncset.done $0x0  }
0xa2: {  	s0 =	rddreg [dreg:$0x10];
	[sflag:s5] =	ssyncadd.s32 $0xFFFFE000  }
0xa3: {  	[hbm4b:s0+s2] =	stream.linear.scatter [tilespmem:s8], [sflag:$0x3], $0x400, $0x38;
	[tilespmem:$0x7C00] =	vst v63  }
0xa4: {  	_ =	swait.ge [sflag:s5], $0x400  }
0xa5: {  	[sflag:s5] =	ssyncset.done $0x0  }
0xa6: {  	[sflag:s5] =	ssyncadd.s32 $0xFFFFFC00  }
0xa7: {  	[tilespmem:s9], [sflag:$0x1] =	stream.indirect.gather [hbm4b:s3+s17], $0x8, s24, s17, $0xb8;
	[tilespmem:$0x7C00] =	vst v63  }
0xa8: {  	_ = 	snop  }
0xa9: {  	[tilespmem:s8], [sflag:$0x1] =	stream.indirect.gather [hbm4b:s4+s17], $0x1, s24, s17, $0xb8;
	[tilespmem:$0x7C00] =	vst v63  }
0xaa: {  	_ =	swait.ge [sflag:s18], $0x2000  }
0xab: {  	[sflag:s18] =	ssyncset.done $0x0  }
0xac: {  	[sflag:s18] =	ssyncadd.s32 $0xFFFFE000  }
0xad: {  	_ =	swait.ge [sflag:s18], $0x400  }
0xae: {  	[sflag:s18] =	ssyncset.done $0x0  }
0xaf: {  	s0 =	rddreg [dreg:$0x11];
	[sflag:s18] =	ssyncadd.s32 $0xFFFFFC00  }
0xb0: {  	[hbm4b:s0+s2] =	stream.linear.scatter [tilespmem:s16], [sflag:$0x3], $0x2000, $0x38;
	[tilespmem:$0x7C00] =	vst v63  }
0xb1: {  	_ =	swait.ge [sflag:s5], $0x2000  }
0xb2: {  	[sflag:s5] =	ssyncset.done $0x0  }
0xb3: {  	s0 =	rddreg [dreg:$0x12];
	[sflag:s5] =	ssyncadd.s32 $0xFFFFE000  }
0xb4: {  	[hbm4b:s0+s2] =	stream.linear.scatter [tilespmem:s13], [sflag:$0x3], $0x400, $0x38;
	[tilespmem:$0x7C00] =	vst v63  }
0xb5: {  	_ =	swait.ge [sflag:s5], $0x400  }
0xb6: {  	[sflag:s5] =	ssyncset.done $0x0  }
0xb7: {  	[sflag:s5] =	ssyncadd.s32 $0xFFFFFC00  }
0xb8: {  	[tilespmem:s16], [sflag:$0x2] =	stream.indirect.gather [hbm4b:s3+s17], $0x8, s23, s17, $0xb8;
	[tilespmem:$0x7C00] =	vst v63  }
0xb9: {  	_ = 	snop  }
0xba: {  	[tilespmem:s13], [sflag:$0x2] =	stream.indirect.gather [hbm4b:s4+s17], $0x1, s23, s17, $0xb8;
	[tilespmem:$0x7C00] =	vst v63  }
0xbb: {  	_ =	swait.ge [sflag:s12], $0x2000  }
0xbc: {  	[sflag:s12] =	ssyncset.done $0x0  }
0xbd: {  	[sflag:s12] =	ssyncadd.s32 $0xFFFFE000  }
0xbe: {  	_ =	swait.ge [sflag:s12], $0x400  }
0xbf: {  	[sflag:s12] =	ssyncset.done $0x0  }
0xc0: {  	s0 =	rddreg [dreg:$0x13];
	[sflag:s12] =	ssyncadd.s32 $0xFFFFFC00  }
0xc1: {  	[hbm4b:s0+s2] =	stream.linear.scatter [tilespmem:s9], [sflag:$0x3], $0x2000, $0x38;
	[tilespmem:$0x7C00] =	vst v63  }
0xc2: {  	_ =	swait.ge [sflag:s5], $0x2000  }
0xc3: {  	[sflag:s5] =	ssyncset.done $0x0  }
0xc4: {  	s0 =	rddreg [dreg:$0x14];
	[sflag:s5] =	ssyncadd.s32 $0xFFFFE000  }
0xc5: {  	[hbm4b:s0+s2] =	stream.linear.scatter [tilespmem:s8], [sflag:$0x3], $0x400, $0x38;
	[tilespmem:$0x7C00] =	vst v63  }
0xc6: {  	_ =	swait.ge [sflag:s5], $0x400  }
0xc7: {  	[sflag:s5] =	ssyncset.done $0x0  }
0xc8: {  	[sflag:s5] =	ssyncadd.s32 $0xFFFFFC00  }
0xc9: {  	[tilespmem:s9], [sflag:$0x1] =	stream.indirect.gather [hbm4b:s3+s17], $0x8, s22, s17, $0xb8;
	[tilespmem:$0x7C00] =	vst v63  }
0xca: {  	_ = 	snop  }
0xcb: {  	[tilespmem:s8], [sflag:$0x1] =	stream.indirect.gather [hbm4b:s4+s17], $0x1, s22, s17, $0xb8;
	[tilespmem:$0x7C00] =	vst v63  }
0xcc: {  	_ =	swait.ge [sflag:s18], $0x2000  }
0xcd: {  	[sflag:s18] =	ssyncset.done $0x0  }
0xce: {  	[sflag:s18] =	ssyncadd.s32 $0xFFFFE000  }
0xcf: {  	_ =	swait.ge [sflag:s18], $0x400  }
0xd0: {  	[sflag:s18] =	ssyncset.done $0x0  }
0xd1: {  	s0 =	rddreg [dreg:$0x15];
	[sflag:s18] =	ssyncadd.s32 $0xFFFFFC00  }
0xd2: {  	[hbm4b:s0+s2] =	stream.linear.scatter [tilespmem:s16], [sflag:$0x3], $0x2000, $0x38;
	[tilespmem:$0x7C00] =	vst v63  }
0xd3: {  	_ =	swait.ge [sflag:s5], $0x2000  }
0xd4: {  	[sflag:s5] =	ssyncset.done $0x0  }
0xd5: {  	[sflag:s5] =	ssyncadd.s32 $0xFFFFE000  }
0xd6: {  	[hbm4b:s19+s2] =	stream.linear.scatter [tilespmem:s13], [sflag:$0x3], $0x400, $0x38;
	[tilespmem:$0x7C00] =	vst v63  }
0xd7: {  	_ =	swait.ge [sflag:s5], $0x400  }
0xd8: {  	[sflag:s5] =	ssyncset.done $0x0  }
0xd9: {  	[sflag:s5] =	ssyncadd.s32 $0xFFFFFC00  }
0xda: {  	[tilespmem:s16], [sflag:$0x2] =	stream.indirect.gather [hbm4b:s3+s17], $0x8, s21, s17, $0xb8;
	[tilespmem:$0x7C00] =	vst v63  }
0xdb: {  	_ = 	snop  }
0xdc: {  	[tilespmem:s13], [sflag:$0x2] =	stream.indirect.gather [hbm4b:s4+s17], $0x1, s21, s17, $0xb8;
	[tilespmem:$0x7C00] =	vst v63  }
0xdd: {  	_ =	swait.ge [sflag:s12], $0x2000  }
0xde: {  	[sflag:s12] =	ssyncset.done $0x0  }
0xdf: {  	[sflag:s12] =	ssyncadd.s32 $0xFFFFE000  }
0xe0: {  	_ =	swait.ge [sflag:s12], $0x400  }
0xe1: {  	[sflag:s12] =	ssyncset.done $0x0  }
0xe2: {  	[sflag:s12] =	ssyncadd.s32 $0xFFFFFC00  }
0xe3: {  	[hbm4b:s15+s2] =	stream.linear.scatter [tilespmem:s9], [sflag:$0x3], $0x2000, $0x38;
	[tilespmem:$0x7C00] =	vst v63  }
0xe4: {  	_ =	swait.ge [sflag:s5], $0x2000  }
0xe5: {  	[sflag:s5] =	ssyncset.done $0x0  }
0xe6: {  	[sflag:s5] =	ssyncadd.s32 $0xFFFFE000  }
0xe7: {  	[hbm4b:s14+s2] =	stream.linear.scatter [tilespmem:s8], [sflag:$0x3], $0x400, $0x38;
	[tilespmem:$0x7C00] =	vst v63  }
0xe8: {  	_ =	swait.ge [sflag:s5], $0x400  }
0xe9: {  	[sflag:s5] =	ssyncset.done $0x0  }
0xea: {  	[sflag:s5] =	ssyncadd.s32 $0xFFFFFC00  }
0xeb: {  	[tilespmem:s9], [sflag:$0x1] =	stream.indirect.gather [hbm4b:s3+s17], $0x8, s20, s17, $0xb8;
	[tilespmem:$0x7C00] =	vst v63  }
0xec: {  	_ = 	snop  }
0xed: {  	[tilespmem:s8], [sflag:$0x1] =	stream.indirect.gather [hbm4b:s4+s17], $0x1, s20, s17, $0xb8;
	[tilespmem:$0x7C00] =	vst v63  }
0xee: {  	_ =	swait.ge [sflag:s18], $0x2000  }
0xef: {  	[sflag:s18] =	ssyncset.done $0x0  }
0xf0: {  	[sflag:s18] =	ssyncadd.s32 $0xFFFFE000  }
0xf1: {  	_ =	swait.ge [sflag:s18], $0x400  }
0xf2: {  	[sflag:s18] =	ssyncset.done $0x0  }
0xf3: {  	[sflag:s18] =	ssyncadd.s32 $0xFFFFFC00  }
0xf4: {  	[hbm4b:s11+s2] =	stream.linear.scatter [tilespmem:s16], [sflag:$0x3], $0x2000, $0x38;
	[tilespmem:$0x7C00] =	vst v63  }
0xf5: {  	_ =	swait.ge [sflag:s5], $0x2000  }
0xf6: {  	[sflag:s5] =	ssyncset.done $0x0  }
0xf7: {  	[sflag:s5] =	ssyncadd.s32 $0xFFFFE000  }
0xf8: {  	[hbm4b:s10+s2] =	stream.linear.scatter [tilespmem:s13], [sflag:$0x3], $0x400, $0x38;
	[tilespmem:$0x7C00] =	vst v63  }
0xf9: {  	_ =	swait.ge [sflag:s5], $0x400  }
0xfa: {  	[sflag:s5] =	ssyncset.done $0x0  }
0xfb: {  	[sflag:s5] =	ssyncadd.s32 $0xFFFFFC00  }
0xfc: {  	_ =	swait.ge [sflag:s12], $0x2000  }
0xfd: {  	[sflag:s12] =	ssyncset.done $0x0  }
0xfe: {  	[sflag:s12] =	ssyncadd.s32 $0xFFFFE000  }
0xff: {  	_ =	swait.ge [sflag:s12], $0x400  }
0x100: {  	[sflag:s12] =	ssyncset.done $0x0  }
0x101: {  	[sflag:s12] =	ssyncadd.s32 $0xFFFFFC00  }
0x102: {  	[hbm4b:s7+s2] =	stream.linear.scatter [tilespmem:s9], [sflag:$0x3], $0x2000, $0x38;
	[tilespmem:$0x7C00] =	vst v63  }
0x103: {  	p1 =	sne.s32 s1, $0x1;
	_ =	swait.ge [sflag:s5], $0x2000  }
.Ltmp1:
0x104: {  	[sflag:s5] =	ssyncset.done $0x0;
	(pc) =	sbr.rel @!p1 .LBB2_3-.Ltmp1, $4  }
0x105: {  	[sflag:s5] =	ssyncadd.s32 $0xFFFFE000  }
0x106: {  	[hbm4b:s6+s2] =	stream.linear.scatter [tilespmem:s8], [sflag:$0x3], $0x400, $0x38;
	[tilespmem:$0x7C00] =	vst v63  }
0x107: {  	s1 =	sadd.s32 $0xFFFFFFFF, s1;
	_ =	swait.ge [sflag:s5], $0x400  }
0x108: {  	p0 =	por $0x1, $0x1;
	s0 =	rddreg [dreg:$0x2];
	[sflag:s5] =	ssyncset.done $0x0  }
.LBB2_2:
0x109: {  	[sflag:s5] =	ssyncadd.s32 $0xFFFFFC00  }
0x10a: {  	[tilespmem:s2], [sflag:$0x3] =	stream.linear.gather [hbm4b:s0+s2], $0x3400, $0x38;
	[tilespmem:$0x7C00] =	vst v63  }
0x10b: {  	_ =	swait.ge [sflag:s5], $0x3400  }
0x10c: {  	[sflag:s5] =	ssyncset.done $0x0  }
0x10d: {  	[sflag:s5] =	ssyncadd.s32 $0xFFFFCC00  }
0x10e: {  	[tilespmem:s9], [sflag:$0x1] =	stream.indirect.gather [hbm4b:s3+s17], $0x8, s2, s17, $0xb8;
	[tilespmem:$0x7C00] =	vst v63  }
0x10f: {  	_ = 	snop  }
0x110: {  	[tilespmem:s8], [sflag:$0x1] =	stream.indirect.gather [hbm4b:s4+s17], $0x1, s2, s17, $0xb8;
	[tilespmem:$0x7C00] =	vst v63  }
0x111: {  	_ = 	snop  }
0x112: {  	[tilespmem:s16], [sflag:$0x2] =	stream.indirect.gather [hbm4b:s3+s17], $0x8, s17, s17, $0xb8;
	[tilespmem:$0x7C00] =	vst v63  }
0x113: {  	_ = 	snop  }
0x114: {  	[tilespmem:s13], [sflag:$0x2] =	stream.indirect.gather [hbm4b:s4+s17], $0x1, s17, s17, $0xb8;
	[tilespmem:$0x7C00] =	vst v63  }
0x115: {  	_ =	swait.ge [sflag:s12], $0x2000  }
0x116: {  	[sflag:s12] =	ssyncset.done $0x0  }
0x117: {  	[sflag:s12] =	ssyncadd.s32 $0xFFFFE000  }
0x118: {  	_ =	swait.ge [sflag:s12], $0x400  }
0x119: {  	[sflag:s12] =	ssyncset.done $0x0  }
0x11a: {  	s0 =	rddreg [dreg:$0x3];
	[sflag:s12] =	ssyncadd.s32 $0xFFFFFC00  }
0x11b: {  	[hbm4b:s0+s2] =	stream.linear.scatter [tilespmem:s9], [sflag:$0x3], $0x2000, $0x38;
	[tilespmem:$0x7C00] =	vst v63  }
0x11c: {  	_ =	swait.ge [sflag:s5], $0x2000  }
0x11d: {  	[sflag:s5] =	ssyncset.done $0x0  }
0x11e: {  	s0 =	rddreg [dreg:$0x4];
	[sflag:s5] =	ssyncadd.s32 $0xFFFFE000  }
0x11f: {  	[hbm4b:s0+s2] =	stream.linear.scatter [tilespmem:s8], [sflag:$0x3], $0x400, $0x38;
	[tilespmem:$0x7C00] =	vst v63  }
0x120: {  	_ =	swait.ge [sflag:s5], $0x400  }
0x121: {  	[sflag:s5] =	ssyncset.done $0x0  }
0x122: {  	[sflag:s5] =	ssyncadd.s32 $0xFFFFFC00  }
0x123: {  	[tilespmem:s9], [sflag:$0x1] =	stream.indirect.gather [hbm4b:s3+s17], $0x8, s31, s17, $0xb8;
	[tilespmem:$0x7C00] =	vst v63  }
0x124: {  	_ = 	snop  }
0x125: {  	[tilespmem:s8], [sflag:$0x1] =	stream.indirect.gather [hbm4b:s4+s17], $0x1, s31, s17, $0xb8;
	[tilespmem:$0x7C00] =	vst v63  }
0x126: {  	_ =	swait.ge [sflag:s18], $0x2000  }
0x127: {  	[sflag:s18] =	ssyncset.done $0x0  }
0x128: {  	[sflag:s18] =	ssyncadd.s32 $0xFFFFE000  }
0x129: {  	_ =	swait.ge [sflag:s18], $0x400  }
0x12a: {  	[sflag:s18] =	ssyncset.done $0x0  }
0x12b: {  	s0 =	rddreg [dreg:$0x5];
	[sflag:s18] =	ssyncadd.s32 $0xFFFFFC00  }
0x12c: {  	[hbm4b:s0+s2] =	stream.linear.scatter [tilespmem:s16], [sflag:$0x3], $0x2000, $0x38;
	[tilespmem:$0x7C00] =	vst v63  }
0x12d: {  	_ =	swait.ge [sflag:s5], $0x2000  }
0x12e: {  	[sflag:s5] =	ssyncset.done $0x0  }
0x12f: {  	s0 =	rddreg [dreg:$0x6];
	[sflag:s5] =	ssyncadd.s32 $0xFFFFE000  }
0x130: {  	[hbm4b:s0+s2] =	stream.linear.scatter [tilespmem:s13], [sflag:$0x3], $0x400, $0x38;
	[tilespmem:$0x7C00] =	vst v63  }
0x131: {  	_ =	swait.ge [sflag:s5], $0x400  }
0x132: {  	[sflag:s5] =	ssyncset.done $0x0  }
0x133: {  	[sflag:s5] =	ssyncadd.s32 $0xFFFFFC00  }
0x134: {  	[tilespmem:s16], [sflag:$0x2] =	stream.indirect.gather [hbm4b:s3+s17], $0x8, s30, s17, $0xb8;
	[tilespmem:$0x7C00] =	vst v63  }
0x135: {  	_ = 	snop  }
0x136: {  	[tilespmem:s13], [sflag:$0x2] =	stream.indirect.gather [hbm4b:s4+s17], $0x1, s30, s17, $0xb8;
	[tilespmem:$0x7C00] =	vst v63  }
0x137: {  	_ =	swait.ge [sflag:s12], $0x2000  }
0x138: {  	[sflag:s12] =	ssyncset.done $0x0  }
0x139: {  	[sflag:s12] =	ssyncadd.s32 $0xFFFFE000  }
0x13a: {  	_ =	swait.ge [sflag:s12], $0x400  }
0x13b: {  	[sflag:s12] =	ssyncset.done $0x0  }
0x13c: {  	s0 =	rddreg [dreg:$0x7];
	[sflag:s12] =	ssyncadd.s32 $0xFFFFFC00  }
0x13d: {  	[hbm4b:s0+s2] =	stream.linear.scatter [tilespmem:s9], [sflag:$0x3], $0x2000, $0x38;
	[tilespmem:$0x7C00] =	vst v63  }
0x13e: {  	_ =	swait.ge [sflag:s5], $0x2000  }
0x13f: {  	[sflag:s5] =	ssyncset.done $0x0  }
0x140: {  	s0 =	rddreg [dreg:$0x8];
	[sflag:s5] =	ssyncadd.s32 $0xFFFFE000  }
0x141: {  	[hbm4b:s0+s2] =	stream.linear.scatter [tilespmem:s8], [sflag:$0x3], $0x400, $0x38;
	[tilespmem:$0x7C00] =	vst v63  }
0x142: {  	_ =	swait.ge [sflag:s5], $0x400  }
0x143: {  	[sflag:s5] =	ssyncset.done $0x0  }
0x144: {  	[sflag:s5] =	ssyncadd.s32 $0xFFFFFC00  }
0x145: {  	[tilespmem:s9], [sflag:$0x1] =	stream.indirect.gather [hbm4b:s3+s17], $0x8, s29, s17, $0xb8;
	[tilespmem:$0x7C00] =	vst v63  }
0x146: {  	_ = 	snop  }
0x147: {  	[tilespmem:s8], [sflag:$0x1] =	stream.indirect.gather [hbm4b:s4+s17], $0x1, s29, s17, $0xb8;
	[tilespmem:$0x7C00] =	vst v63  }
0x148: {  	_ =	swait.ge [sflag:s18], $0x2000  }
0x149: {  	[sflag:s18] =	ssyncset.done $0x0  }
0x14a: {  	[sflag:s18] =	ssyncadd.s32 $0xFFFFE000  }
0x14b: {  	_ =	swait.ge [sflag:s18], $0x400  }
0x14c: {  	[sflag:s18] =	ssyncset.done $0x0  }
0x14d: {  	s0 =	rddreg [dreg:$0x9];
	[sflag:s18] =	ssyncadd.s32 $0xFFFFFC00  }
0x14e: {  	[hbm4b:s0+s2] =	stream.linear.scatter [tilespmem:s16], [sflag:$0x3], $0x2000, $0x38;
	[tilespmem:$0x7C00] =	vst v63  }
0x14f: {  	_ =	swait.ge [sflag:s5], $0x2000  }
0x150: {  	[sflag:s5] =	ssyncset.done $0x0  }
0x151: {  	s0 =	rddreg [dreg:$0xa];
	[sflag:s5] =	ssyncadd.s32 $0xFFFFE000  }
0x152: {  	[hbm4b:s0+s2] =	stream.linear.scatter [tilespmem:s13], [sflag:$0x3], $0x400, $0x38;
	[tilespmem:$0x7C00] =	vst v63  }
0x153: {  	_ =	swait.ge [sflag:s5], $0x400  }
0x154: {  	[sflag:s5] =	ssyncset.done $0x0  }
0x155: {  	[sflag:s5] =	ssyncadd.s32 $0xFFFFFC00  }
0x156: {  	[tilespmem:s16], [sflag:$0x2] =	stream.indirect.gather [hbm4b:s3+s17], $0x8, s28, s17, $0xb8;
	[tilespmem:$0x7C00] =	vst v63  }
0x157: {  	_ = 	snop  }
0x158: {  	[tilespmem:s13], [sflag:$0x2] =	stream.indirect.gather [hbm4b:s4+s17], $0x1, s28, s17, $0xb8;
	[tilespmem:$0x7C00] =	vst v63  }
0x159: {  	_ =	swait.ge [sflag:s12], $0x2000  }
0x15a: {  	[sflag:s12] =	ssyncset.done $0x0  }
0x15b: {  	[sflag:s12] =	ssyncadd.s32 $0xFFFFE000  }
0x15c: {  	_ =	swait.ge [sflag:s12], $0x400  }
0x15d: {  	[sflag:s12] =	ssyncset.done $0x0  }
0x15e: {  	s0 =	rddreg [dreg:$0xb];
	[sflag:s12] =	ssyncadd.s32 $0xFFFFFC00  }
0x15f: {  	[hbm4b:s0+s2] =	stream.linear.scatter [tilespmem:s9], [sflag:$0x3], $0x2000, $0x38;
	[tilespmem:$0x7C00] =	vst v63  }
0x160: {  	_ =	swait.ge [sflag:s5], $0x2000  }
0x161: {  	[sflag:s5] =	ssyncset.done $0x0  }
0x162: {  	s0 =	rddreg [dreg:$0xc];
	[sflag:s5] =	ssyncadd.s32 $0xFFFFE000  }
0x163: {  	[hbm4b:s0+s2] =	stream.linear.scatter [tilespmem:s8], [sflag:$0x3], $0x400, $0x38;
	[tilespmem:$0x7C00] =	vst v63  }
0x164: {  	_ =	swait.ge [sflag:s5], $0x400  }
0x165: {  	[sflag:s5] =	ssyncset.done $0x0  }
0x166: {  	[sflag:s5] =	ssyncadd.s32 $0xFFFFFC00  }
0x167: {  	[tilespmem:s9], [sflag:$0x1] =	stream.indirect.gather [hbm4b:s3+s17], $0x8, s26, s17, $0xb8;
	[tilespmem:$0x7C00] =	vst v63  }
0x168: {  	_ = 	snop  }
0x169: {  	[tilespmem:s8], [sflag:$0x1] =	stream.indirect.gather [hbm4b:s4+s17], $0x1, s26, s17, $0xb8;
	[tilespmem:$0x7C00] =	vst v63  }
0x16a: {  	_ =	swait.ge [sflag:s18], $0x2000  }
0x16b: {  	[sflag:s18] =	ssyncset.done $0x0  }
0x16c: {  	[sflag:s18] =	ssyncadd.s32 $0xFFFFE000  }
0x16d: {  	_ =	swait.ge [sflag:s18], $0x400  }
0x16e: {  	[sflag:s18] =	ssyncset.done $0x0  }
0x16f: {  	s0 =	rddreg [dreg:$0xd];
	[sflag:s18] =	ssyncadd.s32 $0xFFFFFC00  }
0x170: {  	[hbm4b:s0+s2] =	stream.linear.scatter [tilespmem:s16], [sflag:$0x3], $0x2000, $0x38;
	[tilespmem:$0x7C00] =	vst v63  }
0x171: {  	_ =	swait.ge [sflag:s5], $0x2000  }
0x172: {  	[sflag:s5] =	ssyncset.done $0x0  }
0x173: {  	s0 =	rddreg [dreg:$0xe];
	[sflag:s5] =	ssyncadd.s32 $0xFFFFE000  }
0x174: {  	[hbm4b:s0+s2] =	stream.linear.scatter [tilespmem:s13], [sflag:$0x3], $0x400, $0x38;
	[tilespmem:$0x7C00] =	vst v63  }
0x175: {  	_ =	swait.ge [sflag:s5], $0x400  }
0x176: {  	[sflag:s5] =	ssyncset.done $0x0  }
0x177: {  	[sflag:s5] =	ssyncadd.s32 $0xFFFFFC00  }
0x178: {  	[tilespmem:s16], [sflag:$0x2] =	stream.indirect.gather [hbm4b:s3+s17], $0x8, s25, s17, $0xb8;
	[tilespmem:$0x7C00] =	vst v63  }
0x179: {  	_ = 	snop  }
0x17a: {  	[tilespmem:s13], [sflag:$0x2] =	stream.indirect.gather [hbm4b:s4+s17], $0x1, s25, s17, $0xb8;
	[tilespmem:$0x7C00] =	vst v63  }
0x17b: {  	_ =	swait.ge [sflag:s12], $0x2000  }
0x17c: {  	[sflag:s12] =	ssyncset.done $0x0  }
0x17d: {  	[sflag:s12] =	ssyncadd.s32 $0xFFFFE000  }
0x17e: {  	_ =	swait.ge [sflag:s12], $0x400  }
0x17f: {  	[sflag:s12] =	ssyncset.done $0x0  }
0x180: {  	s0 =	rddreg [dreg:$0xf];
	[sflag:s12] =	ssyncadd.s32 $0xFFFFFC00  }
0x181: {  	[hbm4b:s0+s2] =	stream.linear.scatter [tilespmem:s9], [sflag:$0x3], $0x2000, $0x38;
	[tilespmem:$0x7C00] =	vst v63  }
0x182: {  	_ =	swait.ge [sflag:s5], $0x2000  }
0x183: {  	[sflag:s5] =	ssyncset.done $0x0  }
0x184: {  	s0 =	rddreg [dreg:$0x10];
	[sflag:s5] =	ssyncadd.s32 $0xFFFFE000  }
0x185: {  	[hbm4b:s0+s2] =	stream.linear.scatter [tilespmem:s8], [sflag:$0x3], $0x400, $0x38;
	[tilespmem:$0x7C00] =	vst v63  }
0x186: {  	_ =	swait.ge [sflag:s5], $0x400  }
0x187: {  	[sflag:s5] =	ssyncset.done $0x0  }
0x188: {  	[sflag:s5] =	ssyncadd.s32 $0xFFFFFC00  }
0x189: {  	[tilespmem:s9], [sflag:$0x1] =	stream.indirect.gather [hbm4b:s3+s17], $0x8, s24, s17, $0xb8;
	[tilespmem:$0x7C00] =	vst v63  }
0x18a: {  	_ = 	snop  }
0x18b: {  	[tilespmem:s8], [sflag:$0x1] =	stream.indirect.gather [hbm4b:s4+s17], $0x1, s24, s17, $0xb8;
	[tilespmem:$0x7C00] =	vst v63  }
0x18c: {  	_ =	swait.ge [sflag:s18], $0x2000  }
0x18d: {  	[sflag:s18] =	ssyncset.done $0x0  }
0x18e: {  	[sflag:s18] =	ssyncadd.s32 $0xFFFFE000  }
0x18f: {  	_ =	swait.ge [sflag:s18], $0x400  }
0x190: {  	[sflag:s18] =	ssyncset.done $0x0  }
0x191: {  	s0 =	rddreg [dreg:$0x11];
	[sflag:s18] =	ssyncadd.s32 $0xFFFFFC00  }
0x192: {  	[hbm4b:s0+s2] =	stream.linear.scatter [tilespmem:s16], [sflag:$0x3], $0x2000, $0x38;
	[tilespmem:$0x7C00] =	vst v63  }
0x193: {  	_ =	swait.ge [sflag:s5], $0x2000  }
0x194: {  	[sflag:s5] =	ssyncset.done $0x0  }
0x195: {  	s0 =	rddreg [dreg:$0x12];
	[sflag:s5] =	ssyncadd.s32 $0xFFFFE000  }
0x196: {  	[hbm4b:s0+s2] =	stream.linear.scatter [tilespmem:s13], [sflag:$0x3], $0x400, $0x38;
	[tilespmem:$0x7C00] =	vst v63  }
0x197: {  	_ =	swait.ge [sflag:s5], $0x400  }
0x198: {  	[sflag:s5] =	ssyncset.done $0x0  }
0x199: {  	[sflag:s5] =	ssyncadd.s32 $0xFFFFFC00  }
0x19a: {  	[tilespmem:s16], [sflag:$0x2] =	stream.indirect.gather [hbm4b:s3+s17], $0x8, s23, s17, $0xb8;
	[tilespmem:$0x7C00] =	vst v63  }
0x19b: {  	_ = 	snop  }
0x19c: {  	[tilespmem:s13], [sflag:$0x2] =	stream.indirect.gather [hbm4b:s4+s17], $0x1, s23, s17, $0xb8;
	[tilespmem:$0x7C00] =	vst v63  }
0x19d: {  	_ =	swait.ge [sflag:s12], $0x2000  }
0x19e: {  	[sflag:s12] =	ssyncset.done $0x0  }
0x19f: {  	[sflag:s12] =	ssyncadd.s32 $0xFFFFE000  }
0x1a0: {  	_ =	swait.ge [sflag:s12], $0x400  }
0x1a1: {  	[sflag:s12] =	ssyncset.done $0x0  }
0x1a2: {  	s0 =	rddreg [dreg:$0x13];
	[sflag:s12] =	ssyncadd.s32 $0xFFFFFC00  }
0x1a3: {  	[hbm4b:s0+s2] =	stream.linear.scatter [tilespmem:s9], [sflag:$0x3], $0x2000, $0x38;
	[tilespmem:$0x7C00] =	vst v63  }
0x1a4: {  	_ =	swait.ge [sflag:s5], $0x2000  }
0x1a5: {  	[sflag:s5] =	ssyncset.done $0x0  }
0x1a6: {  	s0 =	rddreg [dreg:$0x14];
	[sflag:s5] =	ssyncadd.s32 $0xFFFFE000  }
0x1a7: {  	[hbm4b:s0+s2] =	stream.linear.scatter [tilespmem:s8], [sflag:$0x3], $0x400, $0x38;
	[tilespmem:$0x7C00] =	vst v63  }
0x1a8: {  	_ =	swait.ge [sflag:s5], $0x400  }
0x1a9: {  	[sflag:s5] =	ssyncset.done $0x0  }
0x1aa: {  	[sflag:s5] =	ssyncadd.s32 $0xFFFFFC00  }
0x1ab: {  	[tilespmem:s9], [sflag:$0x1] =	stream.indirect.gather [hbm4b:s3+s17], $0x8, s22, s17, $0xb8;
	[tilespmem:$0x7C00] =	vst v63  }
0x1ac: {  	_ = 	snop  }
0x1ad: {  	[tilespmem:s8], [sflag:$0x1] =	stream.indirect.gather [hbm4b:s4+s17], $0x1, s22, s17, $0xb8;
	[tilespmem:$0x7C00] =	vst v63  }
0x1ae: {  	_ =	swait.ge [sflag:s18], $0x2000  }
0x1af: {  	[sflag:s18] =	ssyncset.done $0x0  }
0x1b0: {  	[sflag:s18] =	ssyncadd.s32 $0xFFFFE000  }
0x1b1: {  	_ =	swait.ge [sflag:s18], $0x400  }
0x1b2: {  	[sflag:s18] =	ssyncset.done $0x0  }
0x1b3: {  	s0 =	rddreg [dreg:$0x15];
	[sflag:s18] =	ssyncadd.s32 $0xFFFFFC00  }
0x1b4: {  	[hbm4b:s0+s2] =	stream.linear.scatter [tilespmem:s16], [sflag:$0x3], $0x2000, $0x38;
	[tilespmem:$0x7C00] =	vst v63  }
0x1b5: {  	_ =	swait.ge [sflag:s5], $0x2000  }
0x1b6: {  	[sflag:s5] =	ssyncset.done $0x0  }
0x1b7: {  	[sflag:s5] =	ssyncadd.s32 $0xFFFFE000  }
0x1b8: {  	[hbm4b:s19+s2] =	stream.linear.scatter [tilespmem:s13], [sflag:$0x3], $0x400, $0x38;
	[tilespmem:$0x7C00] =	vst v63  }
0x1b9: {  	_ =	swait.ge [sflag:s5], $0x400  }
0x1ba: {  	[sflag:s5] =	ssyncset.done $0x0  }
0x1bb: {  	[sflag:s5] =	ssyncadd.s32 $0xFFFFFC00  }
0x1bc: {  	[tilespmem:s16], [sflag:$0x2] =	stream.indirect.gather [hbm4b:s3+s17], $0x8, s21, s17, $0xb8;
	[tilespmem:$0x7C00] =	vst v63  }
0x1bd: {  	_ = 	snop  }
0x1be: {  	[tilespmem:s13], [sflag:$0x2] =	stream.indirect.gather [hbm4b:s4+s17], $0x1, s21, s17, $0xb8;
	[tilespmem:$0x7C00] =	vst v63  }
0x1bf: {  	_ =	swait.ge [sflag:s12], $0x2000  }
0x1c0: {  	[sflag:s12] =	ssyncset.done $0x0  }
0x1c1: {  	[sflag:s12] =	ssyncadd.s32 $0xFFFFE000  }
0x1c2: {  	_ =	swait.ge [sflag:s12], $0x400  }
0x1c3: {  	[sflag:s12] =	ssyncset.done $0x0  }
0x1c4: {  	[sflag:s12] =	ssyncadd.s32 $0xFFFFFC00  }
0x1c5: {  	[hbm4b:s15+s2] =	stream.linear.scatter [tilespmem:s9], [sflag:$0x3], $0x2000, $0x38;
	[tilespmem:$0x7C00] =	vst v63  }
0x1c6: {  	_ =	swait.ge [sflag:s5], $0x2000  }
0x1c7: {  	[sflag:s5] =	ssyncset.done $0x0  }
0x1c8: {  	[sflag:s5] =	ssyncadd.s32 $0xFFFFE000  }
0x1c9: {  	[hbm4b:s14+s2] =	stream.linear.scatter [tilespmem:s8], [sflag:$0x3], $0x400, $0x38;
	[tilespmem:$0x7C00] =	vst v63  }
0x1ca: {  	_ =	swait.ge [sflag:s5], $0x400  }
0x1cb: {  	[sflag:s5] =	ssyncset.done $0x0  }
0x1cc: {  	[sflag:s5] =	ssyncadd.s32 $0xFFFFFC00  }
0x1cd: {  	[tilespmem:s9], [sflag:$0x1] =	stream.indirect.gather [hbm4b:s3+s17], $0x8, s20, s17, $0xb8;
	[tilespmem:$0x7C00] =	vst v63  }
0x1ce: {  	_ = 	snop  }
0x1cf: {  	[tilespmem:s8], [sflag:$0x1] =	stream.indirect.gather [hbm4b:s4+s17], $0x1, s20, s17, $0xb8;
	[tilespmem:$0x7C00] =	vst v63  }
0x1d0: {  	_ =	swait.ge [sflag:s18], $0x2000  }
0x1d1: {  	[sflag:s18] =	ssyncset.done $0x0  }
0x1d2: {  	[sflag:s18] =	ssyncadd.s32 $0xFFFFE000  }
0x1d3: {  	_ =	swait.ge [sflag:s18], $0x400  }
0x1d4: {  	[sflag:s18] =	ssyncset.done $0x0  }
0x1d5: {  	[sflag:s18] =	ssyncadd.s32 $0xFFFFFC00  }
0x1d6: {  	[hbm4b:s11+s2] =	stream.linear.scatter [tilespmem:s16], [sflag:$0x3], $0x2000, $0x38;
	[tilespmem:$0x7C00] =	vst v63  }
0x1d7: {  	_ =	swait.ge [sflag:s5], $0x2000  }
0x1d8: {  	[sflag:s5] =	ssyncset.done $0x0  }
0x1d9: {  	[sflag:s5] =	ssyncadd.s32 $0xFFFFE000  }
0x1da: {  	[hbm4b:s10+s2] =	stream.linear.scatter [tilespmem:s13], [sflag:$0x3], $0x400, $0x38;
	[tilespmem:$0x7C00] =	vst v63  }
0x1db: {  	_ =	swait.ge [sflag:s5], $0x400  }
0x1dc: {  	[sflag:s5] =	ssyncset.done $0x0  }
0x1dd: {  	[sflag:s5] =	ssyncadd.s32 $0xFFFFFC00  }
0x1de: {  	_ =	swait.ge [sflag:s12], $0x2000  }
0x1df: {  	[sflag:s12] =	ssyncset.done $0x0  }
0x1e0: {  	[sflag:s12] =	ssyncadd.s32 $0xFFFFE000  }
0x1e1: {  	_ =	swait.ge [sflag:s12], $0x400  }
0x1e2: {  	[sflag:s12] =	ssyncset.done $0x0  }
0x1e3: {  	[sflag:s12] =	ssyncadd.s32 $0xFFFFFC00  }
0x1e4: {  	[hbm4b:s7+s2] =	stream.linear.scatter [tilespmem:s9], [sflag:$0x3], $0x2000, $0x38;
	[tilespmem:$0x7C00] =	vst v63  }
0x1e5: {  	p1 =	sne.s32 s1, $0x1;
	_ =	swait.ge [sflag:s5], $0x2000  }
.Ltmp2:
0x1e6: {  	[sflag:s5] =	ssyncset.done $0x0;
	(pc) =	sbr.rel @p1 .LBB2_2-.Ltmp2, $4  }
0x1e7: {  	[sflag:s5] =	ssyncadd.s32 $0xFFFFE000  }
0x1e8: {  	[hbm4b:s6+s2] =	stream.linear.scatter [tilespmem:s8], [sflag:$0x3], $0x400, $0x38;
	[tilespmem:$0x7C00] =	vst v63  }
0x1e9: {  	_ =	swait.ge [sflag:s5], $0x400  }
0x1ea: {  	s1 =	sadd.s32 $0xFFFFFFFF, s1;
	s0 =	rddreg [dreg:$0x2];
	[sflag:s5] =	ssyncset.done $0x0  }
.LBB2_3:
0x1eb: {  	[sflag:s5] =	ssyncadd.s32 @p0 $0xFFFFFC00  }
0x1ec: {  	[tilespmem:s2], [sflag:$0x3] =	stream.linear.gather [hbm4b:s0+s2], $0x3400, $0x38;
	[tilespmem:$0x7C00] =	vst v63  }
0x1ed: {  	_ =	swait.ge [sflag:s5], $0x3400  }
0x1ee: {  	[sflag:s5] =	ssyncset.done $0x0  }
0x1ef: {  	[sflag:s5] =	ssyncadd.s32 $0xFFFFCC00  }
0x1f0: {  	[tilespmem:s9], [sflag:$0x1] =	stream.indirect.gather [hbm4b:s3+s17], $0x8, s2, s17, $0xb8;
	[tilespmem:$0x7C00] =	vst v63  }
0x1f1: {  	_ = 	snop  }
0x1f2: {  	[tilespmem:s8], [sflag:$0x1] =	stream.indirect.gather [hbm4b:s4+s17], $0x1, s2, s17, $0xb8;
	[tilespmem:$0x7C00] =	vst v63  }
0x1f3: {  	_ = 	snop  }
0x1f4: {  	[tilespmem:s16], [sflag:$0x2] =	stream.indirect.gather [hbm4b:s3+s17], $0x8, s17, s17, $0xb8;
	[tilespmem:$0x7C00] =	vst v63  }
0x1f5: {  	_ = 	snop  }
0x1f6: {  	[tilespmem:s13], [sflag:$0x2] =	stream.indirect.gather [hbm4b:s4+s17], $0x1, s17, s17, $0xb8;
	[tilespmem:$0x7C00] =	vst v63  }
0x1f7: {  	_ =	swait.ge [sflag:s12], $0x2000  }
0x1f8: {  	[sflag:s12] =	ssyncset.done $0x0  }
0x1f9: {  	[sflag:s12] =	ssyncadd.s32 $0xFFFFE000  }
0x1fa: {  	_ =	swait.ge [sflag:s12], $0x400  }
0x1fb: {  	[sflag:s12] =	ssyncset.done $0x0  }
0x1fc: {  	s1 =	rddreg [dreg:$0x3];
	[sflag:s12] =	ssyncadd.s32 $0xFFFFFC00  }
0x1fd: {  	[hbm4b:s1+s2] =	stream.linear.scatter [tilespmem:s9], [sflag:$0x3], $0x2000, $0x38;
	[tilespmem:$0x7C00] =	vst v63  }
0x1fe: {  	_ =	swait.ge [sflag:s5], $0x2000  }
0x1ff: {  	[sflag:s5] =	ssyncset.done $0x0  }
0x200: {  	s1 =	rddreg [dreg:$0x4];
	[sflag:s5] =	ssyncadd.s32 $0xFFFFE000  }
0x201: {  	[hbm4b:s1+s2] =	stream.linear.scatter [tilespmem:s8], [sflag:$0x3], $0x400, $0x38;
	[tilespmem:$0x7C00] =	vst v63  }
0x202: {  	_ =	swait.ge [sflag:s5], $0x400  }
0x203: {  	[sflag:s5] =	ssyncset.done $0x0  }
0x204: {  	[sflag:s5] =	ssyncadd.s32 $0xFFFFFC00  }
0x205: {  	[tilespmem:s9], [sflag:$0x1] =	stream.indirect.gather [hbm4b:s3+s17], $0x8, s31, s17, $0xb8;
	[tilespmem:$0x7C00] =	vst v63  }
0x206: {  	_ = 	snop  }
0x207: {  	[tilespmem:s8], [sflag:$0x1] =	stream.indirect.gather [hbm4b:s4+s17], $0x1, s31, s17, $0xb8;
	[tilespmem:$0x7C00] =	vst v63  }
0x208: {  	_ =	swait.ge [sflag:s18], $0x2000  }
0x209: {  	[sflag:s18] =	ssyncset.done $0x0  }
0x20a: {  	[sflag:s18] =	ssyncadd.s32 $0xFFFFE000  }
0x20b: {  	_ =	swait.ge [sflag:s18], $0x400  }
0x20c: {  	[sflag:s18] =	ssyncset.done $0x0  }
0x20d: {  	s31 =	rddreg [dreg:$0x5];
	[sflag:s18] =	ssyncadd.s32 $0xFFFFFC00  }
0x20e: {  	[hbm4b:s31+s2] =	stream.linear.scatter [tilespmem:s16], [sflag:$0x3], $0x2000, $0x38;
	[tilespmem:$0x7C00] =	vst v63  }
0x20f: {  	_ =	swait.ge [sflag:s5], $0x2000  }
0x210: {  	[sflag:s5] =	ssyncset.done $0x0  }
0x211: {  	s1 =	rddreg [dreg:$0x6];
	[sflag:s5] =	ssyncadd.s32 $0xFFFFE000  }
0x212: {  	[hbm4b:s1+s2] =	stream.linear.scatter [tilespmem:s13], [sflag:$0x3], $0x400, $0x38;
	[tilespmem:$0x7C00] =	vst v63  }
0x213: {  	_ =	swait.ge [sflag:s5], $0x400  }
0x214: {  	[sflag:s5] =	ssyncset.done $0x0  }
0x215: {  	[sflag:s5] =	ssyncadd.s32 $0xFFFFFC00  }
0x216: {  	[tilespmem:s16], [sflag:$0x2] =	stream.indirect.gather [hbm4b:s3+s17], $0x8, s30, s17, $0xb8;
	[tilespmem:$0x7C00] =	vst v63  }
0x217: {  	_ = 	snop  }
0x218: {  	[tilespmem:s13], [sflag:$0x2] =	stream.indirect.gather [hbm4b:s4+s17], $0x1, s30, s17, $0xb8;
	[tilespmem:$0x7C00] =	vst v63  }
0x219: {  	_ =	swait.ge [sflag:s12], $0x2000  }
0x21a: {  	[sflag:s12] =	ssyncset.done $0x0  }
0x21b: {  	[sflag:s12] =	ssyncadd.s32 $0xFFFFE000  }
0x21c: {  	_ =	swait.ge [sflag:s12], $0x400  }
0x21d: {  	[sflag:s12] =	ssyncset.done $0x0  }
0x21e: {  	s31 =	rddreg [dreg:$0x7];
	[sflag:s12] =	ssyncadd.s32 $0xFFFFFC00  }
0x21f: {  	[hbm4b:s31+s2] =	stream.linear.scatter [tilespmem:s9], [sflag:$0x3], $0x2000, $0x38;
	[tilespmem:$0x7C00] =	vst v63  }
0x220: {  	_ =	swait.ge [sflag:s5], $0x2000  }
0x221: {  	[sflag:s5] =	ssyncset.done $0x0  }
0x222: {  	s1 =	rddreg [dreg:$0x8];
	[sflag:s5] =	ssyncadd.s32 $0xFFFFE000  }
0x223: {  	[hbm4b:s1+s2] =	stream.linear.scatter [tilespmem:s8], [sflag:$0x3], $0x400, $0x38;
	[tilespmem:$0x7C00] =	vst v63  }
0x224: {  	_ =	swait.ge [sflag:s5], $0x400  }
0x225: {  	[sflag:s5] =	ssyncset.done $0x0  }
0x226: {  	[sflag:s5] =	ssyncadd.s32 $0xFFFFFC00  }
0x227: {  	[tilespmem:s9], [sflag:$0x1] =	stream.indirect.gather [hbm4b:s3+s17], $0x8, s29, s17, $0xb8;
	[tilespmem:$0x7C00] =	vst v63  }
0x228: {  	_ = 	snop  }
0x229: {  	[tilespmem:s8], [sflag:$0x1] =	stream.indirect.gather [hbm4b:s4+s17], $0x1, s29, s17, $0xb8;
	[tilespmem:$0x7C00] =	vst v63  }
0x22a: {  	_ =	swait.ge [sflag:s18], $0x2000  }
0x22b: {  	[sflag:s18] =	ssyncset.done $0x0  }
0x22c: {  	[sflag:s18] =	ssyncadd.s32 $0xFFFFE000  }
0x22d: {  	_ =	swait.ge [sflag:s18], $0x400  }
0x22e: {  	[sflag:s18] =	ssyncset.done $0x0  }
0x22f: {  	s30 =	rddreg [dreg:$0x9];
	[sflag:s18] =	ssyncadd.s32 $0xFFFFFC00  }
0x230: {  	[hbm4b:s30+s2] =	stream.linear.scatter [tilespmem:s16], [sflag:$0x3], $0x2000, $0x38;
	[tilespmem:$0x7C00] =	vst v63  }
0x231: {  	_ =	swait.ge [sflag:s5], $0x2000  }
0x232: {  	[sflag:s5] =	ssyncset.done $0x0  }
0x233: {  	s31 =	rddreg [dreg:$0xa];
	[sflag:s5] =	ssyncadd.s32 $0xFFFFE000  }
0x234: {  	[hbm4b:s31+s2] =	stream.linear.scatter [tilespmem:s13], [sflag:$0x3], $0x400, $0x38;
	[tilespmem:$0x7C00] =	vst v63  }
0x235: {  	_ =	swait.ge [sflag:s5], $0x400  }
0x236: {  	[sflag:s5] =	ssyncset.done $0x0  }
0x237: {  	[sflag:s5] =	ssyncadd.s32 $0xFFFFFC00  }
0x238: {  	[tilespmem:s16], [sflag:$0x2] =	stream.indirect.gather [hbm4b:s3+s17], $0x8, s28, s17, $0xb8;
	[tilespmem:$0x7C00] =	vst v63  }
0x239: {  	_ = 	snop  }
0x23a: {  	[tilespmem:s13], [sflag:$0x2] =	stream.indirect.gather [hbm4b:s4+s17], $0x1, s28, s17, $0xb8;
	[tilespmem:$0x7C00] =	vst v63  }
0x23b: {  	_ =	swait.ge [sflag:s12], $0x2000  }
0x23c: {  	[sflag:s12] =	ssyncset.done $0x0  }
0x23d: {  	[sflag:s12] =	ssyncadd.s32 $0xFFFFE000  }
0x23e: {  	_ =	swait.ge [sflag:s12], $0x400  }
0x23f: {  	[sflag:s12] =	ssyncset.done $0x0  }
0x240: {  	s1 =	rddreg [dreg:$0xb];
	[sflag:s12] =	ssyncadd.s32 $0xFFFFFC00  }
0x241: {  	[hbm4b:s1+s2] =	stream.linear.scatter [tilespmem:s9], [sflag:$0x3], $0x2000, $0x38;
	[tilespmem:$0x7C00] =	vst v63  }
0x242: {  	_ =	swait.ge [sflag:s5], $0x2000  }
0x243: {  	[sflag:s5] =	ssyncset.done $0x0  }
0x244: {  	s28 =	rddreg [dreg:$0xc];
	[sflag:s5] =	ssyncadd.s32 $0xFFFFE000  }
0x245: {  	[hbm4b:s28+s2] =	stream.linear.scatter [tilespmem:s8], [sflag:$0x3], $0x400, $0x38;
	[tilespmem:$0x7C00] =	vst v63  }
0x246: {  	_ =	swait.ge [sflag:s5], $0x400  }
0x247: {  	[sflag:s5] =	ssyncset.done $0x0  }
0x248: {  	[sflag:s5] =	ssyncadd.s32 $0xFFFFFC00  }
0x249: {  	[tilespmem:s9], [sflag:$0x1] =	stream.indirect.gather [hbm4b:s3+s17], $0x8, s26, s17, $0xb8;
	[tilespmem:$0x7C00] =	vst v63  }
0x24a: {  	_ = 	snop  }
0x24b: {  	[tilespmem:s8], [sflag:$0x1] =	stream.indirect.gather [hbm4b:s4+s17], $0x1, s26, s17, $0xb8;
	[tilespmem:$0x7C00] =	vst v63  }
0x24c: {  	_ =	swait.ge [sflag:s18], $0x2000  }
0x24d: {  	[sflag:s18] =	ssyncset.done $0x0  }
0x24e: {  	[sflag:s18] =	ssyncadd.s32 $0xFFFFE000  }
0x24f: {  	_ =	swait.ge [sflag:s18], $0x400  }
0x250: {  	[sflag:s18] =	ssyncset.done $0x0  }
0x251: {  	s29 =	rddreg [dreg:$0xd];
	[sflag:s18] =	ssyncadd.s32 $0xFFFFFC00  }
0x252: {  	[hbm4b:s29+s2] =	stream.linear.scatter [tilespmem:s16], [sflag:$0x3], $0x2000, $0x38;
	[tilespmem:$0x7C00] =	vst v63  }
0x253: {  	_ =	swait.ge [sflag:s5], $0x2000  }
0x254: {  	[sflag:s5] =	ssyncset.done $0x0  }
0x255: {  	s30 =	rddreg [dreg:$0xe];
	[sflag:s5] =	ssyncadd.s32 $0xFFFFE000  }
0x256: {  	[hbm4b:s30+s2] =	stream.linear.scatter [tilespmem:s13], [sflag:$0x3], $0x400, $0x38;
	[tilespmem:$0x7C00] =	vst v63  }
0x257: {  	_ =	swait.ge [sflag:s5], $0x400  }
0x258: {  	[sflag:s5] =	ssyncset.done $0x0  }
0x259: {  	[sflag:s5] =	ssyncadd.s32 $0xFFFFFC00  }
0x25a: {  	[tilespmem:s16], [sflag:$0x2] =	stream.indirect.gather [hbm4b:s3+s17], $0x8, s25, s17, $0xb8;
	[tilespmem:$0x7C00] =	vst v63  }
0x25b: {  	_ = 	snop  }
0x25c: {  	[tilespmem:s13], [sflag:$0x2] =	stream.indirect.gather [hbm4b:s4+s17], $0x1, s25, s17, $0xb8;
	[tilespmem:$0x7C00] =	vst v63  }
0x25d: {  	_ =	swait.ge [sflag:s12], $0x2000  }
0x25e: {  	[sflag:s12] =	ssyncset.done $0x0  }
0x25f: {  	[sflag:s12] =	ssyncadd.s32 $0xFFFFE000  }
0x260: {  	_ =	swait.ge [sflag:s12], $0x400  }
0x261: {  	[sflag:s12] =	ssyncset.done $0x0  }
0x262: {  	s31 =	rddreg [dreg:$0xf];
	[sflag:s12] =	ssyncadd.s32 $0xFFFFFC00  }
0x263: {  	[hbm4b:s31+s2] =	stream.linear.scatter [tilespmem:s9], [sflag:$0x3], $0x2000, $0x38;
	[tilespmem:$0x7C00] =	vst v63  }
0x264: {  	_ =	swait.ge [sflag:s5], $0x2000  }
0x265: {  	[sflag:s5] =	ssyncset.done $0x0  }
0x266: {  	s1 =	rddreg [dreg:$0x10];
	[sflag:s5] =	ssyncadd.s32 $0xFFFFE000  }
0x267: {  	[hbm4b:s1+s2] =	stream.linear.scatter [tilespmem:s8], [sflag:$0x3], $0x400, $0x38;
	[tilespmem:$0x7C00] =	vst v63  }
0x268: {  	_ =	swait.ge [sflag:s5], $0x400  }
0x269: {  	[sflag:s5] =	ssyncset.done $0x0  }
0x26a: {  	[sflag:s5] =	ssyncadd.s32 $0xFFFFFC00  }
0x26b: {  	[tilespmem:s9], [sflag:$0x1] =	stream.indirect.gather [hbm4b:s3+s17], $0x8, s24, s17, $0xb8;
	[tilespmem:$0x7C00] =	vst v63  }
0x26c: {  	_ = 	snop  }
0x26d: {  	[tilespmem:s8], [sflag:$0x1] =	stream.indirect.gather [hbm4b:s4+s17], $0x1, s24, s17, $0xb8;
	[tilespmem:$0x7C00] =	vst v63  }
0x26e: {  	_ =	swait.ge [sflag:s18], $0x2000  }
0x26f: {  	[sflag:s18] =	ssyncset.done $0x0  }
0x270: {  	[sflag:s18] =	ssyncadd.s32 $0xFFFFE000  }
0x271: {  	_ =	swait.ge [sflag:s18], $0x400  }
0x272: {  	[sflag:s18] =	ssyncset.done $0x0  }
0x273: {  	s25 =	rddreg [dreg:$0x11];
	[sflag:s18] =	ssyncadd.s32 $0xFFFFFC00  }
0x274: {  	[hbm4b:s25+s2] =	stream.linear.scatter [tilespmem:s16], [sflag:$0x3], $0x2000, $0x38;
	[tilespmem:$0x7C00] =	vst v63  }
0x275: {  	_ =	swait.ge [sflag:s5], $0x2000  }
0x276: {  	[sflag:s5] =	ssyncset.done $0x0  }
0x277: {  	s26 =	rddreg [dreg:$0x12];
	[sflag:s5] =	ssyncadd.s32 $0xFFFFE000  }
0x278: {  	[hbm4b:s26+s2] =	stream.linear.scatter [tilespmem:s13], [sflag:$0x3], $0x400, $0x38;
	[tilespmem:$0x7C00] =	vst v63  }
0x279: {  	_ =	swait.ge [sflag:s5], $0x400  }
0x27a: {  	[sflag:s5] =	ssyncset.done $0x0  }
0x27b: {  	[sflag:s5] =	ssyncadd.s32 $0xFFFFFC00  }
0x27c: {  	[tilespmem:s16], [sflag:$0x2] =	stream.indirect.gather [hbm4b:s3+s17], $0x8, s23, s17, $0xb8;
	[tilespmem:$0x7C00] =	vst v63  }
0x27d: {  	_ = 	snop  }
0x27e: {  	[tilespmem:s13], [sflag:$0x2] =	stream.indirect.gather [hbm4b:s4+s17], $0x1, s23, s17, $0xb8;
	[tilespmem:$0x7C00] =	vst v63  }
0x27f: {  	_ =	swait.ge [sflag:s12], $0x2000  }
0x280: {  	[sflag:s12] =	ssyncset.done $0x0  }
0x281: {  	[sflag:s12] =	ssyncadd.s32 $0xFFFFE000  }
0x282: {  	_ =	swait.ge [sflag:s12], $0x400  }
0x283: {  	[sflag:s12] =	ssyncset.done $0x0  }
0x284: {  	s28 =	rddreg [dreg:$0x13];
	[sflag:s12] =	ssyncadd.s32 $0xFFFFFC00  }
0x285: {  	[hbm4b:s28+s2] =	stream.linear.scatter [tilespmem:s9], [sflag:$0x3], $0x2000, $0x38;
	[tilespmem:$0x7C00] =	vst v63  }
0x286: {  	_ =	swait.ge [sflag:s5], $0x2000  }
0x287: {  	[sflag:s5] =	ssyncset.done $0x0  }
0x288: {  	s29 =	rddreg [dreg:$0x14];
	[sflag:s5] =	ssyncadd.s32 $0xFFFFE000  }
0x289: {  	[hbm4b:s29+s2] =	stream.linear.scatter [tilespmem:s8], [sflag:$0x3], $0x400, $0x38;
	[tilespmem:$0x7C00] =	vst v63  }
0x28a: {  	_ =	swait.ge [sflag:s5], $0x400  }
0x28b: {  	[sflag:s5] =	ssyncset.done $0x0  }
0x28c: {  	[sflag:s5] =	ssyncadd.s32 $0xFFFFFC00  }
0x28d: {  	[tilespmem:s9], [sflag:$0x1] =	stream.indirect.gather [hbm4b:s3+s17], $0x8, s22, s17, $0xb8;
	[tilespmem:$0x7C00] =	vst v63  }
0x28e: {  	_ = 	snop  }
0x28f: {  	[tilespmem:s8], [sflag:$0x1] =	stream.indirect.gather [hbm4b:s4+s17], $0x1, s22, s17, $0xb8;
	[tilespmem:$0x7C00] =	vst v63  }
0x290: {  	_ =	swait.ge [sflag:s18], $0x2000  }
0x291: {  	[sflag:s18] =	ssyncset.done $0x0  }
0x292: {  	[sflag:s18] =	ssyncadd.s32 $0xFFFFE000  }
0x293: {  	_ =	swait.ge [sflag:s18], $0x400  }
0x294: {  	[sflag:s18] =	ssyncset.done $0x0  }
0x295: {  	s30 =	rddreg [dreg:$0x15];
	[sflag:s18] =	ssyncadd.s32 $0xFFFFFC00  }
0x296: {  	[hbm4b:s30+s2] =	stream.linear.scatter [tilespmem:s16], [sflag:$0x3], $0x2000, $0x38;
	[tilespmem:$0x7C00] =	vst v63  }
0x297: {  	_ =	swait.ge [sflag:s5], $0x2000  }
0x298: {  	[sflag:s5] =	ssyncset.done $0x0  }
0x299: {  	[sflag:s5] =	ssyncadd.s32 $0xFFFFE000  }
0x29a: {  	[hbm4b:s19+s2] =	stream.linear.scatter [tilespmem:s13], [sflag:$0x3], $0x400, $0x38;
	[tilespmem:$0x7C00] =	vst v63  }
0x29b: {  	_ =	swait.ge [sflag:s5], $0x400  }
0x29c: {  	[sflag:s5] =	ssyncset.done $0x0  }
0x29d: {  	[sflag:s5] =	ssyncadd.s32 $0xFFFFFC00  }
0x29e: {  	[tilespmem:s16], [sflag:$0x2] =	stream.indirect.gather [hbm4b:s3+s17], $0x8, s21, s17, $0xb8;
	[tilespmem:$0x7C00] =	vst v63  }
0x29f: {  	_ = 	snop  }
0x2a0: {  	[tilespmem:s13], [sflag:$0x2] =	stream.indirect.gather [hbm4b:s4+s17], $0x1, s21, s17, $0xb8;
	[tilespmem:$0x7C00] =	vst v63  }
0x2a1: {  	_ =	swait.ge [sflag:s12], $0x2000  }
0x2a2: {  	[sflag:s12] =	ssyncset.done $0x0  }
0x2a3: {  	[sflag:s12] =	ssyncadd.s32 $0xFFFFE000  }
0x2a4: {  	_ =	swait.ge [sflag:s12], $0x400  }
0x2a5: {  	[sflag:s12] =	ssyncset.done $0x0  }
0x2a6: {  	[sflag:s12] =	ssyncadd.s32 $0xFFFFFC00  }
0x2a7: {  	[hbm4b:s15+s2] =	stream.linear.scatter [tilespmem:s9], [sflag:$0x3], $0x2000, $0x38;
	[tilespmem:$0x7C00] =	vst v63  }
0x2a8: {  	_ =	swait.ge [sflag:s5], $0x2000  }
0x2a9: {  	[sflag:s5] =	ssyncset.done $0x0  }
0x2aa: {  	[sflag:s5] =	ssyncadd.s32 $0xFFFFE000  }
0x2ab: {  	[hbm4b:s14+s2] =	stream.linear.scatter [tilespmem:s8], [sflag:$0x3], $0x400, $0x38;
	[tilespmem:$0x7C00] =	vst v63  }
0x2ac: {  	_ =	swait.ge [sflag:s5], $0x400  }
0x2ad: {  	[sflag:s5] =	ssyncset.done $0x0  }
0x2ae: {  	[sflag:s5] =	ssyncadd.s32 $0xFFFFFC00  }
0x2af: {  	[tilespmem:s9], [sflag:$0x1] =	stream.indirect.gather [hbm4b:s3+s17], $0x8, s20, s17, $0xb8;
	[tilespmem:$0x7C00] =	vst v63  }
0x2b0: {  	_ = 	snop  }
0x2b1: {  	[tilespmem:s8], [sflag:$0x1] =	stream.indirect.gather [hbm4b:s4+s17], $0x1, s20, s17, $0xb8;
	[tilespmem:$0x7C00] =	vst v63  }
0x2b2: {  	_ =	swait.ge [sflag:s18], $0x2000  }
0x2b3: {  	[sflag:s18] =	ssyncset.done $0x0  }
0x2b4: {  	[sflag:s18] =	ssyncadd.s32 $0xFFFFE000  }
0x2b5: {  	_ =	swait.ge [sflag:s18], $0x400  }
0x2b6: {  	[sflag:s18] =	ssyncset.done $0x0  }
0x2b7: {  	[sflag:s18] =	ssyncadd.s32 $0xFFFFFC00  }
0x2b8: {  	[hbm4b:s11+s2] =	stream.linear.scatter [tilespmem:s16], [sflag:$0x3], $0x2000, $0x38;
	[tilespmem:$0x7C00] =	vst v63  }
0x2b9: {  	_ =	swait.ge [sflag:s5], $0x2000  }
0x2ba: {  	[sflag:s5] =	ssyncset.done $0x0  }
0x2bb: {  	[sflag:s5] =	ssyncadd.s32 $0xFFFFE000  }
0x2bc: {  	[hbm4b:s10+s2] =	stream.linear.scatter [tilespmem:s13], [sflag:$0x3], $0x400, $0x38;
	[tilespmem:$0x7C00] =	vst v63  }
0x2bd: {  	_ =	swait.ge [sflag:s5], $0x400  }
0x2be: {  	[sflag:s5] =	ssyncset.done $0x0  }
0x2bf: {  	[sflag:s5] =	ssyncadd.s32 $0xFFFFFC00  }
0x2c0: {  	_ =	swait.ge [sflag:s12], $0x2000  }
0x2c1: {  	[sflag:s12] =	ssyncset.done $0x0  }
0x2c2: {  	[sflag:s12] =	ssyncadd.s32 $0xFFFFE000  }
0x2c3: {  	_ =	swait.ge [sflag:s12], $0x400  }
0x2c4: {  	[sflag:s12] =	ssyncset.done $0x0  }
0x2c5: {  	[sflag:s12] =	ssyncadd.s32 $0xFFFFFC00  }
0x2c6: {  	[hbm4b:s7+s2] =	stream.linear.scatter [tilespmem:s9], [sflag:$0x3], $0x2000, $0x38;
	[tilespmem:$0x7C00] =	vst v63  }
0x2c7: {  	_ =	swait.ge [sflag:s5], $0x2000  }
0x2c8: {  	[sflag:s5] =	ssyncset.done $0x0  }
0x2c9: {  	[sflag:s5] =	ssyncadd.s32 $0xFFFFE000  }
0x2ca: {  	[hbm4b:s6+s2] =	stream.linear.scatter [tilespmem:s8], [sflag:$0x3], $0x400, $0x38;
	[tilespmem:$0x7C00] =	vst v63  }
0x2cb: {  	_ =	swait.ge [sflag:s5], $0x400  }
0x2cc: {  	[sflag:s5] =	ssyncset.done $0x0  }
0x2cd: {  	[sflag:s5] =	ssyncadd.s32 $0xFFFFFC00  }
0x2ce: {  	_ =	sfence.sel $0x180000  }
0x2cf: {  	[bflag:$0x0] =	sbarrier.arrive $0xFFFF  }
0x2d0: {  	_ =	strace $0x9000004A  }
0x2d1: {  	s31 =	stileid.u32;
	[bflag:$0x2] =	sbarrier.arrive $0xFFFF  }
0x2d2: {  	p0 =	sne.s32 s31, $0x0;
	s0 =	rddreg [dreg:$0x1]  }
0x2d3: {  	s0 =	sadd.s32 @!p0 $0x100000, s0  }
0x2d4: {  	[sflag:s0] =	ssyncadd.tile.s32 @!p0 $0x1;
	_ =	shalt  }
.Lfunc_end2:
_tile_overlayer_lowered:
.L_overlay_start_2:
0x2d5: {  	(tag) =	ssettag $0x2  }
0x2d6: {  	s0 =	rddreg [dreg:$0x0];
	s2 =	stileid.u32  }
0x2d7: {  	s1 =	rddreg [dreg:$0x1];
	p0 =	sne.s32 s2, $0x0  }
0x2d8: {  	s3 =	rddreg [dreg:$0x2];
	[bflag:$0x3] =	sbarrier.arrive $0xFFFF;
	s2 =	simm.s32 @!p0 $0x1C03  }
0x2d9: {  	[timem:s3], [sflag:s2] =	dma.local @!p0 [hbm:s0], s1  }
0x2da: {  	s0 =	simm.s32 @!p0 $0x3  }
0x2db: {  	_ =	swait.ge @!p0 [sflag:s0], s1  }
0x2dc: {  	s1 =	ssub.s32 @!p0 $0x0, s1;
	[sflag:s0] =	ssyncset.done @!p0 $0x0  }
0x2dd: {  	[sflag:s0] =	ssyncadd.s32 @!p0 s1  }
0x2de: {  	[bflag:$0x3] =	sbarrier.arrive $0xFFFF  }
0x2df: {  	_ =	shalt  }

// kernel: sparse-core-data-format-call.cloned.1.call-start
scs
called_computation_lowered:
.L_overlay_start_0:
0x0: {  	s1 =	sld [smem:$0x3FD9]  }
0x1: {  	s2 =	sld [smem:$0x3FFE];
	_ =	sdelay $0x1  }
0x2: {  	s3 =	srdreg.scid  }
0x3: {  	s0 =	sand.u32 $0x1, s3  }
0x4: {  	s17 =	sshll.u32 s0, $0xA;
	s1 =	sadd.s32 s2, s1  }
0x5: {  	s1 =	sadd.s32 s1, s17  }
0x6: {  	[smem:$0x3FB8] =	sst s1  }
0x7: {  	_ = 	snop  }
0x8: {  	(tm) =	ssettm $0x1  }
0x9: {  	s18 =	sld [smem:$0x3FFB];
	_ =	sdelay $0x3  }
0xa: {  	_ =	strace s18  }
0xb: {  	s1 =	sld [smem:$0x3FFC];
	_ =	sdelay $0x3  }
0xc: {  	_ =	strace s1  }
0xd: {  	s1 =	sld [smem:$0x3FFD];
	_ =	sdelay $0x3  }
0xe: {  	_ =	strace s1  }
0xf: {  	_ =	strace $0x8FFFFFFF  }
0x10: {  	s19 =	sld [smem:$0x3FDB];
	_ =	sdelay $0x1  }
0x11: {  	s20 =	simm.s32 $_scs_section_size  }
0x12: {  	s4 =	simm.s32 $_size__tile_overlayer_lowered;
	s5 =	simm.s32 $_tile_overlayer_lowered  }
0x13: {  	s23 =	simm.s32 $0x1BFF;
	s22 =	sshll.u32 s5, $0x1;
	s1 =	sadd.s32 s20, s19  }
0x14: {  	s6 =	simm.s32 $0x0;
	s21 =	sshll.u32 s4, $0x1;
	s4 =	sadd.s32 s22, s1  }
0x15: {  	[timem:s6], [sflag:s23] =	dma.local [hbm:s4], s21  }
0x16: {  	_ =	swait.ge [sflag:s23], s21  }
0x17: {  	s2 =	ssub.s32 $0x0, s21;
	[sflag:s23] =	ssyncset.done $0x0  }
0x18: {  	[sflag:s23] =	ssyncadd.s32 s2;
	_ =	sdelay $0x1  }
0x19: {  	s24 =	simm.s32 $0x1B8B  }
0x1a: {  	_ =	swait.ge [sflag:s24], $0x1  }
0x1b: {  	[sflag:s24] =	ssyncset.done $0x0  }
0x1c: {  	s26 =	simm.s32 $0x1B8E;
	s25 =	sld [smem:$0x3FFE];
	[sflag:s24] =	ssyncadd.s32 $0xFFFFFFFF  }
0x1d: {  	s27 =	simm.s32 $execute0_lowered;
	[smem:$0x3FD2] =	sst s26  }
0x1e: {  	s4 =	sshll.u32 s27, $0x1;
	_ =	strace $0x80000046;
	[dreg:$0x1] =	wrdreg $0xFFFFFFFF  }
0x1f: {  	s28 =	simm.s32 $_size_execute0_lowered;
	s1 =	sadd.s32 s1, s4;
	[dreg:$0x0] =	wrdreg $0x0  }
0x20: {  	s4 =	sshll.u32 s28, $0x1;
	[dreg:$0x2] =	wrdreg s1  }
0x21: {  	[dreg:$0x3] =	wrdreg s4  }
0x22: {  	[dreg:$0x4] =	wrdreg $0xC0  }
0x23: {  	_ =	task [dreg:s6], $0x5FFFF  }
0x24: {  	[dreg:$0x1] =	wrdreg $0xFFFFFFFF  }
0x25: {  	[dreg:$0x0] =	wrdreg $0x60  }
0x26: {  	[dreg:$0x2] =	wrdreg s25  }
0x27: {  	[dreg:$0x3] =	wrdreg $0x9  }
0x28: {  	_ =	task.clear_ibuf [dreg:s6], $0x4FFFF;
	_ =	strace $0x90000046  }
0x29: {  	s29 =	simm.s32 $0x9;
	_ =	strace $0x80000048  }
0x2a: {  	_ =	swait.ge [sflag:s29], $0x1  }
0x2b: {  	[sflag:s29] =	ssyncadd.s32 $0xFFFFFFFF  }
0x2c: {  	_ =	strace $0x90000048  }
0x2d: {  	_ =	sfence  }
0x2e: {  	s30 =	sld [smem:$0x0];
	_ =	sdelay $0x2  }
0x2f: {  	s31 =	sshll.u32 s3, $0xD;
	s3 =	sshrl.u32 s3, $0x2  }
0x30: {  	s2 =	sand.u32 $0x4000, s31;
	s1 =	sadd.s32 s3, s30  }
0x31: {  	s0 =	sor.u32 s2, s0;
	s1 =	sshll.u32 s1, $0x11  }
0x32: {  	s0 =	sor.u32 s1, s0  }
0x33: {  	s0 =	sadd.s32 $0x8F2B, s0  }
0x34: {  	[sflag:s0] =	ssyncadd.remote.s32 $0x1  }
0x35: {  	_ =	sfence.sel $0xFFFF  }
0x36: {  	[dreg:$0x0] =	wrdreg $0xFFFFFFFF;
	(pc) =	sbr.abs _section_cstart, $3  }
0x37: {  	[dreg:$0x1] =	wrdreg $0xFFFFFFFF  }
0x38: {  	_ =	task.clear_ibuf [dreg:s6], $0x2FFFF;
	_ =	strace $0x9FFFFFFF  }
0x39: {  	(tm) =	ssettm $0x7FFFFFFF  }
tec
execute0_lowered:
.L_overlay_start_1:
0x0: {  	(tag) =	ssettag $0x1  }
0x1: {  	s0 =	srdreg.scid;
	s5 =	rddreg [dreg:$0x0];
	s6 =	simm.s32 $0x2  }
0x2: {  	s16 =	simm.s32 $0x0;
	p0 =	por $0x0, $0x0;
	s8 =	simm.s32 $0x80  }
0x3: {  	s17 =	simm.s32 $0x0;
	s18 =	simm.s32 $0x0;
	s1 =	sshll.u32 s0, $0x4  }
0x4: {  	s9 =	simm.s32 $0x0;
	s0 =	stileid.u32;
	s1 =	sand.u32 $0x10, s1  }
0x5: {  	s10 =	simm.s32 $0x0;
	s11 =	simm.s32 $0x0;
	s1 =	sor.u32 s0, s1  }
0x6: {  	s13 =	simm.s32 $0x0;
	s14 =	simm.s32 $0x0;
	s2 =	sshll.u32 s1, $0x8  }
.Ltmp0:
0x7: {  	s15 =	simm.s32 $0x0;
	s3 =	ssub.s32 $0x18600, s2;
	(pc) =	sbr.rel .LBB1_1-.Ltmp0, $4  }
0x8: {  	s1 =	rddreg [dreg:$0x1];
	_ =	strace $0x80000047;
	s4 =	sshrl.u32 s3, $0xD  }
0x9: {  	s12 =	smov.u32 s2;
	s3 =	simm.s32 $0x1;
	s7 =	smul.u32 $0x1A, s4  }
0xa: {  	s4 =	sadd.s32 $0x2C00, s5;
	[sflag:s3] =	ssyncpa.u1 $0x0;
	s5 =	sadd.s32 $0x27E200, s5  }
0xb: {  	[sflag:s6] =	ssyncpa.u1 $0x0;
	s6 =	sadd.s32 $0x1A, s7;
	s7 =	sadd.s32 $0x1B, s7  }
.LBB1_5:
0xc: {  	p1 =	slt.u32 s15, $0x2  }
0xd: {  	p2 =	sgt.s32 @!p1 s18, $0x19  }
0xe: {  	s19 =	smov.u32 s18;
	s20 =	sshra.s32 @!p1 s18, $0x1F;
	p2 =	por !p2, p1  }
0xf: {  	p3 =	sgt.s32 @!p1 s17, $0x70;
	s18 =	sand.u32 @!p1 s20, s18;
	s19 =	simm.s32 @p2 $0x19  }
0x10: {  	p3 =	por !p3, p1;
	s18 =	ssub.s32 @!p1 s19, s18  }
0x11: {  	s20 =	sshra.s32 @!p1 s17, $0x1F;
	s19 =	sadd.s32 @!p1 $0xFFFFFFE7, s18;
	s18 =	ssub.s32 @!p1 $0x1A, s18  }
0x12: {  	p2 =	sgt.s32 @!p1 s19, $0x0;
	s19 =	smov.u32 s17;
	s17 =	sand.u32 @!p1 s20, s17  }
0x13: {  	s20 =	smov.u32 s16;
	s19 =	simm.s32 @p3 $0x70;
	p3 =	sgt.s32 @!p1 s16, $0x185A0  }
0x14: {  	p3 =	por !p3, p1;
	s17 =	ssub.s32 @!p1 s19, s17;
	s19 =	sshra.s32 @!p1 s16, $0x1F  }
0x15: {  	s20 =	simm.s32 @p3 $0x185A0;
	s16 =	sand.u32 @!p1 s19, s16;
	s19 =	sadd.s32 @!p1 $0xFFFFFF90, s17  }
0x16: {  	p2 =	por !p2, p1;
	s16 =	ssub.s32 @!p1 s20, s16;
	p3 =	sgt.s32 @!p1 s19, $0xF  }
0x17: {  	s17 =	ssub.s32 @!p1 $0x80, s17;
	s19 =	sadd.s32 @!p1 $0xFFFE7A60, s16;
	p3 =	por !p3, p1  }
0x18: {  	s18 =	simm.s32 @!p2 $0x0;
	s17 =	simm.s32 @!p3 $0x0;
	p2 =	sgt.s32 @!p1 s19, $0xFF  }
0x19: {  	s16 =	ssub.s32 @!p1 $0x186A0, s16;
	p2 =	por !p2, p1;
	s17 =	smul.u32 @!p1 s18, s17  }
0x1a: {  	s20 =	smov.u32 s13;
	s19 =	sadd.s32 $0x2000, s12;
	s16 =	simm.s32 @!p2 $0x0  }
0x1b: {  	p2 =	sgt.s32 s19, $0x1869F;
	s16 =	smul.u32 @!p1 s16, s17;
	s17 =	sadd.s32 $0x10, s13  }
0x1c: {  	s20 =	smov.u32 @p2 s17  }
0x1d: {  	s19 =	smov.u32 @p2 s2;
	s17 =	simm.s32 $0x1;
	p2 =	sgt.s32 s20, $0xF  }
0x1e: {  	s17 =	simm.s32 @!p2 $0x0  }
0x1f: {  	p0 =	por !p0, !p0;
	s21 =	simm.s32 @!p1 $0x2;
	s23 =	sadd.s32 s17, s14  }
0x20: {  	s18 =	smov.u32 s11;
	s20 =	simm.s32 @p2 $0x0;
	p2 =	sgt.s32 s23, $0x19  }
0x21: {  	s16 =	sshrl.u32 @!p1 s16, $0x1;
	s23 =	simm.s32 @p2 $0x0;
	p2 =	sne.s32 s15, s7  }
.Ltmp1:
0x22: {  	s11 =	smov.u32 s14;
	s16 =	sand.u32 @!p1 $0x3FFFFFFF, s16;
	(pc) =	sbr.rel @!p2 .LBB1_6-.Ltmp1, $4  }
0x23: {  	_ =	swait.ge @!p1 [sflag:s21], s16;
	s22 =	ssub.s32 @!p1 $0x0, s16;
	s16 =	smov.u32 s9  }
0x24: {  	s17 =	smov.u32 s10;
	s9 =	smov.u32 s12;
	s10 =	smov.u32 s13  }
0x25: {  	s12 =	smov.u32 s19;
	s13 =	smov.u32 s20;
	[sflag:s21] =	ssyncset.done @!p1 $0x0  }
0x26: {  	s15 =	sadd.s32 $0x1, s15;
	[sflag:s21] =	ssyncadd.s32 @!p1 s22;
	s14 =	smov.u32 s23  }
.LBB1_1:
0x27: {  	p1 =	sge.u32 s15, s6  }
0x28: {  	s19 =	sshrl.u32 @!p1 s13, $0x3  }
0x29: {  	s20 =	sand.u32 @!p1 $0x1, s13;
	s21 =	sshll.u32 @!p1 s12, $0x3;
	s19 =	smul.u32 @!p1 $0xC3800, s19  }
0x2a: {  	s22 =	sshll.u32 @!p1 s13, $0x7;
	s23 =	sshll.u32 @!p1 s12, $0x1;
	s21 =	sand.u32 @!p1 $0xFFFFFC00, s21  }
0x2b: {  	s19 =	sadd.s32 @!p1 s19, s21;
	s21 =	sand.u32 @!p1 $0x300, s22;
	s22 =	sand.u32 @!p1 $0xFE, s23  }
0x2c: {  	s19 =	sor.u32 @!p1 s21, s19;
	s20 =	sor.u32 @!p1 s20, s22  }
0x2d: {  	s20 =	sor.u32 @!p1 s19, s20;
	s19 =	smulhi.u32 @!p1 $0xA79C7B17, s19  }
0x2e: {  	s21 =	smulhi.u32 @!p1 $0xA79C7B17, s20;
	_ =	sdelay $0x1  }
0x2f: {  	s22 =	smul.u32 @!p1 $0x18700, s14;
	s19 =	sshrl.u32 @!p1 s19, $0x10;
	s21 =	sshrl.u32 @!p1 s21, $0x10  }
0x30: {  	s19 =	sand.u32 @!p1 $0xF, s19;
	s21 =	smul.u32 @!p1 $0x18700, s21  }
0x31: {  	s19 =	smul.u32 @!p1 $0x1870, s19  }
0x32: {  	s23 =	sxor.u32 @!p1 $0xFFFFFFFF, s15;
	s20 =	ssub.s32 @!p1 s20, s21;
	s21 =	sadd.s32 @!p1 s4, s22  }
0x33: {  	s22 =	sshrl.u32 @!p1 s20, $0x4;
	s19 =	sadd.s32 @!p1 s19, s21;
	s20 =	sshll.u32 @!p1 s20, $0x11  }
0x34: {  	s21 =	sshll.u32 @!p1 s23, $0xB;
	s19 =	sadd.s32 @!p1 s22, s19;
	s20 =	sand.u32 @!p1 $0x1C0000, s20  }
0x35: {  	s21 =	sand.u32 @!p1 $0x800, s21;
	s22 =	simm.s32 @!p1 $0x61C00;
	s20 =	sor.u32 @!p1 $0x400, s20  }
0x36: {  	[tilespmem:s21], [sflag:$0x1] =	stream.strided.gather @!p1 [hbm4b:s19+s20], $0x800, s22, s20, $0x38;
	[tilespmem:$0x2100] =	vst v63  }
0x37: {  	p1 =	seq.s32 s15, $0x0  }
0x38: {  	p2 =	sge.u32 @!p1 s15, s7  }
0x39: {  	p1 =	por p1, p2  }
.Ltmp2:
0x3a: {  	_ = 	snop;
	(pc) =	sbr.rel @p1 .LBB1_5-.Ltmp2, $1  }
0x3b: {  	_ =	sdelay $0x3  }
0x3c: {  	s21 =	sand.u32 $0x1, s15;
	s19 =	simm.s32 $0x0  }
0x3d: {  	_ =	swait.ge [sflag:s3], $0x800;
	s20 =	sshll.u32 s21, $0xB;
	s22 =	sand.u32 $0x400, s19  }
0x3e: {  	[sflag:s3] =	ssyncset.done $0x0;
	s19 =	sand.u32 $0x180, s19;
	s22 =	sadd.s32 s22, s20  }
0x3f: {  	[sflag:s3] =	ssyncadd.s32 $0xFFFFF800;
	s22 =	sadd.s32 s19, s22  }
0x40: {  	v0 =	vld [tilespmem:s22+$0x260]  }
0x41: {  	v1 =	vld [tilespmem:s22+$0x270]  }
0x42: {  	v2 =	vld [tilespmem:s22+$0x0]  }
0x43: {  	v3 =	vld [tilespmem:s22+$0x10]  }
0x44: {  	v4 =	vld [tilespmem:s22+$0x20]  }
0x45: {  	s19 =	simm.s32 $0x1;
	v5 =	vld [tilespmem:s22+$0x30]  }
0x46: {  	s19 =	simm.s32 @!p0 $0x0;
	v6 =	vld [tilespmem:s22+$0x40]  }
0x47: {  	v7 =	vld [tilespmem:s22+$0x50];
	s19 =	smul.u32 $0x2200, s19;
	v1 =	vperm.xlane.i2c.b16 v1;
	v0 =	vperm.xlane.i2c.b16 v0  }
0x48: {  	v8 =	vld [tilespmem:s22+$0x60];
	v2 =	vperm.xlane.i2c.b16 v2;
	v3 =	vperm.xlane.i2c.b16 v3  }
0x49: {  	v10 =	vld [tilespmem:s22+$0x70];
	s19 =	sshrl.u32 s19, $0x2;
	v9 =	vcombine.low v0, v1;
	v0 =	vcombine.high v0, v1  }
0x4a: {  	s19 =	sor.u32 $0x1000, s19;
	v1 =	vperm.xlane.i2c.b16 v5;
	v5 =	vld [tilespmem:s22+$0x200];
	v11 =	vcombine.low v2, v3  }
0x4b: {  	v4 =	vperm.xlane.i2c.b16 v4;
	v2 =	vcombine.high v2, v3;
	v3 =	vld [tilespmem:s22+$0x210];
	[tilespmem:s19+$0x770 ss:$0x11] =	vst.msk $0xffff, v9  }
0x4c: {  	s23 =	simm.s32 $0x100;
	v6 =	vperm.xlane.i2c.b16 v6;
	v7 =	vperm.xlane.i2c.b16 v7;
	v9 =	vld [tilespmem:s22+$0x220];
	[tilespmem:s19+$0x0 ss:$0x11] =	vst.msk $0xffff, v11  }
0x4d: {  	s24 =	simm.s32 $0x80;
	s23 =	sand.u32 $0x400, s23;
	[tilespmem:s19+$0x771 ss:$0x11] =	vst.msk $0xffff, v0;
	v0 =	vcombine.low v4, v1;
	v1 =	vcombine.high v4, v1;
	v4 =	vld [tilespmem:s22+$0x230]  }
0x4e: {  	s25 =	sand.u32 $0x180, s24;
	s23 =	sadd.s32 s23, s20;
	[tilespmem:s19+$0x1 ss:$0x11] =	vst.msk $0xffff, v2;
	v2 =	vperm.xlane.i2c.b16 v8;
	v8 =	vperm.xlane.i2c.b16 v10;
	v10 =	vld [tilespmem:s22+$0x240]  }
0x4f: {  	s23 =	sadd.s32 s25, s23;
	[tilespmem:s19+$0x110 ss:$0x11] =	vst.msk $0xffff, v0;
	v0 =	vcombine.low v6, v7;
	v6 =	vcombine.high v6, v7;
	v7 =	vld [tilespmem:s22+$0x250]  }
0x50: {  	v11 =	vcombine.low v2, v8;
	v2 =	vcombine.high v2, v8;
	v8 =	vld [tilespmem:s23+$0x0];
	[tilespmem:s19+$0x111 ss:$0x11] =	vst.msk $0xffff, v1  }
0x51: {  	v1 =	vperm.xlane.i2c.b16 v5;
	v5 =	vld [tilespmem:s23+$0x260];
	[tilespmem:s19+$0x220 ss:$0x11] =	vst.msk $0xffff, v0;
	v0 =	vperm.xlane.i2c.b16 v3  }
0x52: {  	v3 =	vld [tilespmem:s23+$0x270];
	[tilespmem:s19+$0x221 ss:$0x11] =	vst.msk $0xffff, v6;
	v6 =	vperm.xlane.i2c.b16 v9  }
0x53: {  	[tilespmem:s19+$0x330 ss:$0x11] =	vst.msk $0xffff, v11;
	v11 =	vld [tilespmem:s23+$0x10];
	v4 =	vperm.xlane.i2c.b16 v4;
	v9 =	vcombine.low v1, v0  }
0x54: {  	v12 =	vcombine.high v1, v0;
	v0 =	vperm.xlane.i2c.b16 v10  }
0x55: {  	[tilespmem:s19+$0x331 ss:$0x11] =	vst.msk $0xffff, v2;
	v2 =	vld [tilespmem:s23+$0x20];
	v10 =	vcombine.low v6, v4;
	v1 =	vperm.xlane.i2c.b16 v7  }
0x56: {  	v7 =	vld [tilespmem:s23+$0x30];
	v4 =	vcombine.high v6, v4;
	[tilespmem:s19+$0x440 ss:$0x11] =	vst.msk $0xffff, v9;
	v5 =	vperm.xlane.i2c.b16 v5  }
0x57: {  	v9 =	vld [tilespmem:s23+$0x40];
	[tilespmem:s19+$0x441 ss:$0x11] =	vst.msk $0xffff, v12;
	v3 =	vperm.xlane.i2c.b16 v3;
	v12 =	vperm.xlane.i2c.b16 v8  }
0x58: {  	v13 =	vld [tilespmem:s23+$0x50];
	[tilespmem:s19+$0x550 ss:$0x11] =	vst.msk $0xffff, v10;
	v10 =	vcombine.low v0, v1;
	v11 =	vperm.xlane.i2c.b16 v11  }
0x59: {  	v6 =	vld [tilespmem:s23+$0x60];
	[tilespmem:s19+$0x551 ss:$0x11] =	vst.msk $0xffff, v4;
	v14 =	vcombine.low v5, v3  }
0x5a: {  	s31 =	smul.u32 $0x2200, s21;
	s21 =	sadd.s32 $0x2, s19;
	v8 =	vperm.xlane.i2c.b16 v2;
	v4 =	vld [tilespmem:s23+$0x70];
	[tilespmem:s19+$0x660 ss:$0x11] =	vst.msk $0xffff, v10;
	v15 =	vcombine.low v12, v11  }
0x5b: {  	v2 =	vcombine.high v5, v3;
	v5 =	vld [tilespmem:s23+$0x200];
	v10 =	vperm.xlane.i2c.b16 v7;
	[tilespmem:s21+$0x770 ss:$0x11] =	vst.msk $0xffff, v14  }
0x5c: {  	s22 =	sshrl.u32 s31, $0x2;
	v12 =	vcombine.high v12, v11;
	v3 =	vld [tilespmem:s23+$0x210];
	v7 =	vperm.xlane.i2c.b16 v9;
	[tilespmem:s21+$0x0 ss:$0x11] =	vst.msk $0xffff, v15  }
0x5d: {  	s26 =	simm.s32 $0x200;
	s25 =	simm.s32 $0x2;
	s22 =	sor.u32 $0x1000, s22;
	v9 =	vperm.xlane.i2c.b16 v13;
	[tilespmem:s21+$0x771 ss:$0x11] =	vst.msk $0xffff, v2;
	v11 =	vcombine.low v8, v10;
	v2 =	vld [tilespmem:s23+$0x220]  }
.LBB1_3:
0x5e: {  	s27 =	sand.u32 $0x400, s26;
	[tilespmem:s21+$0x1 ss:$0x11] =	vst.msk $0xffff, v12;
	v8 =	vcombine.high v8, v10;
	v6 =	vperm.xlane.i2c.b16 v6;
	v10 =	vld [tilespmem:s23+$0x230];
	s24 =	sadd.s32 $0x80, s24  }
0x5f: {  	s28 =	sand.u32 $0x180, s24;
	s27 =	sadd.s32 s27, s20;
	[tilespmem:s21+$0x110 ss:$0x11] =	vst.msk $0xffff, v11;
	v11 =	vcombine.low v7, v9;
	v4 =	vperm.xlane.i2c.b16 v4;
	v12 =	vld [tilespmem:s23+$0x240]  }
0x60: {  	s25 =	sadd.s32 $0x2, s25;
	v7 =	vcombine.high v7, v9;
	[tilespmem:s21+$0x111 ss:$0x11] =	vst.msk $0xffff, v8;
	v5 =	vperm.xlane.i2c.b16 v5;
	v8 =	vld [tilespmem:s23+$0x250];
	s23 =	sadd.s32 s28, s27  }
0x61: {  	p1 =	slt.u32 s25, $0xE;
	v9 =	vld [tilespmem:s23+$0x260];
	[tilespmem:s21+$0x220 ss:$0x11] =	vst.msk $0xffff, v11;
	v11 =	vcombine.low v6, v4;
	v3 =	vperm.xlane.i2c.b16 v3  }
0x62: {  	v4 =	vcombine.high v6, v4;
	v13 =	vld [tilespmem:s23+$0x270];
	[tilespmem:s21+$0x221 ss:$0x11] =	vst.msk $0xffff, v7;
	v2 =	vperm.xlane.i2c.b16 v2  }
0x63: {  	v6 =	vld [tilespmem:s23+$0x0];
	[tilespmem:s21+$0x330 ss:$0x11] =	vst.msk $0xffff, v11;
	v7 =	vcombine.low v5, v3;
	v10 =	vperm.xlane.i2c.b16 v10  }
0x64: {  	v3 =	vcombine.high v5, v3;
	v11 =	vld [tilespmem:s23+$0x10];
	[tilespmem:s21+$0x331 ss:$0x11] =	vst.msk $0xffff, v4;
	v4 =	vperm.xlane.i2c.b16 v12  }
0x65: {  	v5 =	vld [tilespmem:s23+$0x20];
	[tilespmem:s21+$0x440 ss:$0x11] =	vst.msk $0xffff, v7;
	v7 =	vcombine.low v2, v10;
	v8 =	vperm.xlane.i2c.b16 v8  }
0x66: {  	v2 =	vcombine.high v2, v10;
	v12 =	vld [tilespmem:s23+$0x30];
	[tilespmem:s21+$0x441 ss:$0x11] =	vst.msk $0xffff, v3;
	v3 =	vcombine.high v0, v1;
	v0 =	vmov v4  }
0x67: {  	v9 =	vperm.xlane.i2c.b16 v9;
	v14 =	vld [tilespmem:s23+$0x40];
	v10 =	vperm.xlane.i2c.b16 v13;
	[tilespmem:s21+$0x550 ss:$0x11] =	vst.msk $0xffff, v7;
	v1 =	vmov v8  }
0x68: {  	v7 =	vperm.xlane.i2c.b16 v6;
	v13 =	vld [tilespmem:s23+$0x50];
	[tilespmem:s21+$0x551 ss:$0x11] =	vst.msk $0xffff, v2;
	v2 =	vcombine.low v0, v1  }
.Ltmp3:
0x69: {  	v11 =	vperm.xlane.i2c.b16 v11;
	v6 =	vld [tilespmem:s23+$0x60];
	v15 =	vcombine.low v9, v10;
	[tilespmem:s19+$0x661 ss:$0x11] =	vst.msk $0xffff, v3;
	s19 =	smov.u32 s21;
	(pc) =	sbr.rel @p1 .LBB1_3-.Ltmp3, $4  }
0x6a: {  	v9 =	vcombine.high v9, v10;
	s21 =	sadd.s32 $0x2, s21;
	v8 =	vperm.xlane.i2c.b16 v5;
	v4 =	vld [tilespmem:s23+$0x70];
	[tilespmem:s19+$0x660 ss:$0x11] =	vst.msk $0xffff, v2  }
0x6b: {  	v2 =	vcombine.low v7, v11;
	v10 =	vperm.xlane.i2c.b16 v12;
	v5 =	vld [tilespmem:s23+$0x200];
	[tilespmem:s21+$0x770 ss:$0x11] =	vst.msk $0xffff, v15  }
0x6c: {  	v12 =	vcombine.high v7, v11;
	v7 =	vperm.xlane.i2c.b16 v14;
	v3 =	vld [tilespmem:s23+$0x210];
	[tilespmem:s21+$0x771 ss:$0x11] =	vst.msk $0xffff, v9  }
0x6d: {  	s26 =	sadd.s32 $0x100, s26;
	[tilespmem:s21+$0x0 ss:$0x11] =	vst.msk $0xffff, v2;
	v11 =	vcombine.low v8, v10;
	v9 =	vperm.xlane.i2c.b16 v13;
	v2 =	vld [tilespmem:s23+$0x220]  }
0x6e: {  	s20 =	sshll.u32 s9, $0x7;
	s24 =	sshll.u32 s10, $0x3  }
0x6f: {  	s28 =	sshll.u32 s10, $0x1;
	p1 =	sgt.s32 s11, $0x19;
	s30 =	sshra.s32 s11, $0x1F;
	v51 =	vld [tilespmem:s23+$0x230]  }
0x70: {  	s26 =	smov.u32 s10;
	s27 =	sshra.s32 s10, $0x1F;
	v53 =	vld [tilespmem:s23+$0x240];
	p2 =	sgt.s32 s9, $0x185A0  }
0x71: {  	v55 =	vld [tilespmem:s23+$0x250];
	s23 =	smov.u32 s9;
	s25 =	sand.u32 $0xFFFFFC00, s20;
	s24 =	sand.u32 $0xFFFFFC00, s24  }
0x72: {  	s20 =	sand.u32 $0x300, s20;
	s29 =	sand.u32 $0x80, s28;
	s24 =	sadd.s32 s24, s25  }
0x73: {  	s31 =	sand.u32 s27, s10;
	s23 =	simm.s32 @!p2 $0x185A0;
	s20 =	sor.u32 s20, s24  }
0x74: {  	s25 =	sand.u32 s30, s11;
	s24 =	smov.u32 s11;
	s20 =	sor.u32 s29, s20  }
0x75: {  	[tilespmem:s21+$0x1 ss:$0x11] =	vst.msk $0xffff, v12;
	v8 =	vcombine.high v8, v10;
	v6 =	vperm.xlane.i2c.b16 v6;
	s24 =	simm.s32 @!p1 $0x19;
	p1 =	sgt.s32 s10, $0x70;
	s20 =	sshrl.u32 s20, $0x7  }
0x76: {  	v0 =	vcombine.high v0, v1;
	[tilespmem:s21+$0x110 ss:$0x11] =	vst.msk $0xffff, v11;
	v52 =	vcombine.low v7, v9;
	s24 =	ssub.s32 s24, s25;
	s26 =	simm.s32 @!p1 $0x70;
	s28 =	smulhi.u32 $0x14F8B59, s20  }
0x77: {  	v4 =	vperm.xlane.i2c.b16 v4;
	v54 =	vcombine.high v7, v9;
	[tilespmem:s21+$0x111 ss:$0x11] =	vst.msk $0xffff, v8;
	s25 =	ssub.s32 s26, s31;
	s29 =	sadd.s32 $0xFFFFFFE7, s24;
	s31 =	sshra.s32 s9, $0x1F  }
0x78: {  	v5 =	vperm.xlane.i2c.b16 v5;
	[tilespmem:s19+$0x661 ss:$0x11] =	vst.msk $0xffff, v0;
	v3 =	vperm.xlane.i2c.b16 v3;
	s24 =	ssub.s32 $0x1A, s24;
	p1 =	sgt.s32 s29, $0x0;
	s30 =	sadd.s32 $0xFFFFFF90, s25  }
0x79: {  	[tilespmem:s21+$0x220 ss:$0x11] =	vst.msk $0xffff, v52;
	v56 =	vcombine.low v6, v4;
	v4 =	vcombine.high v6, v4;
	s26 =	sand.u32 s31, s9;
	s25 =	ssub.s32 $0x80, s25;
	s29 =	smul.u32 $0xC3500, s11  }
0x7a: {  	[tilespmem:s21+$0x221 ss:$0x11] =	vst.msk $0xffff, v54;
	v2 =	vperm.xlane.i2c.b16 v2;
	v57 =	vcombine.low v5, v3;
	p2 =	sgt.s32 s30, $0xF;
	s23 =	ssub.s32 s23, s26;
	s24 =	simm.s32 @p1 $0x0  }
0x7b: {  	[tilespmem:s21+$0x330 ss:$0x11] =	vst.msk $0xffff, v56;
	v58 =	vperm.xlane.i2c.b16 v51;
	v3 =	vcombine.high v5, v3;
	s27 =	sshrl.u32 s28, $0x9;
	s25 =	simm.s32 @p2 $0x0;
	s28 =	sadd.s32 $0xFFFE7A60, s23  }
0x7c: {  	v59 =	vperm.xlane.i2c.b16 v53;
	v61 =	vperm.xlane.i2c.b16 v55;
	[tilespmem:s21+$0x331 ss:$0x11] =	vst.msk $0xffff, v4;
	s23 =	ssub.s32 $0x186A0, s23;
	s24 =	smul.u32 s24, s25;
	p1 =	sgt.s32 s28, $0xFF  }
0x7d: {  	[tilespmem:s21+$0x440 ss:$0x11] =	vst.msk $0xffff, v57;
	v60 =	vcombine.low v2, v58;
	s30 =	smul.u32 $0x186A0, s27;
	s23 =	simm.s32 @p1 $0x0  }
0x7e: {  	s31 =	sshrl.u32 s10, $0x3;
	v62 =	vcombine.low v59, v61;
	[tilespmem:s21+$0x441 ss:$0x11] =	vst.msk $0xffff, v3;
	s23 =	smul.u32 s23, s24  }
.Ltmp4:
0x7f: {  	v2 =	vcombine.high v2, v58;
	[tilespmem:s21+$0x550 ss:$0x11] =	vst.msk $0xffff, v60;
	s27 =	sand.u32 $0x7, s31;
	s25 =	sadd.s32 s5, s29;
	(pc) =	sbr.rel .LBB1_5-.Ltmp4, $4  }
0x80: {  	v63 =	vcombine.high v59, v61;
	[tilespmem:s21+$0x660 ss:$0x11] =	vst.msk $0xffff, v62;
	s29 =	sand.u32 $0x7, s10;
	s19 =	ssub.s32 s20, s30;
	s28 =	sadd.s32 s27, s25  }
0x81: {  	[tilespmem:s21+$0x551 ss:$0x11] =	vst.msk $0xffff, v2;
	s19 =	sshll.u32 s19, $0x3;
	s24 =	sshll.u32 s29, $0x12;
	s23 =	sshrl.u32 s23, $0x1  }
0x82: {  	[tilespmem:s21+$0x661 ss:$0x11] =	vst.msk $0xffff, v63;
	s19 =	sadd.s32 s19, s28;
	s31 =	sor.u32 $0x10, s24;
	s30 =	sand.u32 $0x3FFFFFFF, s23  }
0x83: {  	[hbm4b:s19+s31] =	stream.strided.scatter [tilespmem:s22], [sflag:$0x2], s30, s8, s31, $0x8;
	[tilespmem:$0x2100] =	vst v63  }
.LBB1_6:
0x84: {  	_ =	sfence.sel $0x180000  }
0x85: {  	s2 =	simm.s32 $0x1;
	[bflag:$0x0] =	sbarrier.arrive $0xFFFF  }
0x86: {  	s31 =	simm.s32 $0x2;
	[sflag:s2] =	ssyncpa.u1 $0x1  }
0x87: {  	[sflag:s31] =	ssyncpa.u1 $0x1  }
0x88: {  	p0 =	sne.s32 s0, $0x0;
	_ =	strace $0x90000047  }
0x89: {  	s0 =	sadd.s32 @!p0 $0x100000, s1;
	[bflag:$0x2] =	sbarrier.arrive $0xFFFF  }
0x8a: {  	[sflag:s0] =	ssyncadd.tile.s32 @!p0 $0x1;
	_ =	shalt  }
.Lfunc_end1:
_tile_overlayer_lowered:
.L_overlay_start_2:
0x8b: {  	(tag) =	ssettag $0x2  }
0x8c: {  	s0 =	rddreg [dreg:$0x0];
	s2 =	stileid.u32  }
0x8d: {  	s1 =	rddreg [dreg:$0x1];
	p0 =	sne.s32 s2, $0x0  }
0x8e: {  	s3 =	rddreg [dreg:$0x2];
	[bflag:$0x3] =	sbarrier.arrive $0xFFFF;
	s2 =	simm.s32 @!p0 $0x1C01  }
0x8f: {  	[timem:s3], [sflag:s2] =	dma.local @!p0 [hbm:s0], s1  }
0x90: {  	s0 =	simm.s32 @!p0 $0x1  }
0x91: {  	_ =	swait.ge @!p0 [sflag:s0], s1  }
0x92: {  	s1 =	ssub.s32 @!p0 $0x0, s1;
	[sflag:s0] =	ssyncset.done @!p0 $0x0  }
0x93: {  	[sflag:s0] =	ssyncadd.s32 @!p0 s1  }
0x94: {  	[bflag:$0x3] =	sbarrier.arrive $0xFFFF  }
0x95: {  	_ =	shalt  }

</sc_bundles>
